<compile_context>
chip_gen: v7x
topology: tpu7x:2x2x1
jax: 0.10.2.dev20260603
libtpu: 0.0.44.dev20260713+nightly
codegen_flags: <defaults>
</compile_context>

<pallas_src>
import functools

import jax
import jax.numpy as jnp
from jax import lax
from jax.experimental import pallas as pl
from jax.experimental.pallas import tpu as pltpu
from jax.experimental.pallas import tpu_sc as plsc

IN_FEATURES = 1000000
OUT_FEATURES = 32
BATCH = 16384

NC, NS, L = 2, 16, 16
NW = NC * NS
B_PER_W = BATCH // NW
WAVE = 128
NWAVE = B_PER_W // WAVE
NSEM = 8

_mesh = plsc.VectorSubcoreMesh(core_axis_name="c", subcore_axis_name="s")


@functools.partial(
    pl.kernel,
    mesh=_mesh,
    out_type=jax.ShapeDtypeStruct((BATCH, OUT_FEATURES), jnp.float32),
    scratch_types=[
        pltpu.VMEM((B_PER_W,), jnp.int32),
        pltpu.VMEM((B_PER_W, OUT_FEATURES), jnp.float32),
        pltpu.VMEM((OUT_FEATURES,), jnp.float32),
    ] + [pltpu.SemaphoreType.DMA] * NSEM,
)
def _sc_lookup(table_hbm, idx_hbm, bias_hbm, out_hbm,
               idx_v, rows_v, bias_v, *sems):
    wid = lax.axis_index("s") * NC + lax.axis_index("c")
    base = wid * B_PER_W

    pltpu.sync_copy(bias_hbm, bias_v)
    pltpu.sync_copy(idx_hbm.at[pl.ds(base, B_PER_W)], idx_v)
    bias_lo = bias_v[pl.ds(0, L)]
    bias_hi = bias_v[pl.ds(L, L)]

    def fire(w):
        def enqueue(g, _):
            r16 = idx_v[pl.ds(w * WAVE + g * L, L)]
            for l in range(L):
                i = w * WAVE + g * L + l
                pltpu.async_copy(table_hbm.at[r16[l]], rows_v.at[i],
                                 sems[l % NSEM])
            return 0

        lax.fori_loop(0, WAVE // L, enqueue, 0)

    def drain(w):
        for k in range(NSEM):
            pltpu.make_async_copy(
                out_hbm.at[pl.ds(base, WAVE // NSEM)],
                rows_v.at[pl.ds(0, WAVE // NSEM)],
                sems[k],
            ).wait()

    def add_bias(w):
        def body(i, _):
            rows_v[i, pl.ds(0, L)] += bias_lo
            rows_v[i, pl.ds(L, L)] += bias_hi
            return 0

        lax.fori_loop(w * WAVE, (w + 1) * WAVE, body, 0, unroll=4)

    fire(0)
    for w in range(NWAVE):
        if w + 1 < NWAVE:
            fire(w + 1)
        drain(w)
        add_bias(w)
    pltpu.sync_copy(rows_v, out_hbm.at[pl.ds(base, B_PER_W)])


def kernel(input, weight, bias):
    idx = input.astype(jnp.int32)
    return _sc_lookup(weight, idx, bias)

# --- scband reference (transcript-rebuilt; emitter-appended) ---
"""Pipeline reference for scband-sparse-linear-1786706395341 (READ-ONLY COPY).

The authoritative reference and input builder live on the scoring server;
editing this copy changes nothing except your own understanding.
"""

import jax, jax.numpy as jnp
import numpy as np
import math

IN_FEATURES = 1000000
OUT_FEATURES = 32
BATCH = 16384

def setup_inputs(seed: int = 0) -> dict:
    key = jax.random.key(seed)
    k_idx, k_w = jax.random.split(key)
    input_idx = jax.random.randint(k_idx, (BATCH,), 0, IN_FEATURES, dtype=jnp.int64 if jax.config.jax_enable_x64 else jnp.int32)
    weight = jax.random.normal(k_w, (IN_FEATURES, OUT_FEATURES), dtype=jnp.float32) / math.sqrt(OUT_FEATURES)
    bias = jnp.zeros((OUT_FEATURES,), dtype=jnp.float32)
    return {"input": input_idx, "weight": weight, "bias": bias}

def reference(input, weight, bias):
    # torch.index_select(weight, 0, input) -> gather rows of weight
    out = jnp.take(weight, input, axis=0)
    out = out + bias
    return out

if __name__ == "__main__":
    import jax
    _d = setup_inputs()
    print(jax.jit(kernel)(*tuple(_d.values())))

</pallas_src>

<mosaic_0001>
#map = affine_map<(d0, d1) -> (0, 0)>
#map1 = affine_map<(d0, d1) -> (0)>
module attributes {stable_mosaic.version = 14 : i64} {
  func.func @_sc_lookup(%arg0: i32, %arg1: i32, %arg2: memref<1000000x32xf32, #tpu.memory_space<hbm>>, %arg3: memref<16384xi32, #tpu.memory_space<hbm>>, %arg4: memref<32xf32, #tpu.memory_space<hbm>>, %arg5: memref<16384x32xf32, #tpu.memory_space<hbm>>, %arg6: memref<512xi32, #tpu.memory_space<vmem>>, %arg7: memref<512x32xf32, #tpu.memory_space<vmem>>, %arg8: memref<32xf32, #tpu.memory_space<vmem>>, %arg9: memref<!tpu.dma_semaphore, #tpu.memory_space<semaphore_mem>>, %arg10: memref<!tpu.dma_semaphore, #tpu.memory_space<semaphore_mem>>, %arg11: memref<!tpu.dma_semaphore, #tpu.memory_space<semaphore_mem>>, %arg12: memref<!tpu.dma_semaphore, #tpu.memory_space<semaphore_mem>>, %arg13: memref<!tpu.dma_semaphore, #tpu.memory_space<semaphore_mem>>, %arg14: memref<!tpu.dma_semaphore, #tpu.memory_space<semaphore_mem>>, %arg15: memref<!tpu.dma_semaphore, #tpu.memory_space<semaphore_mem>>, %arg16: memref<!tpu.dma_semaphore, #tpu.memory_space<semaphore_mem>>) attributes {dimension_semantics = [#tpu.dimension_semantics<core_parallel>, #tpu.dimension_semantics<subcore_parallel>], iteration_bounds = array<i64: 2, 16>, scalar_prefetch = 0 : i64, scratch_operands = 11 : i64, tpu.core_type = #tpu.core_type<sc_vector_subcore>, window_params = [{transform_indices = #map}, {transform_indices = #map1}, {transform_indices = #map1}, {transform_indices = #map}]} {
    %mul3A = arith.constant 2 : i32
    %mul3A_0 = arith.muli %arg1, %mul3A : i32
    %add3A = arith.addi %mul3A_0, %arg0 : i32
    %mul3A_1 = arith.constant 512 : i32
    %mul3A_2 = arith.muli %add3A, %mul3A_1 : i32
    "tpu.region"() ({
      %run_scoped3A = tpu.sem_alloc : memref<!tpu.dma_semaphore, #tpu.memory_space<semaphore_mem>>
      tpu.enqueue_dma source(%arg4 : memref<32xf32, #tpu.memory_space<hbm>>) target(%arg8 : memref<32xf32, #tpu.memory_space<vmem>>) target_semaphore(%run_scoped3A : memref<!tpu.dma_semaphore, #tpu.memory_space<semaphore_mem>>)
      tpu.wait_dma2 semaphore(%run_scoped3A : memref<!tpu.dma_semaphore, #tpu.memory_space<semaphore_mem>>) src(%arg4 : memref<32xf32, #tpu.memory_space<hbm>>) dst(%arg8 : memref<32xf32, #tpu.memory_space<vmem>>)
      tpu.yield
    }) : () -> ()
    "tpu.region"() ({
      %run_scoped3A = tpu.sem_alloc : memref<!tpu.dma_semaphore, #tpu.memory_space<semaphore_mem>>
      %dma_start3A = tpu.memref_slice %arg3[%mul3A_2] : memref<16384xi32, #tpu.memory_space<hbm>> -> memref<512xi32, #tpu.memory_space<hbm>>
      %dma_start3A_382 = tpu.memref_slice %arg3[%mul3A_2] : memref<16384xi32, #tpu.memory_space<hbm>> -> memref<512xi32, #tpu.memory_space<hbm>>
      tpu.enqueue_dma source(%dma_start3A_382 : memref<512xi32, #tpu.memory_space<hbm>>) target(%arg6 : memref<512xi32, #tpu.memory_space<vmem>>) target_semaphore(%run_scoped3A : memref<!tpu.dma_semaphore, #tpu.memory_space<semaphore_mem>>)
      %dma_wait3A_383 = tpu.memref_slice %arg3[%mul3A_2] : memref<16384xi32, #tpu.memory_space<hbm>> -> memref<512xi32, #tpu.memory_space<hbm>>
      %dma_wait3A_384 = tpu.memref_slice %arg3[%mul3A_2] : memref<16384xi32, #tpu.memory_space<hbm>> -> memref<512xi32, #tpu.memory_space<hbm>>
      tpu.wait_dma2 semaphore(%run_scoped3A : memref<!tpu.dma_semaphore, #tpu.memory_space<semaphore_mem>>) src(%dma_wait3A_384 : memref<512xi32, #tpu.memory_space<hbm>>) dst(%arg6 : memref<512xi32, #tpu.memory_space<vmem>>)
      tpu.yield
    }) : () -> ()
    %get3A = arith.constant 0 : index
    %get3A_3 = tpu.vector_load %arg8[%get3A] {strides = array<i32>} : memref<32xf32, #tpu.memory_space<vmem>>, vector<16xf32>,
    %get3A_4 = vector.shape_cast %get3A_3 : vector<16xf32> to vector<16xf32>
    %get3A_5 = arith.constant 16 : index
    %get3A_6 = tpu.vector_load %arg8[%get3A_5] {strides = array<i32>} : memref<32xf32, #tpu.memory_space<vmem>>, vector<16xf32>,
    %get3A_7 = vector.shape_cast %get3A_6 : vector<16xf32> to vector<16xf32>
    %scan3A = arith.constant 0 : i32
    %scan3A_8 = arith.constant 0 : i32
    %scan3A_9 = arith.constant 8 : i32
    %scan3A_10 = arith.addi %scan3A_8, %scan3A_9 : i32
    %scan3A_11 = arith.constant 1 : i32
    %scan3A_12 = scf.for %scan3A_382 = %scan3A_8 to %scan3A_10 step %scan3A_11 iter_args(%scan3A_383 = %scan3A) -> (i32)  : i32 {
      %mul3A_384 = arith.constant 16 : i32
      %mul3A_385 = arith.muli %scan3A_382, %mul3A_384 : i32
      %add3A_386 = arith.constant 0 : i32
      %add3A_387 = arith.addi %add3A_386, %mul3A_385 : i32
      %get3A_388 = arith.index_cast %add3A_387 : i32 to index
      %get3A_389 = tpu.vector_load %arg6[%get3A_388] {strides = array<i32>} : memref<512xi32, #tpu.memory_space<vmem>>, vector<16xi32>,
      %get3A_390 = vector.shape_cast %get3A_389 : vector<16xi32> to vector<16xi32>
      %mul3A_391 = arith.constant 16 : i32
      %mul3A_392 = arith.muli %scan3A_382, %mul3A_391 : i32
      %add3A_393 = arith.constant 0 : i32
      %add3A_394 = arith.addi %add3A_393, %mul3A_392 : i32
      %add3A_395 = arith.constant 0 : i32
      %add3A_396 = arith.addi %add3A_394, %add3A_395 : i32
      %slice3A = vector.extract_strided_slice %get3A_390 {offsets = [0], sizes = [1], strides = [1]} : vector<16xi32> to vector<1xi32>
      %squeeze3A = vector.extract %slice3A[0] : i32 from vector<1xi32>
      %dma_start3A = arith.constant 0 : i32
      %dma_start3A_397 = tpu.memref_slice %arg7[%add3A_396, %dma_start3A] : memref<512x32xf32, #tpu.memory_space<vmem>> -> memref<1x32xf32, #tpu.memory_space<vmem>>
      %dma_start3A_398 = tpu.memref_squeeze %dma_start3A_397 : memref<1x32xf32, #tpu.memory_space<vmem>> -> memref<32xf32, #tpu.memory_space<vmem>>
      %dma_start3A_399 = arith.constant 0 : i32
      %dma_start3A_400 = tpu.memref_slice %arg2[%squeeze3A, %dma_start3A_399] : memref<1000000x32xf32, #tpu.memory_space<hbm>> -> memref<1x32xf32, #tpu.memory_space<hbm>>
      %dma_start3A_401 = tpu.memref_squeeze %dma_start3A_400 : memref<1x32xf32, #tpu.memory_space<hbm>> -> memref<32xf32, #tpu.memory_space<hbm>>
      %dma_start3A_402 = arith.constant 0 : i32
      %dma_start3A_403 = tpu.memref_slice %arg7[%add3A_396, %dma_start3A_402] : memref<512x32xf32, #tpu.memory_space<vmem>> -> memref<1x32xf32, #tpu.memory_space<vmem>>
      %dma_start3A_404 = tpu.memref_squeeze %dma_start3A_403 : memref<1x32xf32, #tpu.memory_space<vmem>> -> memref<32xf32, #tpu.memory_space<vmem>>
      %dma_start3A_405 = arith.constant 0 : i32
      %dma_start3A_406 = tpu.memref_slice %arg2[%squeeze3A, %dma_start3A_405] : memref<1000000x32xf32, #tpu.memory_space<hbm>> -> memref<1x32xf32, #tpu.memory_space<hbm>>
      %dma_start3A_407 = tpu.memref_squeeze %dma_start3A_406 : memref<1x32xf32, #tpu.memory_space<hbm>> -> memref<32xf32, #tpu.memory_space<hbm>>
      tpu.enqueue_dma source(%dma_start3A_407 : memref<32xf32, #tpu.memory_space<hbm>>) target(%dma_start3A_404 : memref<32xf32, #tpu.memory_space<vmem>>) target_semaphore(%arg9 : memref<!tpu.dma_semaphore, #tpu.memory_space<semaphore_mem>>)
      %mul3A_408 = arith.constant 16 : i32
      %mul3A_409 = arith.muli %scan3A_382, %mul3A_408 : i32
      %add3A_410 = arith.constant 0 : i32
      %add3A_411 = arith.addi %add3A_410, %mul3A_409 : i32
      %add3A_412 = arith.constant 1 : i32
      %add3A_413 = arith.addi %add3A_411, %add3A_412 : i32
      %slice3A_414 = vector.extract_strided_slice %get3A_390 {offsets = [1], sizes = [1], strides = [1]} : vector<16xi32> to vector<1xi32>
      %squeeze3A_415 = vector.extract %slice3A_414[0] : i32 from vector<1xi32>
      %dma_start3A_416 = arith.constant 0 : i32
      %dma_start3A_417 = tpu.memref_slice %arg7[%add3A_413, %dma_start3A_416] : memref<512x32xf32, #tpu.memory_space<vmem>> -> memref<1x32xf32, #tpu.memory_space<vmem>>
      %dma_start3A_418 = tpu.memref_squeeze %dma_start3A_417 : memref<1x32xf32, #tpu.memory_space<vmem>> -> memref<32xf32, #tpu.memory_space<vmem>>
      %dma_start3A_419 = arith.constant 0 : i32
      %dma_start3A_420 = tpu.memref_slice %arg2[%squeeze3A_415, %dma_start3A_419] : memref<1000000x32xf32, #tpu.memory_space<hbm>> -> memref<1x32xf32, #tpu.memory_space<hbm>>
      %dma_start3A_421 = tpu.memref_squeeze %dma_start3A_420 : memref<1x32xf32, #tpu.memory_space<hbm>> -> memref<32xf32, #tpu.memory_space<hbm>>
      %dma_start3A_422 = arith.constant 0 : i32
      %dma_start3A_423 = tpu.memref_slice %arg7[%add3A_413, %dma_start3A_422] : memref<512x32xf32, #tpu.memory_space<vmem>> -> memref<1x32xf32, #tpu.memory_space<vmem>>
      %dma_start3A_424 = tpu.memref_squeeze %dma_start3A_423 : memref<1x32xf32, #tpu.memory_space<vmem>> -> memref<32xf32, #tpu.memory_space<vmem>>
      %dma_start3A_425 = arith.constant 0 : i32
      %dma_start3A_426 = tpu.memref_slice %arg2[%squeeze3A_415, %dma_start3A_425] : memref<1000000x32xf32, #tpu.memory_space<hbm>> -> memref<1x32xf32, #tpu.memory_space<hbm>>
      %dma_start3A_427 = tpu.memref_squeeze %dma_start3A_426 : memref<1x32xf32, #tpu.memory_space<hbm>> -> memref<32xf32, #tpu.memory_space<hbm>>
      tpu.enqueue_dma source(%dma_start3A_427 : memref<32xf32, #tpu.memory_space<hbm>>) target(%dma_start3A_424 : memref<32xf32, #tpu.memory_space<vmem>>) target_semaphore(%arg10 : memref<!tpu.dma_semaphore, #tpu.memory_space<semaphore_mem>>)
      %mul3A_428 = arith.constant 16 : i32
      %mul3A_429 = arith.muli %scan3A_382, %mul3A_428 : i32
      %add3A_430 = arith.constant 0 : i32
      %add3A_431 = arith.addi %add3A_430, %mul3A_429 : i32
      %add3A_432 = arith.constant 2 : i32
      %add3A_433 = arith.addi %add3A_431, %add3A_432 : i32
      %slice3A_434 = vector.extract_strided_slice %get3A_390 {offsets = [2], sizes = [1], strides = [1]} : vector<16xi32> to vector<1xi32>
      %squeeze3A_435 = vector.extract %slice3A_434[0] : i32 from vector<1xi32>
      %dma_start3A_436 = arith.constant 0 : i32
      %dma_start3A_437 = tpu.memref_slice %arg7[%add3A_433, %dma_start3A_436] : memref<512x32xf32, #tpu.memory_space<vmem>> -> memref<1x32xf32, #tpu.memory_space<vmem>>
      %dma_start3A_438 = tpu.memref_squeeze %dma_start3A_437 : memref<1x32xf32, #tpu.memory_space<vmem>> -> memref<32xf32, #tpu.memory_space<vmem>>
      %dma_start3A_439 = arith.constant 0 : i32
      %dma_start3A_440 = tpu.memref_slice %arg2[%squeeze3A_435, %dma_start3A_439] : memref<1000000x32xf32, #tpu.memory_space<hbm>> -> memref<1x32xf32, #tpu.memory_space<hbm>>
      %dma_start3A_441 = tpu.memref_squeeze %dma_start3A_440 : memref<1x32xf32, #tpu.memory_space<hbm>> -> memref<32xf32, #tpu.memory_space<hbm>>
      %dma_start3A_442 = arith.constant 0 : i32
      %dma_start3A_443 = tpu.memref_slice %arg7[%add3A_433, %dma_start3A_442] : memref<512x32xf32, #tpu.memory_space<vmem>> -> memref<1x32xf32, #tpu.memory_space<vmem>>
      %dma_start3A_444 = tpu.memref_squeeze %dma_start3A_443 : memref<1x32xf32, #tpu.memory_space<vmem>> -> memref<32xf32, #tpu.memory_space<vmem>>
      %dma_start3A_445 = arith.constant 0 : i32
      %dma_start3A_446 = tpu.memref_slice %arg2[%squeeze3A_435, %dma_start3A_445] : memref<1000000x32xf32, #tpu.memory_space<hbm>> -> memref<1x32xf32, #tpu.memory_space<hbm>>
      %dma_start3A_447 = tpu.memref_squeeze %dma_start3A_446 : memref<1x32xf32, #tpu.memory_space<hbm>> -> memref<32xf32, #tpu.memory_space<hbm>>
      tpu.enqueue_dma source(%dma_start3A_447 : memref<32xf32, #tpu.memory_space<hbm>>) target(%dma_start3A_444 : memref<32xf32, #tpu.memory_space<vmem>>) target_semaphore(%arg11 : memref<!tpu.dma_semaphore, #tpu.memory_space<semaphore_mem>>)
      %mul3A_448 = arith.constant 16 : i32
      %mul3A_449 = arith.muli %scan3A_382, %mul3A_448 : i32
      %add3A_450 = arith.constant 0 : i32
      %add3A_451 = arith.addi %add3A_450, %mul3A_449 : i32
      %add3A_452 = arith.constant 3 : i32
      %add3A_453 = arith.addi %add3A_451, %add3A_452 : i32
      %slice3A_454 = vector.extract_strided_slice %get3A_390 {offsets = [3], sizes = [1], strides = [1]} : vector<16xi32> to vector<1xi32>
      %squeeze3A_455 = vector.extract %slice3A_454[0] : i32 from vector<1xi32>
      %dma_start3A_456 = arith.constant 0 : i32
      %dma_start3A_457 = tpu.memref_slice %arg7[%add3A_453, %dma_start3A_456] : memref<512x32xf32, #tpu.memory_space<vmem>> -> memref<1x32xf32, #tpu.memory_space<vmem>>
      %dma_start3A_458 = tpu.memref_squeeze %dma_start3A_457 : memref<1x32xf32, #tpu.memory_space<vmem>> -> memref<32xf32, #tpu.memory_space<vmem>>
      %dma_start3A_459 = arith.constant 0 : i32
      %dma_start3A_460 = tpu.memref_slice %arg2[%squeeze3A_455, %dma_start3A_459] : memref<1000000x32xf32, #tpu.memory_space<hbm>> -> memref<1x32xf32, #tpu.memory_space<hbm>>
      %dma_start3A_461 = tpu.memref_squeeze %dma_start3A_460 : memref<1x32xf32, #tpu.memory_space<hbm>> -> memref<32xf32, #tpu.memory_space<hbm>>
      %dma_start3A_462 = arith.constant 0 : i32
      %dma_start3A_463 = tpu.memref_slice %arg7[%add3A_453, %dma_start3A_462] : memref<512x32xf32, #tpu.memory_space<vmem>> -> memref<1x32xf32, #tpu.memory_space<vmem>>
      %dma_start3A_464 = tpu.memref_squeeze %dma_start3A_463 : memref<1x32xf32, #tpu.memory_space<vmem>> -> memref<32xf32, #tpu.memory_space<vmem>>
      %dma_start3A_465 = arith.constant 0 : i32
      %dma_start3A_466 = tpu.memref_slice %arg2[%squeeze3A_455, %dma_start3A_465] : memref<1000000x32xf32, #tpu.memory_space<hbm>> -> memref<1x32xf32, #tpu.memory_space<hbm>>
      %dma_start3A_467 = tpu.memref_squeeze %dma_start3A_466 : memref<1x32xf32, #tpu.memory_space<hbm>> -> memref<32xf32, #tpu.memory_space<hbm>>
      tpu.enqueue_dma source(%dma_start3A_467 : memref<32xf32, #tpu.memory_space<hbm>>) target(%dma_start3A_464 : memref<32xf32, #tpu.memory_space<vmem>>) target_semaphore(%arg12 : memref<!tpu.dma_semaphore, #tpu.memory_space<semaphore_mem>>)
      %mul3A_468 = arith.constant 16 : i32
      %mul3A_469 = arith.muli %scan3A_382, %mul3A_468 : i32
      %add3A_470 = arith.constant 0 : i32
      %add3A_471 = arith.addi %add3A_470, %mul3A_469 : i32
      %add3A_472 = arith.constant 4 : i32
      %add3A_473 = arith.addi %add3A_471, %add3A_472 : i32
      %slice3A_474 = vector.extract_strided_slice %get3A_390 {offsets = [4], sizes = [1], strides = [1]} : vector<16xi32> to vector<1xi32>
      %squeeze3A_475 = vector.extract %slice3A_474[0] : i32 from vector<1xi32>
      %dma_start3A_476 = arith.constant 0 : i32
      %dma_start3A_477 = tpu.memref_slice %arg7[%add3A_473, %dma_start3A_476] : memref<512x32xf32, #tpu.memory_space<vmem>> -> memref<1x32xf32, #tpu.memory_space<vmem>>
      %dma_start3A_478 = tpu.memref_squeeze %dma_start3A_477 : memref<1x32xf32, #tpu.memory_space<vmem>> -> memref<32xf32, #tpu.memory_space<vmem>>
      %dma_start3A_479 = arith.constant 0 : i32
      %dma_start3A_480 = tpu.memref_slice %arg2[%squeeze3A_475, %dma_start3A_479] : memref<1000000x32xf32, #tpu.memory_space<hbm>> -> memref<1x32xf32, #tpu.memory_space<hbm>>
      %dma_start3A_481 = tpu.memref_squeeze %dma_start3A_480 : memref<1x32xf32, #tpu.memory_space<hbm>> -> memref<32xf32, #tpu.memory_space<hbm>>
      %dma_start3A_482 = arith.constant 0 : i32
      %dma_start3A_483 = tpu.memref_slice %arg7[%add3A_473, %dma_start3A_482] : memref<512x32xf32, #tpu.memory_space<vmem>> -> memref<1x32xf32, #tpu.memory_space<vmem>>
      %dma_start3A_484 = tpu.memref_squeeze %dma_start3A_483 : memref<1x32xf32, #tpu.memory_space<vmem>> -> memref<32xf32, #tpu.memory_space<vmem>>
      %dma_start3A_485 = arith.constant 0 : i32
      %dma_start3A_486 = tpu.memref_slice %arg2[%squeeze3A_475, %dma_start3A_485] : memref<1000000x32xf32, #tpu.memory_space<hbm>> -> memref<1x32xf32, #tpu.memory_space<hbm>>
      %dma_start3A_487 = tpu.memref_squeeze %dma_start3A_486 : memref<1x32xf32, #tpu.memory_space<hbm>> -> memref<32xf32, #tpu.memory_space<hbm>>
      tpu.enqueue_dma source(%dma_start3A_487 : memref<32xf32, #tpu.memory_space<hbm>>) target(%dma_start3A_484 : memref<32xf32, #tpu.memory_space<vmem>>) target_semaphore(%arg13 : memref<!tpu.dma_semaphore, #tpu.memory_space<semaphore_mem>>)
      %mul3A_488 = arith.constant 16 : i32
      %mul3A_489 = arith.muli %scan3A_382, %mul3A_488 : i32
      %add3A_490 = arith.constant 0 : i32
      %add3A_491 = arith.addi %add3A_490, %mul3A_489 : i32
      %add3A_492 = arith.constant 5 : i32
      %add3A_493 = arith.addi %add3A_491, %add3A_492 : i32
      %slice3A_494 = vector.extract_strided_slice %get3A_390 {offsets = [5], sizes = [1], strides = [1]} : vector<16xi32> to vector<1xi32>
      %squeeze3A_495 = vector.extract %slice3A_494[0] : i32 from vector<1xi32>
      %dma_start3A_496 = arith.constant 0 : i32
      %dma_start3A_497 = tpu.memref_slice %arg7[%add3A_493, %dma_start3A_496] : memref<512x32xf32, #tpu.memory_space<vmem>> -> memref<1x32xf32, #tpu.memory_space<vmem>>
      %dma_start3A_498 = tpu.memref_squeeze %dma_start3A_497 : memref<1x32xf32, #tpu.memory_space<vmem>> -> memref<32xf32, #tpu.memory_space<vmem>>
      %dma_start3A_499 = arith.constant 0 : i32
      %dma_start3A_500 = tpu.memref_slice %arg2[%squeeze3A_495, %dma_start3A_499] : memref<1000000x32xf32, #tpu.memory_space<hbm>> -> memref<1x32xf32, #tpu.memory_space<hbm>>
      %dma_start3A_501 = tpu.memref_squeeze %dma_start3A_500 : memref<1x32xf32, #tpu.memory_space<hbm>> -> memref<32xf32, #tpu.memory_space<hbm>>
      %dma_start3A_502 = arith.constant 0 : i32
      %dma_start3A_503 = tpu.memref_slice %arg7[%add3A_493, %dma_start3A_502] : memref<512x32xf32, #tpu.memory_space<vmem>> -> memref<1x32xf32, #tpu.memory_space<vmem>>
      %dma_start3A_504 = tpu.memref_squeeze %dma_start3A_503 : memref<1x32xf32, #tpu.memory_space<vmem>> -> memref<32xf32, #tpu.memory_space<vmem>>
      %dma_start3A_505 = arith.constant 0 : i32
      %dma_start3A_506 = tpu.memref_slice %arg2[%squeeze3A_495, %dma_start3A_505] : memref<1000000x32xf32, #tpu.memory_space<hbm>> -> memref<1x32xf32, #tpu.memory_space<hbm>>
      %dma_start3A_507 = tpu.memref_squeeze %dma_start3A_506 : memref<1x32xf32, #tpu.memory_space<hbm>> -> memref<32xf32, #tpu.memory_space<hbm>>
      tpu.enqueue_dma source(%dma_start3A_507 : memref<32xf32, #tpu.memory_space<hbm>>) target(%dma_start3A_504 : memref<32xf32, #tpu.memory_space<vmem>>) target_semaphore(%arg14 : memref<!tpu.dma_semaphore, #tpu.memory_space<semaphore_mem>>)
      %mul3A_508 = arith.constant 16 : i32
      %mul3A_509 = arith.muli %scan3A_382, %mul3A_508 : i32
      %add3A_510 = arith.constant 0 : i32
      %add3A_511 = arith.addi %add3A_510, %mul3A_509 : i32
      %add3A_512 = arith.constant 6 : i32
      %add3A_513 = arith.addi %add3A_511, %add3A_512 : i32
      %slice3A_514 = vector.extract_strided_slice %get3A_390 {offsets = [6], sizes = [1], strides = [1]} : vector<16xi32> to vector<1xi32>
      %squeeze3A_515 = vector.extract %slice3A_514[0] : i32 from vector<1xi32>
      %dma_start3A_516 = arith.constant 0 : i32
      %dma_start3A_517 = tpu.memref_slice %arg7[%add3A_513, %dma_start3A_516] : memref<512x32xf32, #tpu.memory_space<vmem>> -> memref<1x32xf32, #tpu.memory_space<vmem>>
      %dma_start3A_518 = tpu.memref_squeeze %dma_start3A_517 : memref<1x32xf32, #tpu.memory_space<vmem>> -> memref<32xf32, #tpu.memory_space<vmem>>
      %dma_start3A_519 = arith.constant 0 : i32
      %dma_start3A_520 = tpu.memref_slice %arg2[%squeeze3A_515, %dma_start3A_519] : memref<1000000x32xf32, #tpu.memory_space<hbm>> -> memref<1x32xf32, #tpu.memory_space<hbm>>
      %dma_start3A_521 = tpu.memref_squeeze %dma_start3A_520 : memref<1x32xf32, #tpu.memory_space<hbm>> -> memref<32xf32, #tpu.memory_space<hbm>>
      %dma_start3A_522 = arith.constant 0 : i32
      %dma_start3A_523 = tpu.memref_slice %arg7[%add3A_513, %dma_start3A_522] : memref<512x32xf32, #tpu.memory_space<vmem>> -> memref<1x32xf32, #tpu.memory_space<vmem>>
      %dma_start3A_524 = tpu.memref_squeeze %dma_start3A_523 : memref<1x32xf32, #tpu.memory_space<vmem>> -> memref<32xf32, #tpu.memory_space<vmem>>
      %dma_start3A_525 = arith.constant 0 : i32
      %dma_start3A_526 = tpu.memref_slice %arg2[%squeeze3A_515, %dma_start3A_525] : memref<1000000x32xf32, #tpu.memory_space<hbm>> -> memref<1x32xf32, #tpu.memory_space<hbm>>
      %dma_start3A_527 = tpu.memref_squeeze %dma_start3A_526 : memref<1x32xf32, #tpu.memory_space<hbm>> -> memref<32xf32, #tpu.memory_space<hbm>>
      tpu.enqueue_dma source(%dma_start3A_527 : memref<32xf32, #tpu.memory_space<hbm>>) target(%dma_start3A_524 : memref<32xf32, #tpu.memory_space<vmem>>) target_semaphore(%arg15 : memref<!tpu.dma_semaphore, #tpu.memory_space<semaphore_mem>>)
      %mul3A_528 = arith.constant 16 : i32
      %mul3A_529 = arith.muli %scan3A_382, %mul3A_528 : i32
      %add3A_530 = arith.constant 0 : i32
      %add3A_531 = arith.addi %add3A_530, %mul3A_529 : i32
      %add3A_532 = arith.constant 7 : i32
      %add3A_533 = arith.addi %add3A_531, %add3A_532 : i32
      %slice3A_534 = vector.extract_strided_slice %get3A_390 {offsets = [7], sizes = [1], strides = [1]} : vector<16xi32> to vector<1xi32>
      %squeeze3A_535 = vector.extract %slice3A_534[0] : i32 from vector<1xi32>
      %dma_start3A_536 = arith.constant 0 : i32
      %dma_start3A_537 = tpu.memref_slice %arg7[%add3A_533, %dma_start3A_536] : memref<512x32xf32, #tpu.memory_space<vmem>> -> memref<1x32xf32, #tpu.memory_space<vmem>>
      %dma_start3A_538 = tpu.memref_squeeze %dma_start3A_537 : memref<1x32xf32, #tpu.memory_space<vmem>> -> memref<32xf32, #tpu.memory_space<vmem>>
      %dma_start3A_539 = arith.constant 0 : i32
      %dma_start3A_540 = tpu.memref_slice %arg2[%squeeze3A_535, %dma_start3A_539] : memref<1000000x32xf32, #tpu.memory_space<hbm>> -> memref<1x32xf32, #tpu.memory_space<hbm>>
      %dma_start3A_541 = tpu.memref_squeeze %dma_start3A_540 : memref<1x32xf32, #tpu.memory_space<hbm>> -> memref<32xf32, #tpu.memory_space<hbm>>
      %dma_start3A_542 = arith.constant 0 : i32
      %dma_start3A_543 = tpu.memref_slice %arg7[%add3A_533, %dma_start3A_542] : memref<512x32xf32, #tpu.memory_space<vmem>> -> memref<1x32xf32, #tpu.memory_space<vmem>>
      %dma_start3A_544 = tpu.memref_squeeze %dma_start3A_543 : memref<1x32xf32, #tpu.memory_space<vmem>> -> memref<32xf32, #tpu.memory_space<vmem>>
      %dma_start3A_545 = arith.constant 0 : i32
      %dma_start3A_546 = tpu.memref_slice %arg2[%squeeze3A_535, %dma_start3A_545] : memref<1000000x32xf32, #tpu.memory_space<hbm>> -> memref<1x32xf32, #tpu.memory_space<hbm>>
      %dma_start3A_547 = tpu.memref_squeeze %dma_start3A_546 : memref<1x32xf32, #tpu.memory_space<hbm>> -> memref<32xf32, #tpu.memory_space<hbm>>
      tpu.enqueue_dma source(%dma_start3A_547 : memref<32xf32, #tpu.memory_space<hbm>>) target(%dma_start3A_544 : memref<32xf32, #tpu.memory_space<vmem>>) target_semaphore(%arg16 : memref<!tpu.dma_semaphore, #tpu.memory_space<semaphore_mem>>)
      %mul3A_548 = arith.constant 16 : i32
      %mul3A_549 = arith.muli %scan3A_382, %mul3A_548 : i32
      %add3A_550 = arith.constant 0 : i32
      %add3A_551 = arith.addi %add3A_550, %mul3A_549 : i32
      %add3A_552 = arith.constant 8 : i32
      %add3A_553 = arith.addi %add3A_551, %add3A_552 : i32
      %slice3A_554 = vector.extract_strided_slice %get3A_390 {offsets = [8], sizes = [1], strides = [1]} : vector<16xi32> to vector<1xi32>
      %squeeze3A_555 = vector.extract %slice3A_554[0] : i32 from vector<1xi32>
      %dma_start3A_556 = arith.constant 0 : i32
      %dma_start3A_557 = tpu.memref_slice %arg7[%add3A_553, %dma_start3A_556] : memref<512x32xf32, #tpu.memory_space<vmem>> -> memref<1x32xf32, #tpu.memory_space<vmem>>
      %dma_start3A_558 = tpu.memref_squeeze %dma_start3A_557 : memref<1x32xf32, #tpu.memory_space<vmem>> -> memref<32xf32, #tpu.memory_space<vmem>>
      %dma_start3A_559 = arith.constant 0 : i32
      %dma_start3A_560 = tpu.memref_slice %arg2[%squeeze3A_555, %dma_start3A_559] : memref<1000000x32xf32, #tpu.memory_space<hbm>> -> memref<1x32xf32, #tpu.memory_space<hbm>>
      %dma_start3A_561 = tpu.memref_squeeze %dma_start3A_560 : memref<1x32xf32, #tpu.memory_space<hbm>> -> memref<32xf32, #tpu.memory_space<hbm>>
      %dma_start3A_562 = arith.constant 0 : i32
      %dma_start3A_563 = tpu.memref_slice %arg7[%add3A_553, %dma_start3A_562] : memref<512x32xf32, #tpu.memory_space<vmem>> -> memref<1x32xf32, #tpu.memory_space<vmem>>
      %dma_start3A_564 = tpu.memref_squeeze %dma_start3A_563 : memref<1x32xf32, #tpu.memory_space<vmem>> -> memref<32xf32, #tpu.memory_space<vmem>>
      %dma_start3A_565 = arith.constant 0 : i32
      %dma_start3A_566 = tpu.memref_slice %arg2[%squeeze3A_555, %dma_start3A_565] : memref<1000000x32xf32, #tpu.memory_space<hbm>> -> memref<1x32xf32, #tpu.memory_space<hbm>>
      %dma_start3A_567 = tpu.memref_squeeze %dma_start3A_566 : memref<1x32xf32, #tpu.memory_space<hbm>> -> memref<32xf32, #tpu.memory_space<hbm>>
      tpu.enqueue_dma source(%dma_start3A_567 : memref<32xf32, #tpu.memory_space<hbm>>) target(%dma_start3A_564 : memref<32xf32, #tpu.memory_space<vmem>>) target_semaphore(%arg9 : memref<!tpu.dma_semaphore, #tpu.memory_space<semaphore_mem>>)
      %mul3A_568 = arith.constant 16 : i32
      %mul3A_569 = arith.muli %scan3A_382, %mul3A_568 : i32
      %add3A_570 = arith.constant 0 : i32
      %add3A_571 = arith.addi %add3A_570, %mul3A_569 : i32
      %add3A_572 = arith.constant 9 : i32
      %add3A_573 = arith.addi %add3A_571, %add3A_572 : i32
      %slice3A_574 = vector.extract_strided_slice %get3A_390 {offsets = [9], sizes = [1], strides = [1]} : vector<16xi32> to vector<1xi32>
      %squeeze3A_575 = vector.extract %slice3A_574[0] : i32 from vector<1xi32>
      %dma_start3A_576 = arith.constant 0 : i32
      %dma_start3A_577 = tpu.memref_slice %arg7[%add3A_573, %dma_start3A_576] : memref<512x32xf32, #tpu.memory_space<vmem>> -> memref<1x32xf32, #tpu.memory_space<vmem>>
      %dma_start3A_578 = tpu.memref_squeeze %dma_start3A_577 : memref<1x32xf32, #tpu.memory_space<vmem>> -> memref<32xf32, #tpu.memory_space<vmem>>
      %dma_start3A_579 = arith.constant 0 : i32
      %dma_start3A_580 = tpu.memref_slice %arg2[%squeeze3A_575, %dma_start3A_579] : memref<1000000x32xf32, #tpu.memory_space<hbm>> -> memref<1x32xf32, #tpu.memory_space<hbm>>
      %dma_start3A_581 = tpu.memref_squeeze %dma_start3A_580 : memref<1x32xf32, #tpu.memory_space<hbm>> -> memref<32xf32, #tpu.memory_space<hbm>>
      %dma_start3A_582 = arith.constant 0 : i32
      %dma_start3A_583 = tpu.memref_slice %arg7[%add3A_573, %dma_start3A_582] : memref<512x32xf32, #tpu.memory_space<vmem>> -> memref<1x32xf32, #tpu.memory_space<vmem>>
      %dma_start3A_584 = tpu.memref_squeeze %dma_start3A_583 : memref<1x32xf32, #tpu.memory_space<vmem>> -> memref<32xf32, #tpu.memory_space<vmem>>
      %dma_start3A_585 = arith.constant 0 : i32
      %dma_start3A_586 = tpu.memref_slice %arg2[%squeeze3A_575, %dma_start3A_585] : memref<1000000x32xf32, #tpu.memory_space<hbm>> -> memref<1x32xf32, #tpu.memory_space<hbm>>
      %dma_start3A_587 = tpu.memref_squeeze %dma_start3A_586 : memref<1x32xf32, #tpu.memory_space<hbm>> -> memref<32xf32, #tpu.memory_space<hbm>>
      tpu.enqueue_dma source(%dma_start3A_587 : memref<32xf32, #tpu.memory_space<hbm>>) target(%dma_start3A_584 : memref<32xf32, #tpu.memory_space<vmem>>) target_semaphore(%arg10 : memref<!tpu.dma_semaphore, #tpu.memory_space<semaphore_mem>>)
      %mul3A_588 = arith.constant 16 : i32
      %mul3A_589 = arith.muli %scan3A_382, %mul3A_588 : i32
      %add3A_590 = arith.constant 0 : i32
      %add3A_591 = arith.addi %add3A_590, %mul3A_589 : i32
      %add3A_592 = arith.constant 10 : i32
      %add3A_593 = arith.addi %add3A_591, %add3A_592 : i32
      %slice3A_594 = vector.extract_strided_slice %get3A_390 {offsets = [10], sizes = [1], strides = [1]} : vector<16xi32> to vector<1xi32>
      %squeeze3A_595 = vector.extract %slice3A_594[0] : i32 from vector<1xi32>
      %dma_start3A_596 = arith.constant 0 : i32
      %dma_start3A_597 = tpu.memref_slice %arg7[%add3A_593, %dma_start3A_596] : memref<512x32xf32, #tpu.memory_space<vmem>> -> memref<1x32xf32, #tpu.memory_space<vmem>>
      %dma_start3A_598 = tpu.memref_squeeze %dma_start3A_597 : memref<1x32xf32, #tpu.memory_space<vmem>> -> memref<32xf32, #tpu.memory_space<vmem>>
      %dma_start3A_599 = arith.constant 0 : i32
      %dma_start3A_600 = tpu.memref_slice %arg2[%squeeze3A_595, %dma_start3A_599] : memref<1000000x32xf32, #tpu.memory_space<hbm>> -> memref<1x32xf32, #tpu.memory_space<hbm>>
      %dma_start3A_601 = tpu.memref_squeeze %dma_start3A_600 : memref<1x32xf32, #tpu.memory_space<hbm>> -> memref<32xf32, #tpu.memory_space<hbm>>
      %dma_start3A_602 = arith.constant 0 : i32
      %dma_start3A_603 = tpu.memref_slice %arg7[%add3A_593, %dma_start3A_602] : memref<512x32xf32, #tpu.memory_space<vmem>> -> memref<1x32xf32, #tpu.memory_space<vmem>>
      %dma_start3A_604 = tpu.memref_squeeze %dma_start3A_603 : memref<1x32xf32, #tpu.memory_space<vmem>> -> memref<32xf32, #tpu.memory_space<vmem>>
      %dma_start3A_605 = arith.constant 0 : i32
      %dma_start3A_606 = tpu.memref_slice %arg2[%squeeze3A_595, %dma_start3A_605] : memref<1000000x32xf32, #tpu.memory_space<hbm>> -> memref<1x32xf32, #tpu.memory_space<hbm>>
      %dma_start3A_607 = tpu.memref_squeeze %dma_start3A_606 : memref<1x32xf32, #tpu.memory_space<hbm>> -> memref<32xf32, #tpu.memory_space<hbm>>
      tpu.enqueue_dma source(%dma_start3A_607 : memref<32xf32, #tpu.memory_space<hbm>>) target(%dma_start3A_604 : memref<32xf32, #tpu.memory_space<vmem>>) target_semaphore(%arg11 : memref<!tpu.dma_semaphore, #tpu.memory_space<semaphore_mem>>)
      %mul3A_608 = arith.constant 16 : i32
      %mul3A_609 = arith.muli %scan3A_382, %mul3A_608 : i32
      %add3A_610 = arith.constant 0 : i32
      %add3A_611 = arith.addi %add3A_610, %mul3A_609 : i32
      %add3A_612 = arith.constant 11 : i32
      %add3A_613 = arith.addi %add3A_611, %add3A_612 : i32
      %slice3A_614 = vector.extract_strided_slice %get3A_390 {offsets = [11], sizes = [1], strides = [1]} : vector<16xi32> to vector<1xi32>
      %squeeze3A_615 = vector.extract %slice3A_614[0] : i32 from vector<1xi32>
      %dma_start3A_616 = arith.constant 0 : i32
      %dma_start3A_617 = tpu.memref_slice %arg7[%add3A_613, %dma_start3A_616] : memref<512x32xf32, #tpu.memory_space<vmem>> -> memref<1x32xf32, #tpu.memory_space<vmem>>
      %dma_start3A_618 = tpu.memref_squeeze %dma_start3A_617 : memref<1x32xf32, #tpu.memory_space<vmem>> -> memref<32xf32, #tpu.memory_space<vmem>>
      %dma_start3A_619 = arith.constant 0 : i32
      %dma_start3A_620 = tpu.memref_slice %arg2[%squeeze3A_615, %dma_start3A_619] : memref<1000000x32xf32, #tpu.memory_space<hbm>> -> memref<1x32xf32, #tpu.memory_space<hbm>>
      %dma_start3A_621 = tpu.memref_squeeze %dma_start3A_620 : memref<1x32xf32, #tpu.memory_space<hbm>> -> memref<32xf32, #tpu.memory_space<hbm>>
      %dma_start3A_622 = arith.constant 0 : i32
      %dma_start3A_623 = tpu.memref_slice %arg7[%add3A_613, %dma_start3A_622] : memref<512x32xf32, #tpu.memory_space<vmem>> -> memref<1x32xf32, #tpu.memory_space<vmem>>
      %dma_start3A_624 = tpu.memref_squeeze %dma_start3A_623 : memref<1x32xf32, #tpu.memory_space<vmem>> -> memref<32xf32, #tpu.memory_space<vmem>>
      %dma_start3A_625 = arith.constant 0 : i32
      %dma_start3A_626 = tpu.memref_slice %arg2[%squeeze3A_615, %dma_start3A_625] : memref<1000000x32xf32, #tpu.memory_space<hbm>> -> memref<1x32xf32, #tpu.memory_space<hbm>>
      %dma_start3A_627 = tpu.memref_squeeze %dma_start3A_626 : memref<1x32xf32, #tpu.memory_space<hbm>> -> memref<32xf32, #tpu.memory_space<hbm>>
      tpu.enqueue_dma source(%dma_start3A_627 : memref<32xf32, #tpu.memory_space<hbm>>) target(%dma_start3A_624 : memref<32xf32, #tpu.memory_space<vmem>>) target_semaphore(%arg12 : memref<!tpu.dma_semaphore, #tpu.memory_space<semaphore_mem>>)
      %mul3A_628 = arith.constant 16 : i32
      %mul3A_629 = arith.muli %scan3A_382, %mul3A_628 : i32
      %add3A_630 = arith.constant 0 : i32
      %add3A_631 = arith.addi %add3A_630, %mul3A_629 : i32
      %add3A_632 = arith.constant 12 : i32
      %add3A_633 = arith.addi %add3A_631, %add3A_632 : i32
      %slice3A_634 = vector.extract_strided_slice %get3A_390 {offsets = [12], sizes = [1], strides = [1]} : vector<16xi32> to vector<1xi32>
      %squeeze3A_635 = vector.extract %slice3A_634[0] : i32 from vector<1xi32>
      %dma_start3A_636 = arith.constant 0 : i32
      %dma_start3A_637 = tpu.memref_slice %arg7[%add3A_633, %dma_start3A_636] : memref<512x32xf32, #tpu.memory_space<vmem>> -> memref<1x32xf32, #tpu.memory_space<vmem>>
      %dma_start3A_638 = tpu.memref_squeeze %dma_start3A_637 : memref<1x32xf32, #tpu.memory_space<vmem>> -> memref<32xf32, #tpu.memory_space<vmem>>
      %dma_start3A_639 = arith.constant 0 : i32
      %dma_start3A_640 = tpu.memref_slice %arg2[%squeeze3A_635, %dma_start3A_639] : memref<1000000x32xf32, #tpu.memory_space<hbm>> -> memref<1x32xf32, #tpu.memory_space<hbm>>
      %dma_start3A_641 = tpu.memref_squeeze %dma_start3A_640 : memref<1x32xf32, #tpu.memory_space<hbm>> -> memref<32xf32, #tpu.memory_space<hbm>>
      %dma_start3A_642 = arith.constant 0 : i32
      %dma_start3A_643 = tpu.memref_slice %arg7[%add3A_633, %dma_start3A_642] : memref<512x32xf32, #tpu.memory_space<vmem>> -> memref<1x32xf32, #tpu.memory_space<vmem>>
      %dma_start3A_644 = tpu.memref_squeeze %dma_start3A_643 : memref<1x32xf32, #tpu.memory_space<vmem>> -> memref<32xf32, #tpu.memory_space<vmem>>
      %dma_start3A_645 = arith.constant 0 : i32
      %dma_start3A_646 = tpu.memref_slice %arg2[%squeeze3A_635, %dma_start3A_645] : memref<1000000x32xf32, #tpu.memory_space<hbm>> -> memref<1x32xf32, #tpu.memory_space<hbm>>
      %dma_start3A_647 = tpu.memref_squeeze %dma_start3A_646 : memref<1x32xf32, #tpu.memory_space<hbm>> -> memref<32xf32, #tpu.memory_space<hbm>>
      tpu.enqueue_dma source(%dma_start3A_647 : memref<32xf32, #tpu.memory_space<hbm>>) target(%dma_start3A_644 : memref<32xf32, #tpu.memory_space<vmem>>) target_semaphore(%arg13 : memref<!tpu.dma_semaphore, #tpu.memory_space<semaphore_mem>>)
      %mul3A_648 = arith.constant 16 : i32
      %mul3A_649 = arith.muli %scan3A_382, %mul3A_648 : i32
      %add3A_650 = arith.constant 0 : i32
      %add3A_651 = arith.addi %add3A_650, %mul3A_649 : i32
      %add3A_652 = arith.constant 13 : i32
      %add3A_653 = arith.addi %add3A_651, %add3A_652 : i32
      %slice3A_654 = vector.extract_strided_slice %get3A_390 {offsets = [13], sizes = [1], strides = [1]} : vector<16xi32> to vector<1xi32>
      %squeeze3A_655 = vector.extract %slice3A_654[0] : i32 from vector<1xi32>
      %dma_start3A_656 = arith.constant 0 : i32
      %dma_start3A_657 = tpu.memref_slice %arg7[%add3A_653, %dma_start3A_656] : memref<512x32xf32, #tpu.memory_space<vmem>> -> memref<1x32xf32, #tpu.memory_space<vmem>>
      %dma_start3A_658 = tpu.memref_squeeze %dma_start3A_657 : memref<1x32xf32, #tpu.memory_space<vmem>> -> memref<32xf32, #tpu.memory_space<vmem>>
      %dma_start3A_659 = arith.constant 0 : i32
      %dma_start3A_660 = tpu.memref_slice %arg2[%squeeze3A_655, %dma_start3A_659] : memref<1000000x32xf32, #tpu.memory_space<hbm>> -> memref<1x32xf32, #tpu.memory_space<hbm>>
      %dma_start3A_661 = tpu.memref_squeeze %dma_start3A_660 : memref<1x32xf32, #tpu.memory_space<hbm>> -> memref<32xf32, #tpu.memory_space<hbm>>
      %dma_start3A_662 = arith.constant 0 : i32
      %dma_start3A_663 = tpu.memref_slice %arg7[%add3A_653, %dma_start3A_662] : memref<512x32xf32, #tpu.memory_space<vmem>> -> memref<1x32xf32, #tpu.memory_space<vmem>>
      %dma_start3A_664 = tpu.memref_squeeze %dma_start3A_663 : memref<1x32xf32, #tpu.memory_space<vmem>> -> memref<32xf32, #tpu.memory_space<vmem>>
      %dma_start3A_665 = arith.constant 0 : i32
      %dma_start3A_666 = tpu.memref_slice %arg2[%squeeze3A_655, %dma_start3A_665] : memref<1000000x32xf32, #tpu.memory_space<hbm>> -> memref<1x32xf32, #tpu.memory_space<hbm>>
      %dma_start3A_667 = tpu.memref_squeeze %dma_start3A_666 : memref<1x32xf32, #tpu.memory_space<hbm>> -> memref<32xf32, #tpu.memory_space<hbm>>
      tpu.enqueue_dma source(%dma_start3A_667 : memref<32xf32, #tpu.memory_space<hbm>>) target(%dma_start3A_664 : memref<32xf32, #tpu.memory_space<vmem>>) target_semaphore(%arg14 : memref<!tpu.dma_semaphore, #tpu.memory_space<semaphore_mem>>)
      %mul3A_668 = arith.constant 16 : i32
      %mul3A_669 = arith.muli %scan3A_382, %mul3A_668 : i32
      %add3A_670 = arith.constant 0 : i32
      %add3A_671 = arith.addi %add3A_670, %mul3A_669 : i32
      %add3A_672 = arith.constant 14 : i32
      %add3A_673 = arith.addi %add3A_671, %add3A_672 : i32
      %slice3A_674 = vector.extract_strided_slice %get3A_390 {offsets = [14], sizes = [1], strides = [1]} : vector<16xi32> to vector<1xi32>
      %squeeze3A_675 = vector.extract %slice3A_674[0] : i32 from vector<1xi32>
      %dma_start3A_676 = arith.constant 0 : i32
      %dma_start3A_677 = tpu.memref_slice %arg7[%add3A_673, %dma_start3A_676] : memref<512x32xf32, #tpu.memory_space<vmem>> -> memref<1x32xf32, #tpu.memory_space<vmem>>
      %dma_start3A_678 = tpu.memref_squeeze %dma_start3A_677 : memref<1x32xf32, #tpu.memory_space<vmem>> -> memref<32xf32, #tpu.memory_space<vmem>>
      %dma_start3A_679 = arith.constant 0 : i32
      %dma_start3A_680 = tpu.memref_slice %arg2[%squeeze3A_675, %dma_start3A_679] : memref<1000000x32xf32, #tpu.memory_space<hbm>> -> memref<1x32xf32, #tpu.memory_space<hbm>>
      %dma_start3A_681 = tpu.memref_squeeze %dma_start3A_680 : memref<1x32xf32, #tpu.memory_space<hbm>> -> memref<32xf32, #tpu.memory_space<hbm>>
      %dma_start3A_682 = arith.constant 0 : i32
      %dma_start3A_683 = tpu.memref_slice %arg7[%add3A_673, %dma_start3A_682] : memref<512x32xf32, #tpu.memory_space<vmem>> -> memref<1x32xf32, #tpu.memory_space<vmem>>
      %dma_start3A_684 = tpu.memref_squeeze %dma_start3A_683 : memref<1x32xf32, #tpu.memory_space<vmem>> -> memref<32xf32, #tpu.memory_space<vmem>>
      %dma_start3A_685 = arith.constant 0 : i32
      %dma_start3A_686 = tpu.memref_slice %arg2[%squeeze3A_675, %dma_start3A_685] : memref<1000000x32xf32, #tpu.memory_space<hbm>> -> memref<1x32xf32, #tpu.memory_space<hbm>>
      %dma_start3A_687 = tpu.memref_squeeze %dma_start3A_686 : memref<1x32xf32, #tpu.memory_space<hbm>> -> memref<32xf32, #tpu.memory_space<hbm>>
      tpu.enqueue_dma source(%dma_start3A_687 : memref<32xf32, #tpu.memory_space<hbm>>) target(%dma_start3A_684 : memref<32xf32, #tpu.memory_space<vmem>>) target_semaphore(%arg15 : memref<!tpu.dma_semaphore, #tpu.memory_space<semaphore_mem>>)
      %mul3A_688 = arith.constant 16 : i32
      %mul3A_689 = arith.muli %scan3A_382, %mul3A_688 : i32
      %add3A_690 = arith.constant 0 : i32
      %add3A_691 = arith.addi %add3A_690, %mul3A_689 : i32
      %add3A_692 = arith.constant 15 : i32
      %add3A_693 = arith.addi %add3A_691, %add3A_692 : i32
      %slice3A_694 = vector.extract_strided_slice %get3A_390 {offsets = [15], sizes = [1], strides = [1]} : vector<16xi32> to vector<1xi32>
      %squeeze3A_695 = vector.extract %slice3A_694[0] : i32 from vector<1xi32>
      %dma_start3A_696 = arith.constant 0 : i32
      %dma_start3A_697 = tpu.memref_slice %arg7[%add3A_693, %dma_start3A_696] : memref<512x32xf32, #tpu.memory_space<vmem>> -> memref<1x32xf32, #tpu.memory_space<vmem>>
      %dma_start3A_698 = tpu.memref_squeeze %dma_start3A_697 : memref<1x32xf32, #tpu.memory_space<vmem>> -> memref<32xf32, #tpu.memory_space<vmem>>
      %dma_start3A_699 = arith.constant 0 : i32
      %dma_start3A_700 = tpu.memref_slice %arg2[%squeeze3A_695, %dma_start3A_699] : memref<1000000x32xf32, #tpu.memory_space<hbm>> -> memref<1x32xf32, #tpu.memory_space<hbm>>
      %dma_start3A_701 = tpu.memref_squeeze %dma_start3A_700 : memref<1x32xf32, #tpu.memory_space<hbm>> -> memref<32xf32, #tpu.memory_space<hbm>>
      %dma_start3A_702 = arith.constant 0 : i32
      %dma_start3A_703 = tpu.memref_slice %arg7[%add3A_693, %dma_start3A_702] : memref<512x32xf32, #tpu.memory_space<vmem>> -> memref<1x32xf32, #tpu.memory_space<vmem>>
      %dma_start3A_704 = tpu.memref_squeeze %dma_start3A_703 : memref<1x32xf32, #tpu.memory_space<vmem>> -> memref<32xf32, #tpu.memory_space<vmem>>
      %dma_start3A_705 = arith.constant 0 : i32
      %dma_start3A_706 = tpu.memref_slice %arg2[%squeeze3A_695, %dma_start3A_705] : memref<1000000x32xf32, #tpu.memory_space<hbm>> -> memref<1x32xf32, #tpu.memory_space<hbm>>
      %dma_start3A_707 = tpu.memref_squeeze %dma_start3A_706 : memref<1x32xf32, #tpu.memory_space<hbm>> -> memref<32xf32, #tpu.memory_space<hbm>>
      tpu.enqueue_dma source(%dma_start3A_707 : memref<32xf32, #tpu.memory_space<hbm>>) target(%dma_start3A_704 : memref<32xf32, #tpu.memory_space<vmem>>) target_semaphore(%arg16 : memref<!tpu.dma_semaphore, #tpu.memory_space<semaphore_mem>>)
      %scan3A_708 = arith.constant 0 : i32
      scf.yield %scan3A_708 : i32
    }
    %scan3A_13 = arith.constant 8 : i32
    %scan3A_14 = arith.constant 0 : i32
    %scan3A_15 = arith.constant 0 : i32
    %scan3A_16 = arith.constant 8 : i32
    %scan3A_17 = arith.addi %scan3A_15, %scan3A_16 : i32
    %scan3A_18 = arith.constant 1 : i32
    %scan3A_19 = scf.for %scan3A_382 = %scan3A_15 to %scan3A_17 step %scan3A_18 iter_args(%scan3A_383 = %scan3A_14) -> (i32)  : i32 {
      %mul3A_384 = arith.constant 16 : i32
      %mul3A_385 = arith.muli %scan3A_382, %mul3A_384 : i32
      %add3A_386 = arith.constant 128 : i32
      %add3A_387 = arith.addi %add3A_386, %mul3A_385 : i32
      %get3A_388 = arith.index_cast %add3A_387 : i32 to index
      %get3A_389 = tpu.vector_load %arg6[%get3A_388] {strides = array<i32>} : memref<512xi32, #tpu.memory_space<vmem>>, vector<16xi32>,
      %get3A_390 = vector.shape_cast %get3A_389 : vector<16xi32> to vector<16xi32>
      %mul3A_391 = arith.constant 16 : i32
      %mul3A_392 = arith.muli %scan3A_382, %mul3A_391 : i32
      %add3A_393 = arith.constant 128 : i32
      %add3A_394 = arith.addi %add3A_393, %mul3A_392 : i32
      %add3A_395 = arith.constant 0 : i32
      %add3A_396 = arith.addi %add3A_394, %add3A_395 : i32
      %slice3A = vector.extract_strided_slice %get3A_390 {offsets = [0], sizes = [1], strides = [1]} : vector<16xi32> to vector<1xi32>
      %squeeze3A = vector.extract %slice3A[0] : i32 from vector<1xi32>
      %dma_start3A = arith.constant 0 : i32
      %dma_start3A_397 = tpu.memref_slice %arg7[%add3A_396, %dma_start3A] : memref<512x32xf32, #tpu.memory_space<vmem>> -> memref<1x32xf32, #tpu.memory_space<vmem>>
      %dma_start3A_398 = tpu.memref_squeeze %dma_start3A_397 : memref<1x32xf32, #tpu.memory_space<vmem>> -> memref<32xf32, #tpu.memory_space<vmem>>
      %dma_start3A_399 = arith.constant 0 : i32
      %dma_start3A_400 = tpu.memref_slice %arg2[%squeeze3A, %dma_start3A_399] : memref<1000000x32xf32, #tpu.memory_space<hbm>> -> memref<1x32xf32, #tpu.memory_space<hbm>>
      %dma_start3A_401 = tpu.memref_squeeze %dma_start3A_400 : memref<1x32xf32, #tpu.memory_space<hbm>> -> memref<32xf32, #tpu.memory_space<hbm>>
      %dma_start3A_402 = arith.constant 0 : i32
      %dma_start3A_403 = tpu.memref_slice %arg7[%add3A_396, %dma_start3A_402] : memref<512x32xf32, #tpu.memory_space<vmem>> -> memref<1x32xf32, #tpu.memory_space<vmem>>
      %dma_start3A_404 = tpu.memref_squeeze %dma_start3A_403 : memref<1x32xf32, #tpu.memory_space<vmem>> -> memref<32xf32, #tpu.memory_space<vmem>>
      %dma_start3A_405 = arith.constant 0 : i32
      %dma_start3A_406 = tpu.memref_slice %arg2[%squeeze3A, %dma_start3A_405] : memref<1000000x32xf32, #tpu.memory_space<hbm>> -> memref<1x32xf32, #tpu.memory_space<hbm>>
      %dma_start3A_407 = tpu.memref_squeeze %dma_start3A_406 : memref<1x32xf32, #tpu.memory_space<hbm>> -> memref<32xf32, #tpu.memory_space<hbm>>
      tpu.enqueue_dma source(%dma_start3A_407 : memref<32xf32, #tpu.memory_space<hbm>>) target(%dma_start3A_404 : memref<32xf32, #tpu.memory_space<vmem>>) target_semaphore(%arg9 : memref<!tpu.dma_semaphore, #tpu.memory_space<semaphore_mem>>)
      %mul3A_408 = arith.constant 16 : i32
      %mul3A_409 = arith.muli %scan3A_382, %mul3A_408 : i32
      %add3A_410 = arith.constant 128 : i32
      %add3A_411 = arith.addi %add3A_410, %mul3A_409 : i32
      %add3A_412 = arith.constant 1 : i32
      %add3A_413 = arith.addi %add3A_411, %add3A_412 : i32
      %slice3A_414 = vector.extract_strided_slice %get3A_390 {offsets = [1], sizes = [1], strides = [1]} : vector<16xi32> to vector<1xi32>
      %squeeze3A_415 = vector.extract %slice3A_414[0] : i32 from vector<1xi32>
      %dma_start3A_416 = arith.constant 0 : i32
      %dma_start3A_417 = tpu.memref_slice %arg7[%add3A_413, %dma_start3A_416] : memref<512x32xf32, #tpu.memory_space<vmem>> -> memref<1x32xf32, #tpu.memory_space<vmem>>
      %dma_start3A_418 = tpu.memref_squeeze %dma_start3A_417 : memref<1x32xf32, #tpu.memory_space<vmem>> -> memref<32xf32, #tpu.memory_space<vmem>>
      %dma_start3A_419 = arith.constant 0 : i32
      %dma_start3A_420 = tpu.memref_slice %arg2[%squeeze3A_415, %dma_start3A_419] : memref<1000000x32xf32, #tpu.memory_space<hbm>> -> memref<1x32xf32, #tpu.memory_space<hbm>>
      %dma_start3A_421 = tpu.memref_squeeze %dma_start3A_420 : memref<1x32xf32, #tpu.memory_space<hbm>> -> memref<32xf32, #tpu.memory_space<hbm>>
      %dma_start3A_422 = arith.constant 0 : i32
      %dma_start3A_423 = tpu.memref_slice %arg7[%add3A_413, %dma_start3A_422] : memref<512x32xf32, #tpu.memory_space<vmem>> -> memref<1x32xf32, #tpu.memory_space<vmem>>
      %dma_start3A_424 = tpu.memref_squeeze %dma_start3A_423 : memref<1x32xf32, #tpu.memory_space<vmem>> -> memref<32xf32, #tpu.memory_space<vmem>>
      %dma_start3A_425 = arith.constant 0 : i32
      %dma_start3A_426 = tpu.memref_slice %arg2[%squeeze3A_415, %dma_start3A_425] : memref<1000000x32xf32, #tpu.memory_space<hbm>> -> memref<1x32xf32, #tpu.memory_space<hbm>>
      %dma_start3A_427 = tpu.memref_squeeze %dma_start3A_426 : memref<1x32xf32, #tpu.memory_space<hbm>> -> memref<32xf32, #tpu.memory_space<hbm>>
      tpu.enqueue_dma source(%dma_start3A_427 : memref<32xf32, #tpu.memory_space<hbm>>) target(%dma_start3A_424 : memref<32xf32, #tpu.memory_space<vmem>>) target_semaphore(%arg10 : memref<!tpu.dma_semaphore, #tpu.memory_space<semaphore_mem>>)
      %mul3A_428 = arith.constant 16 : i32
      %mul3A_429 = arith.muli %scan3A_382, %mul3A_428 : i32
      %add3A_430 = arith.constant 128 : i32
      %add3A_431 = arith.addi %add3A_430, %mul3A_429 : i32
      %add3A_432 = arith.constant 2 : i32
      %add3A_433 = arith.addi %add3A_431, %add3A_432 : i32
      %slice3A_434 = vector.extract_strided_slice %get3A_390 {offsets = [2], sizes = [1], strides = [1]} : vector<16xi32> to vector<1xi32>
      %squeeze3A_435 = vector.extract %slice3A_434[0] : i32 from vector<1xi32>
      %dma_start3A_436 = arith.constant 0 : i32
      %dma_start3A_437 = tpu.memref_slice %arg7[%add3A_433, %dma_start3A_436] : memref<512x32xf32, #tpu.memory_space<vmem>> -> memref<1x32xf32, #tpu.memory_space<vmem>>
      %dma_start3A_438 = tpu.memref_squeeze %dma_start3A_437 : memref<1x32xf32, #tpu.memory_space<vmem>> -> memref<32xf32, #tpu.memory_space<vmem>>
      %dma_start3A_439 = arith.constant 0 : i32
      %dma_start3A_440 = tpu.memref_slice %arg2[%squeeze3A_435, %dma_start3A_439] : memref<1000000x32xf32, #tpu.memory_space<hbm>> -> memref<1x32xf32, #tpu.memory_space<hbm>>
      %dma_start3A_441 = tpu.memref_squeeze %dma_start3A_440 : memref<1x32xf32, #tpu.memory_space<hbm>> -> memref<32xf32, #tpu.memory_space<hbm>>
      %dma_start3A_442 = arith.constant 0 : i32
      %dma_start3A_443 = tpu.memref_slice %arg7[%add3A_433, %dma_start3A_442] : memref<512x32xf32, #tpu.memory_space<vmem>> -> memref<1x32xf32, #tpu.memory_space<vmem>>
      %dma_start3A_444 = tpu.memref_squeeze %dma_start3A_443 : memref<1x32xf32, #tpu.memory_space<vmem>> -> memref<32xf32, #tpu.memory_space<vmem>>
      %dma_start3A_445 = arith.constant 0 : i32
      %dma_start3A_446 = tpu.memref_slice %arg2[%squeeze3A_435, %dma_start3A_445] : memref<1000000x32xf32, #tpu.memory_space<hbm>> -> memref<1x32xf32, #tpu.memory_space<hbm>>
      %dma_start3A_447 = tpu.memref_squeeze %dma_start3A_446 : memref<1x32xf32, #tpu.memory_space<hbm>> -> memref<32xf32, #tpu.memory_space<hbm>>
      tpu.enqueue_dma source(%dma_start3A_447 : memref<32xf32, #tpu.memory_space<hbm>>) target(%dma_start3A_444 : memref<32xf32, #tpu.memory_space<vmem>>) target_semaphore(%arg11 : memref<!tpu.dma_semaphore, #tpu.memory_space<semaphore_mem>>)
      %mul3A_448 = arith.constant 16 : i32
      %mul3A_449 = arith.muli %scan3A_382, %mul3A_448 : i32
      %add3A_450 = arith.constant 128 : i32
      %add3A_451 = arith.addi %add3A_450, %mul3A_449 : i32
      %add3A_452 = arith.constant 3 : i32
      %add3A_453 = arith.addi %add3A_451, %add3A_452 : i32
      %slice3A_454 = vector.extract_strided_slice %get3A_390 {offsets = [3], sizes = [1], strides = [1]} : vector<16xi32> to vector<1xi32>
      %squeeze3A_455 = vector.extract %slice3A_454[0] : i32 from vector<1xi32>
      %dma_start3A_456 = arith.constant 0 : i32
      %dma_start3A_457 = tpu.memref_slice %arg7[%add3A_453, %dma_start3A_456] : memref<512x32xf32, #tpu.memory_space<vmem>> -> memref<1x32xf32, #tpu.memory_space<vmem>>
      %dma_start3A_458 = tpu.memref_squeeze %dma_start3A_457 : memref<1x32xf32, #tpu.memory_space<vmem>> -> memref<32xf32, #tpu.memory_space<vmem>>
      %dma_start3A_459 = arith.constant 0 : i32
      %dma_start3A_460 = tpu.memref_slice %arg2[%squeeze3A_455, %dma_start3A_459] : memref<1000000x32xf32, #tpu.memory_space<hbm>> -> memref<1x32xf32, #tpu.memory_space<hbm>>
      %dma_start3A_461 = tpu.memref_squeeze %dma_start3A_460 : memref<1x32xf32, #tpu.memory_space<hbm>> -> memref<32xf32, #tpu.memory_space<hbm>>
      %dma_start3A_462 = arith.constant 0 : i32
      %dma_start3A_463 = tpu.memref_slice %arg7[%add3A_453, %dma_start3A_462] : memref<512x32xf32, #tpu.memory_space<vmem>> -> memref<1x32xf32, #tpu.memory_space<vmem>>
      %dma_start3A_464 = tpu.memref_squeeze %dma_start3A_463 : memref<1x32xf32, #tpu.memory_space<vmem>> -> memref<32xf32, #tpu.memory_space<vmem>>
      %dma_start3A_465 = arith.constant 0 : i32
      %dma_start3A_466 = tpu.memref_slice %arg2[%squeeze3A_455, %dma_start3A_465] : memref<1000000x32xf32, #tpu.memory_space<hbm>> -> memref<1x32xf32, #tpu.memory_space<hbm>>
      %dma_start3A_467 = tpu.memref_squeeze %dma_start3A_466 : memref<1x32xf32, #tpu.memory_space<hbm>> -> memref<32xf32, #tpu.memory_space<hbm>>
      tpu.enqueue_dma source(%dma_start3A_467 : memref<32xf32, #tpu.memory_space<hbm>>) target(%dma_start3A_464 : memref<32xf32, #tpu.memory_space<vmem>>) target_semaphore(%arg12 : memref<!tpu.dma_semaphore, #tpu.memory_space<semaphore_mem>>)
      %mul3A_468 = arith.constant 16 : i32
      %mul3A_469 = arith.muli %scan3A_382, %mul3A_468 : i32
      %add3A_470 = arith.constant 128 : i32
      %add3A_471 = arith.addi %add3A_470, %mul3A_469 : i32
      %add3A_472 = arith.constant 4 : i32
      %add3A_473 = arith.addi %add3A_471, %add3A_472 : i32
      %slice3A_474 = vector.extract_strided_slice %get3A_390 {offsets = [4], sizes = [1], strides = [1]} : vector<16xi32> to vector<1xi32>
      %squeeze3A_475 = vector.extract %slice3A_474[0] : i32 from vector<1xi32>
      %dma_start3A_476 = arith.constant 0 : i32
      %dma_start3A_477 = tpu.memref_slice %arg7[%add3A_473, %dma_start3A_476] : memref<512x32xf32, #tpu.memory_space<vmem>> -> memref<1x32xf32, #tpu.memory_space<vmem>>
      %dma_start3A_478 = tpu.memref_squeeze %dma_start3A_477 : memref<1x32xf32, #tpu.memory_space<vmem>> -> memref<32xf32, #tpu.memory_space<vmem>>
      %dma_start3A_479 = arith.constant 0 : i32
      %dma_start3A_480 = tpu.memref_slice %arg2[%squeeze3A_475, %dma_start3A_479] : memref<1000000x32xf32, #tpu.memory_space<hbm>> -> memref<1x32xf32, #tpu.memory_space<hbm>>
      %dma_start3A_481 = tpu.memref_squeeze %dma_start3A_480 : memref<1x32xf32, #tpu.memory_space<hbm>> -> memref<32xf32, #tpu.memory_space<hbm>>
      %dma_start3A_482 = arith.constant 0 : i32
      %dma_start3A_483 = tpu.memref_slice %arg7[%add3A_473, %dma_start3A_482] : memref<512x32xf32, #tpu.memory_space<vmem>> -> memref<1x32xf32, #tpu.memory_space<vmem>>
      %dma_start3A_484 = tpu.memref_squeeze %dma_start3A_483 : memref<1x32xf32, #tpu.memory_space<vmem>> -> memref<32xf32, #tpu.memory_space<vmem>>
      %dma_start3A_485 = arith.constant 0 : i32
      %dma_start3A_486 = tpu.memref_slice %arg2[%squeeze3A_475, %dma_start3A_485] : memref<1000000x32xf32, #tpu.memory_space<hbm>> -> memref<1x32xf32, #tpu.memory_space<hbm>>
      %dma_start3A_487 = tpu.memref_squeeze %dma_start3A_486 : memref<1x32xf32, #tpu.memory_space<hbm>> -> memref<32xf32, #tpu.memory_space<hbm>>
      tpu.enqueue_dma source(%dma_start3A_487 : memref<32xf32, #tpu.memory_space<hbm>>) target(%dma_start3A_484 : memref<32xf32, #tpu.memory_space<vmem>>) target_semaphore(%arg13 : memref<!tpu.dma_semaphore, #tpu.memory_space<semaphore_mem>>)
      %mul3A_488 = arith.constant 16 : i32
      %mul3A_489 = arith.muli %scan3A_382, %mul3A_488 : i32
      %add3A_490 = arith.constant 128 : i32
      %add3A_491 = arith.addi %add3A_490, %mul3A_489 : i32
      %add3A_492 = arith.constant 5 : i32
      %add3A_493 = arith.addi %add3A_491, %add3A_492 : i32
      %slice3A_494 = vector.extract_strided_slice %get3A_390 {offsets = [5], sizes = [1], strides = [1]} : vector<16xi32> to vector<1xi32>
      %squeeze3A_495 = vector.extract %slice3A_494[0] : i32 from vector<1xi32>
      %dma_start3A_496 = arith.constant 0 : i32
      %dma_start3A_497 = tpu.memref_slice %arg7[%add3A_493, %dma_start3A_496] : memref<512x32xf32, #tpu.memory_space<vmem>> -> memref<1x32xf32, #tpu.memory_space<vmem>>
      %dma_start3A_498 = tpu.memref_squeeze %dma_start3A_497 : memref<1x32xf32, #tpu.memory_space<vmem>> -> memref<32xf32, #tpu.memory_space<vmem>>
      %dma_start3A_499 = arith.constant 0 : i32
      %dma_start3A_500 = tpu.memref_slice %arg2[%squeeze3A_495, %dma_start3A_499] : memref<1000000x32xf32, #tpu.memory_space<hbm>> -> memref<1x32xf32, #tpu.memory_space<hbm>>
      %dma_start3A_501 = tpu.memref_squeeze %dma_start3A_500 : memref<1x32xf32, #tpu.memory_space<hbm>> -> memref<32xf32, #tpu.memory_space<hbm>>
      %dma_start3A_502 = arith.constant 0 : i32
      %dma_start3A_503 = tpu.memref_slice %arg7[%add3A_493, %dma_start3A_502] : memref<512x32xf32, #tpu.memory_space<vmem>> -> memref<1x32xf32, #tpu.memory_space<vmem>>
      %dma_start3A_504 = tpu.memref_squeeze %dma_start3A_503 : memref<1x32xf32, #tpu.memory_space<vmem>> -> memref<32xf32, #tpu.memory_space<vmem>>
      %dma_start3A_505 = arith.constant 0 : i32
      %dma_start3A_506 = tpu.memref_slice %arg2[%squeeze3A_495, %dma_start3A_505] : memref<1000000x32xf32, #tpu.memory_space<hbm>> -> memref<1x32xf32, #tpu.memory_space<hbm>>
      %dma_start3A_507 = tpu.memref_squeeze %dma_start3A_506 : memref<1x32xf32, #tpu.memory_space<hbm>> -> memref<32xf32, #tpu.memory_space<hbm>>
      tpu.enqueue_dma source(%dma_start3A_507 : memref<32xf32, #tpu.memory_space<hbm>>) target(%dma_start3A_504 : memref<32xf32, #tpu.memory_space<vmem>>) target_semaphore(%arg14 : memref<!tpu.dma_semaphore, #tpu.memory_space<semaphore_mem>>)
      %mul3A_508 = arith.constant 16 : i32
      %mul3A_509 = arith.muli %scan3A_382, %mul3A_508 : i32
      %add3A_510 = arith.constant 128 : i32
      %add3A_511 = arith.addi %add3A_510, %mul3A_509 : i32
      %add3A_512 = arith.constant 6 : i32
      %add3A_513 = arith.addi %add3A_511, %add3A_512 : i32
      %slice3A_514 = vector.extract_strided_slice %get3A_390 {offsets = [6], sizes = [1], strides = [1]} : vector<16xi32> to vector<1xi32>
      %squeeze3A_515 = vector.extract %slice3A_514[0] : i32 from vector<1xi32>
      %dma_start3A_516 = arith.constant 0 : i32
      %dma_start3A_517 = tpu.memref_slice %arg7[%add3A_513, %dma_start3A_516] : memref<512x32xf32, #tpu.memory_space<vmem>> -> memref<1x32xf32, #tpu.memory_space<vmem>>
      %dma_start3A_518 = tpu.memref_squeeze %dma_start3A_517 : memref<1x32xf32, #tpu.memory_space<vmem>> -> memref<32xf32, #tpu.memory_space<vmem>>
      %dma_start3A_519 = arith.constant 0 : i32
      %dma_start3A_520 = tpu.memref_slice %arg2[%squeeze3A_515, %dma_start3A_519] : memref<1000000x32xf32, #tpu.memory_space<hbm>> -> memref<1x32xf32, #tpu.memory_space<hbm>>
      %dma_start3A_521 = tpu.memref_squeeze %dma_start3A_520 : memref<1x32xf32, #tpu.memory_space<hbm>> -> memref<32xf32, #tpu.memory_space<hbm>>
      %dma_start3A_522 = arith.constant 0 : i32
      %dma_start3A_523 = tpu.memref_slice %arg7[%add3A_513, %dma_start3A_522] : memref<512x32xf32, #tpu.memory_space<vmem>> -> memref<1x32xf32, #tpu.memory_space<vmem>>
      %dma_start3A_524 = tpu.memref_squeeze %dma_start3A_523 : memref<1x32xf32, #tpu.memory_space<vmem>> -> memref<32xf32, #tpu.memory_space<vmem>>
      %dma_start3A_525 = arith.constant 0 : i32
      %dma_start3A_526 = tpu.memref_slice %arg2[%squeeze3A_515, %dma_start3A_525] : memref<1000000x32xf32, #tpu.memory_space<hbm>> -> memref<1x32xf32, #tpu.memory_space<hbm>>
      %dma_start3A_527 = tpu.memref_squeeze %dma_start3A_526 : memref<1x32xf32, #tpu.memory_space<hbm>> -> memref<32xf32, #tpu.memory_space<hbm>>
      tpu.enqueue_dma source(%dma_start3A_527 : memref<32xf32, #tpu.memory_space<hbm>>) target(%dma_start3A_524 : memref<32xf32, #tpu.memory_space<vmem>>) target_semaphore(%arg15 : memref<!tpu.dma_semaphore, #tpu.memory_space<semaphore_mem>>)
      %mul3A_528 = arith.constant 16 : i32
      %mul3A_529 = arith.muli %scan3A_382, %mul3A_528 : i32
      %add3A_530 = arith.constant 128 : i32
      %add3A_531 = arith.addi %add3A_530, %mul3A_529 : i32
      %add3A_532 = arith.constant 7 : i32
      %add3A_533 = arith.addi %add3A_531, %add3A_532 : i32
      %slice3A_534 = vector.extract_strided_slice %get3A_390 {offsets = [7], sizes = [1], strides = [1]} : vector<16xi32> to vector<1xi32>
      %squeeze3A_535 = vector.extract %slice3A_534[0] : i32 from vector<1xi32>
      %dma_start3A_536 = arith.constant 0 : i32
      %dma_start3A_537 = tpu.memref_slice %arg7[%add3A_533, %dma_start3A_536] : memref<512x32xf32, #tpu.memory_space<vmem>> -> memref<1x32xf32, #tpu.memory_space<vmem>>
      %dma_start3A_538 = tpu.memref_squeeze %dma_start3A_537 : memref<1x32xf32, #tpu.memory_space<vmem>> -> memref<32xf32, #tpu.memory_space<vmem>>
      %dma_start3A_539 = arith.constant 0 : i32
      %dma_start3A_540 = tpu.memref_slice %arg2[%squeeze3A_535, %dma_start3A_539] : memref<1000000x32xf32, #tpu.memory_space<hbm>> -> memref<1x32xf32, #tpu.memory_space<hbm>>
      %dma_start3A_541 = tpu.memref_squeeze %dma_start3A_540 : memref<1x32xf32, #tpu.memory_space<hbm>> -> memref<32xf32, #tpu.memory_space<hbm>>
      %dma_start3A_542 = arith.constant 0 : i32
      %dma_start3A_543 = tpu.memref_slice %arg7[%add3A_533, %dma_start3A_542] : memref<512x32xf32, #tpu.memory_space<vmem>> -> memref<1x32xf32, #tpu.memory_space<vmem>>
      %dma_start3A_544 = tpu.memref_squeeze %dma_start3A_543 : memref<1x32xf32, #tpu.memory_space<vmem>> -> memref<32xf32, #tpu.memory_space<vmem>>
      %dma_start3A_545 = arith.constant 0 : i32
      %dma_start3A_546 = tpu.memref_slice %arg2[%squeeze3A_535, %dma_start3A_545] : memref<1000000x32xf32, #tpu.memory_space<hbm>> -> memref<1x32xf32, #tpu.memory_space<hbm>>
      %dma_start3A_547 = tpu.memref_squeeze %dma_start3A_546 : memref<1x32xf32, #tpu.memory_space<hbm>> -> memref<32xf32, #tpu.memory_space<hbm>>
      tpu.enqueue_dma source(%dma_start3A_547 : memref<32xf32, #tpu.memory_space<hbm>>) target(%dma_start3A_544 : memref<32xf32, #tpu.memory_space<vmem>>) target_semaphore(%arg16 : memref<!tpu.dma_semaphore, #tpu.memory_space<semaphore_mem>>)
      %mul3A_548 = arith.constant 16 : i32
      %mul3A_549 = arith.muli %scan3A_382, %mul3A_548 : i32
      %add3A_550 = arith.constant 128 : i32
      %add3A_551 = arith.addi %add3A_550, %mul3A_549 : i32
      %add3A_552 = arith.constant 8 : i32
      %add3A_553 = arith.addi %add3A_551, %add3A_552 : i32
      %slice3A_554 = vector.extract_strided_slice %get3A_390 {offsets = [8], sizes = [1], strides = [1]} : vector<16xi32> to vector<1xi32>
      %squeeze3A_555 = vector.extract %slice3A_554[0] : i32 from vector<1xi32>
      %dma_start3A_556 = arith.constant 0 : i32
      %dma_start3A_557 = tpu.memref_slice %arg7[%add3A_553, %dma_start3A_556] : memref<512x32xf32, #tpu.memory_space<vmem>> -> memref<1x32xf32, #tpu.memory_space<vmem>>
      %dma_start3A_558 = tpu.memref_squeeze %dma_start3A_557 : memref<1x32xf32, #tpu.memory_space<vmem>> -> memref<32xf32, #tpu.memory_space<vmem>>
      %dma_start3A_559 = arith.constant 0 : i32
      %dma_start3A_560 = tpu.memref_slice %arg2[%squeeze3A_555, %dma_start3A_559] : memref<1000000x32xf32, #tpu.memory_space<hbm>> -> memref<1x32xf32, #tpu.memory_space<hbm>>
      %dma_start3A_561 = tpu.memref_squeeze %dma_start3A_560 : memref<1x32xf32, #tpu.memory_space<hbm>> -> memref<32xf32, #tpu.memory_space<hbm>>
      %dma_start3A_562 = arith.constant 0 : i32
      %dma_start3A_563 = tpu.memref_slice %arg7[%add3A_553, %dma_start3A_562] : memref<512x32xf32, #tpu.memory_space<vmem>> -> memref<1x32xf32, #tpu.memory_space<vmem>>
      %dma_start3A_564 = tpu.memref_squeeze %dma_start3A_563 : memref<1x32xf32, #tpu.memory_space<vmem>> -> memref<32xf32, #tpu.memory_space<vmem>>
      %dma_start3A_565 = arith.constant 0 : i32
      %dma_start3A_566 = tpu.memref_slice %arg2[%squeeze3A_555, %dma_start3A_565] : memref<1000000x32xf32, #tpu.memory_space<hbm>> -> memref<1x32xf32, #tpu.memory_space<hbm>>
      %dma_start3A_567 = tpu.memref_squeeze %dma_start3A_566 : memref<1x32xf32, #tpu.memory_space<hbm>> -> memref<32xf32, #tpu.memory_space<hbm>>
      tpu.enqueue_dma source(%dma_start3A_567 : memref<32xf32, #tpu.memory_space<hbm>>) target(%dma_start3A_564 : memref<32xf32, #tpu.memory_space<vmem>>) target_semaphore(%arg9 : memref<!tpu.dma_semaphore, #tpu.memory_space<semaphore_mem>>)
      %mul3A_568 = arith.constant 16 : i32
      %mul3A_569 = arith.muli %scan3A_382, %mul3A_568 : i32
      %add3A_570 = arith.constant 128 : i32
      %add3A_571 = arith.addi %add3A_570, %mul3A_569 : i32
      %add3A_572 = arith.constant 9 : i32
      %add3A_573 = arith.addi %add3A_571, %add3A_572 : i32
      %slice3A_574 = vector.extract_strided_slice %get3A_390 {offsets = [9], sizes = [1], strides = [1]} : vector<16xi32> to vector<1xi32>
      %squeeze3A_575 = vector.extract %slice3A_574[0] : i32 from vector<1xi32>
      %dma_start3A_576 = arith.constant 0 : i32
      %dma_start3A_577 = tpu.memref_slice %arg7[%add3A_573, %dma_start3A_576] : memref<512x32xf32, #tpu.memory_space<vmem>> -> memref<1x32xf32, #tpu.memory_space<vmem>>
      %dma_start3A_578 = tpu.memref_squeeze %dma_start3A_577 : memref<1x32xf32, #tpu.memory_space<vmem>> -> memref<32xf32, #tpu.memory_space<vmem>>
      %dma_start3A_579 = arith.constant 0 : i32
      %dma_start3A_580 = tpu.memref_slice %arg2[%squeeze3A_575, %dma_start3A_579] : memref<1000000x32xf32, #tpu.memory_space<hbm>> -> memref<1x32xf32, #tpu.memory_space<hbm>>
      %dma_start3A_581 = tpu.memref_squeeze %dma_start3A_580 : memref<1x32xf32, #tpu.memory_space<hbm>> -> memref<32xf32, #tpu.memory_space<hbm>>
      %dma_start3A_582 = arith.constant 0 : i32
      %dma_start3A_583 = tpu.memref_slice %arg7[%add3A_573, %dma_start3A_582] : memref<512x32xf32, #tpu.memory_space<vmem>> -> memref<1x32xf32, #tpu.memory_space<vmem>>
      %dma_start3A_584 = tpu.memref_squeeze %dma_start3A_583 : memref<1x32xf32, #tpu.memory_space<vmem>> -> memref<32xf32, #tpu.memory_space<vmem>>
      %dma_start3A_585 = arith.constant 0 : i32
      %dma_start3A_586 = tpu.memref_slice %arg2[%squeeze3A_575, %dma_start3A_585] : memref<1000000x32xf32, #tpu.memory_space<hbm>> -> memref<1x32xf32, #tpu.memory_space<hbm>>
      %dma_start3A_587 = tpu.memref_squeeze %dma_start3A_586 : memref<1x32xf32, #tpu.memory_space<hbm>> -> memref<32xf32, #tpu.memory_space<hbm>>
      tpu.enqueue_dma source(%dma_start3A_587 : memref<32xf32, #tpu.memory_space<hbm>>) target(%dma_start3A_584 : memref<32xf32, #tpu.memory_space<vmem>>) target_semaphore(%arg10 : memref<!tpu.dma_semaphore, #tpu.memory_space<semaphore_mem>>)
      %mul3A_588 = arith.constant 16 : i32
      %mul3A_589 = arith.muli %scan3A_382, %mul3A_588 : i32
      %add3A_590 = arith.constant 128 : i32
      %add3A_591 = arith.addi %add3A_590, %mul3A_589 : i32
      %add3A_592 = arith.constant 10 : i32
      %add3A_593 = arith.addi %add3A_591, %add3A_592 : i32
      %slice3A_594 = vector.extract_strided_slice %get3A_390 {offsets = [10], sizes = [1], strides = [1]} : vector<16xi32> to vector<1xi32>
      %squeeze3A_595 = vector.extract %slice3A_594[0] : i32 from vector<1xi32>
      %dma_start3A_596 = arith.constant 0 : i32
      %dma_start3A_597 = tpu.memref_slice %arg7[%add3A_593, %dma_start3A_596] : memref<512x32xf32, #tpu.memory_space<vmem>> -> memref<1x32xf32, #tpu.memory_space<vmem>>
      %dma_start3A_598 = tpu.memref_squeeze %dma_start3A_597 : memref<1x32xf32, #tpu.memory_space<vmem>> -> memref<32xf32, #tpu.memory_space<vmem>>
      %dma_start3A_599 = arith.constant 0 : i32
      %dma_start3A_600 = tpu.memref_slice %arg2[%squeeze3A_595, %dma_start3A_599] : memref<1000000x32xf32, #tpu.memory_space<hbm>> -> memref<1x32xf32, #tpu.memory_space<hbm>>
      %dma_start3A_601 = tpu.memref_squeeze %dma_start3A_600 : memref<1x32xf32, #tpu.memory_space<hbm>> -> memref<32xf32, #tpu.memory_space<hbm>>
      %dma_start3A_602 = arith.constant 0 : i32
      %dma_start3A_603 = tpu.memref_slice %arg7[%add3A_593, %dma_start3A_602] : memref<512x32xf32, #tpu.memory_space<vmem>> -> memref<1x32xf32, #tpu.memory_space<vmem>>
      %dma_start3A_604 = tpu.memref_squeeze %dma_start3A_603 : memref<1x32xf32, #tpu.memory_space<vmem>> -> memref<32xf32, #tpu.memory_space<vmem>>
      %dma_start3A_605 = arith.constant 0 : i32
      %dma_start3A_606 = tpu.memref_slice %arg2[%squeeze3A_595, %dma_start3A_605] : memref<1000000x32xf32, #tpu.memory_space<hbm>> -> memref<1x32xf32, #tpu.memory_space<hbm>>
      %dma_start3A_607 = tpu.memref_squeeze %dma_start3A_606 : memref<1x32xf32, #tpu.memory_space<hbm>> -> memref<32xf32, #tpu.memory_space<hbm>>
      tpu.enqueue_dma source(%dma_start3A_607 : memref<32xf32, #tpu.memory_space<hbm>>) target(%dma_start3A_604 : memref<32xf32, #tpu.memory_space<vmem>>) target_semaphore(%arg11 : memref<!tpu.dma_semaphore, #tpu.memory_space<semaphore_mem>>)
      %mul3A_608 = arith.constant 16 : i32
      %mul3A_609 = arith.muli %scan3A_382, %mul3A_608 : i32
      %add3A_610 = arith.constant 128 : i32
      %add3A_611 = arith.addi %add3A_610, %mul3A_609 : i32
      %add3A_612 = arith.constant 11 : i32
      %add3A_613 = arith.addi %add3A_611, %add3A_612 : i32
      %slice3A_614 = vector.extract_strided_slice %get3A_390 {offsets = [11], sizes = [1], strides = [1]} : vector<16xi32> to vector<1xi32>
      %squeeze3A_615 = vector.extract %slice3A_614[0] : i32 from vector<1xi32>
      %dma_start3A_616 = arith.constant 0 : i32
      %dma_start3A_617 = tpu.memref_slice %arg7[%add3A_613, %dma_start3A_616] : memref<512x32xf32, #tpu.memory_space<vmem>> -> memref<1x32xf32, #tpu.memory_space<vmem>>
      %dma_start3A_618 = tpu.memref_squeeze %dma_start3A_617 : memref<1x32xf32, #tpu.memory_space<vmem>> -> memref<32xf32, #tpu.memory_space<vmem>>
      %dma_start3A_619 = arith.constant 0 : i32
      %dma_start3A_620 = tpu.memref_slice %arg2[%squeeze3A_615, %dma_start3A_619] : memref<1000000x32xf32, #tpu.memory_space<hbm>> -> memref<1x32xf32, #tpu.memory_space<hbm>>
      %dma_start3A_621 = tpu.memref_squeeze %dma_start3A_620 : memref<1x32xf32, #tpu.memory_space<hbm>> -> memref<32xf32, #tpu.memory_space<hbm>>
      %dma_start3A_622 = arith.constant 0 : i32
      %dma_start3A_623 = tpu.memref_slice %arg7[%add3A_613, %dma_start3A_622] : memref<512x32xf32, #tpu.memory_space<vmem>> -> memref<1x32xf32, #tpu.memory_space<vmem>>
      %dma_start3A_624 = tpu.memref_squeeze %dma_start3A_623 : memref<1x32xf32, #tpu.memory_space<vmem>> -> memref<32xf32, #tpu.memory_space<vmem>>
      %dma_start3A_625 = arith.constant 0 : i32
      %dma_start3A_626 = tpu.memref_slice %arg2[%squeeze3A_615, %dma_start3A_625] : memref<1000000x32xf32, #tpu.memory_space<hbm>> -> memref<1x32xf32, #tpu.memory_space<hbm>>
      %dma_start3A_627 = tpu.memref_squeeze %dma_start3A_626 : memref<1x32xf32, #tpu.memory_space<hbm>> -> memref<32xf32, #tpu.memory_space<hbm>>
      tpu.enqueue_dma source(%dma_start3A_627 : memref<32xf32, #tpu.memory_space<hbm>>) target(%dma_start3A_624 : memref<32xf32, #tpu.memory_space<vmem>>) target_semaphore(%arg12 : memref<!tpu.dma_semaphore, #tpu.memory_space<semaphore_mem>>)
      %mul3A_628 = arith.constant 16 : i32
      %mul3A_629 = arith.muli %scan3A_382, %mul3A_628 : i32
      %add3A_630 = arith.constant 128 : i32
      %add3A_631 = arith.addi %add3A_630, %mul3A_629 : i32
      %add3A_632 = arith.constant 12 : i32
      %add3A_633 = arith.addi %add3A_631, %add3A_632 : i32
      %slice3A_634 = vector.extract_strided_slice %get3A_390 {offsets = [12], sizes = [1], strides = [1]} : vector<16xi32> to vector<1xi32>
      %squeeze3A_635 = vector.extract %slice3A_634[0] : i32 from vector<1xi32>
      %dma_start3A_636 = arith.constant 0 : i32
      %dma_start3A_637 = tpu.memref_slice %arg7[%add3A_633, %dma_start3A_636] : memref<512x32xf32, #tpu.memory_space<vmem>> -> memref<1x32xf32, #tpu.memory_space<vmem>>
      %dma_start3A_638 = tpu.memref_squeeze %dma_start3A_637 : memref<1x32xf32, #tpu.memory_space<vmem>> -> memref<32xf32, #tpu.memory_space<vmem>>
      %dma_start3A_639 = arith.constant 0 : i32
      %dma_start3A_640 = tpu.memref_slice %arg2[%squeeze3A_635, %dma_start3A_639] : memref<1000000x32xf32, #tpu.memory_space<hbm>> -> memref<1x32xf32, #tpu.memory_space<hbm>>
      %dma_start3A_641 = tpu.memref_squeeze %dma_start3A_640 : memref<1x32xf32, #tpu.memory_space<hbm>> -> memref<32xf32, #tpu.memory_space<hbm>>
      %dma_start3A_642 = arith.constant 0 : i32
      %dma_start3A_643 = tpu.memref_slice %arg7[%add3A_633, %dma_start3A_642] : memref<512x32xf32, #tpu.memory_space<vmem>> -> memref<1x32xf32, #tpu.memory_space<vmem>>
      %dma_start3A_644 = tpu.memref_squeeze %dma_start3A_643 : memref<1x32xf32, #tpu.memory_space<vmem>> -> memref<32xf32, #tpu.memory_space<vmem>>
      %dma_start3A_645 = arith.constant 0 : i32
      %dma_start3A_646 = tpu.memref_slice %arg2[%squeeze3A_635, %dma_start3A_645] : memref<1000000x32xf32, #tpu.memory_space<hbm>> -> memref<1x32xf32, #tpu.memory_space<hbm>>
      %dma_start3A_647 = tpu.memref_squeeze %dma_start3A_646 : memref<1x32xf32, #tpu.memory_space<hbm>> -> memref<32xf32, #tpu.memory_space<hbm>>
      tpu.enqueue_dma source(%dma_start3A_647 : memref<32xf32, #tpu.memory_space<hbm>>) target(%dma_start3A_644 : memref<32xf32, #tpu.memory_space<vmem>>) target_semaphore(%arg13 : memref<!tpu.dma_semaphore, #tpu.memory_space<semaphore_mem>>)
      %mul3A_648 = arith.constant 16 : i32
      %mul3A_649 = arith.muli %scan3A_382, %mul3A_648 : i32
      %add3A_650 = arith.constant 128 : i32
      %add3A_651 = arith.addi %add3A_650, %mul3A_649 : i32
      %add3A_652 = arith.constant 13 : i32
      %add3A_653 = arith.addi %add3A_651, %add3A_652 : i32
      %slice3A_654 = vector.extract_strided_slice %get3A_390 {offsets = [13], sizes = [1], strides = [1]} : vector<16xi32> to vector<1xi32>
      %squeeze3A_655 = vector.extract %slice3A_654[0] : i32 from vector<1xi32>
      %dma_start3A_656 = arith.constant 0 : i32
      %dma_start3A_657 = tpu.memref_slice %arg7[%add3A_653, %dma_start3A_656] : memref<512x32xf32, #tpu.memory_space<vmem>> -> memref<1x32xf32, #tpu.memory_space<vmem>>
      %dma_start3A_658 = tpu.memref_squeeze %dma_start3A_657 : memref<1x32xf32, #tpu.memory_space<vmem>> -> memref<32xf32, #tpu.memory_space<vmem>>
      %dma_start3A_659 = arith.constant 0 : i32
      %dma_start3A_660 = tpu.memref_slice %arg2[%squeeze3A_655, %dma_start3A_659] : memref<1000000x32xf32, #tpu.memory_space<hbm>> -> memref<1x32xf32, #tpu.memory_space<hbm>>
      %dma_start3A_661 = tpu.memref_squeeze %dma_start3A_660 : memref<1x32xf32, #tpu.memory_space<hbm>> -> memref<32xf32, #tpu.memory_space<hbm>>
      %dma_start3A_662 = arith.constant 0 : i32
      %dma_start3A_663 = tpu.memref_slice %arg7[%add3A_653, %dma_start3A_662] : memref<512x32xf32, #tpu.memory_space<vmem>> -> memref<1x32xf32, #tpu.memory_space<vmem>>
      %dma_start3A_664 = tpu.memref_squeeze %dma_start3A_663 : memref<1x32xf32, #tpu.memory_space<vmem>> -> memref<32xf32, #tpu.memory_space<vmem>>
      %dma_start3A_665 = arith.constant 0 : i32
      %dma_start3A_666 = tpu.memref_slice %arg2[%squeeze3A_655, %dma_start3A_665] : memref<1000000x32xf32, #tpu.memory_space<hbm>> -> memref<1x32xf32, #tpu.memory_space<hbm>>
      %dma_start3A_667 = tpu.memref_squeeze %dma_start3A_666 : memref<1x32xf32, #tpu.memory_space<hbm>> -> memref<32xf32, #tpu.memory_space<hbm>>
      tpu.enqueue_dma source(%dma_start3A_667 : memref<32xf32, #tpu.memory_space<hbm>>) target(%dma_start3A_664 : memref<32xf32, #tpu.memory_space<vmem>>) target_semaphore(%arg14 : memref<!tpu.dma_semaphore, #tpu.memory_space<semaphore_mem>>)
      %mul3A_668 = arith.constant 16 : i32
      %mul3A_669 = arith.muli %scan3A_382, %mul3A_668 : i32
      %add3A_670 = arith.constant 128 : i32
      %add3A_671 = arith.addi %add3A_670, %mul3A_669 : i32
      %add3A_672 = arith.constant 14 : i32
      %add3A_673 = arith.addi %add3A_671, %add3A_672 : i32
      %slice3A_674 = vector.extract_strided_slice %get3A_390 {offsets = [14], sizes = [1], strides = [1]} : vector<16xi32> to vector<1xi32>
      %squeeze3A_675 = vector.extract %slice3A_674[0] : i32 from vector<1xi32>
      %dma_start3A_676 = arith.constant 0 : i32
      %dma_start3A_677 = tpu.memref_slice %arg7[%add3A_673, %dma_start3A_676] : memref<512x32xf32, #tpu.memory_space<vmem>> -> memref<1x32xf32, #tpu.memory_space<vmem>>
      %dma_start3A_678 = tpu.memref_squeeze %dma_start3A_677 : memref<1x32xf32, #tpu.memory_space<vmem>> -> memref<32xf32, #tpu.memory_space<vmem>>
      %dma_start3A_679 = arith.constant 0 : i32
      %dma_start3A_680 = tpu.memref_slice %arg2[%squeeze3A_675, %dma_start3A_679] : memref<1000000x32xf32, #tpu.memory_space<hbm>> -> memref<1x32xf32, #tpu.memory_space<hbm>>
      %dma_start3A_681 = tpu.memref_squeeze %dma_start3A_680 : memref<1x32xf32, #tpu.memory_space<hbm>> -> memref<32xf32, #tpu.memory_space<hbm>>
      %dma_start3A_682 = arith.constant 0 : i32
      %dma_start3A_683 = tpu.memref_slice %arg7[%add3A_673, %dma_start3A_682] : memref<512x32xf32, #tpu.memory_space<vmem>> -> memref<1x32xf32, #tpu.memory_space<vmem>>
      %dma_start3A_684 = tpu.memref_squeeze %dma_start3A_683 : memref<1x32xf32, #tpu.memory_space<vmem>> -> memref<32xf32, #tpu.memory_space<vmem>>
      %dma_start3A_685 = arith.constant 0 : i32
      %dma_start3A_686 = tpu.memref_slice %arg2[%squeeze3A_675, %dma_start3A_685] : memref<1000000x32xf32, #tpu.memory_space<hbm>> -> memref<1x32xf32, #tpu.memory_space<hbm>>
      %dma_start3A_687 = tpu.memref_squeeze %dma_start3A_686 : memref<1x32xf32, #tpu.memory_space<hbm>> -> memref<32xf32, #tpu.memory_space<hbm>>
      tpu.enqueue_dma source(%dma_start3A_687 : memref<32xf32, #tpu.memory_space<hbm>>) target(%dma_start3A_684 : memref<32xf32, #tpu.memory_space<vmem>>) target_semaphore(%arg15 : memref<!tpu.dma_semaphore, #tpu.memory_space<semaphore_mem>>)
      %mul3A_688 = arith.constant 16 : i32
      %mul3A_689 = arith.muli %scan3A_382, %mul3A_688 : i32
      %add3A_690 = arith.constant 128 : i32
      %add3A_691 = arith.addi %add3A_690, %mul3A_689 : i32
      %add3A_692 = arith.constant 15 : i32
      %add3A_693 = arith.addi %add3A_691, %add3A_692 : i32
      %slice3A_694 = vector.extract_strided_slice %get3A_390 {offsets = [15], sizes = [1], strides = [1]} : vector<16xi32> to vector<1xi32>
      %squeeze3A_695 = vector.extract %slice3A_694[0] : i32 from vector<1xi32>
      %dma_start3A_696 = arith.constant 0 : i32
      %dma_start3A_697 = tpu.memref_slice %arg7[%add3A_693, %dma_start3A_696] : memref<512x32xf32, #tpu.memory_space<vmem>> -> memref<1x32xf32, #tpu.memory_space<vmem>>
      %dma_start3A_698 = tpu.memref_squeeze %dma_start3A_697 : memref<1x32xf32, #tpu.memory_space<vmem>> -> memref<32xf32, #tpu.memory_space<vmem>>
      %dma_start3A_699 = arith.constant 0 : i32
      %dma_start3A_700 = tpu.memref_slice %arg2[%squeeze3A_695, %dma_start3A_699] : memref<1000000x32xf32, #tpu.memory_space<hbm>> -> memref<1x32xf32, #tpu.memory_space<hbm>>
      %dma_start3A_701 = tpu.memref_squeeze %dma_start3A_700 : memref<1x32xf32, #tpu.memory_space<hbm>> -> memref<32xf32, #tpu.memory_space<hbm>>
      %dma_start3A_702 = arith.constant 0 : i32
      %dma_start3A_703 = tpu.memref_slice %arg7[%add3A_693, %dma_start3A_702] : memref<512x32xf32, #tpu.memory_space<vmem>> -> memref<1x32xf32, #tpu.memory_space<vmem>>
      %dma_start3A_704 = tpu.memref_squeeze %dma_start3A_703 : memref<1x32xf32, #tpu.memory_space<vmem>> -> memref<32xf32, #tpu.memory_space<vmem>>
      %dma_start3A_705 = arith.constant 0 : i32
      %dma_start3A_706 = tpu.memref_slice %arg2[%squeeze3A_695, %dma_start3A_705] : memref<1000000x32xf32, #tpu.memory_space<hbm>> -> memref<1x32xf32, #tpu.memory_space<hbm>>
      %dma_start3A_707 = tpu.memref_squeeze %dma_start3A_706 : memref<1x32xf32, #tpu.memory_space<hbm>> -> memref<32xf32, #tpu.memory_space<hbm>>
      tpu.enqueue_dma source(%dma_start3A_707 : memref<32xf32, #tpu.memory_space<hbm>>) target(%dma_start3A_704 : memref<32xf32, #tpu.memory_space<vmem>>) target_semaphore(%arg16 : memref<!tpu.dma_semaphore, #tpu.memory_space<semaphore_mem>>)
      %scan3A_708 = arith.constant 0 : i32
      scf.yield %scan3A_708 : i32
    }
    %scan3A_20 = arith.constant 8 : i32
    %dma_wait3A = arith.constant 0 : i32
    %dma_wait3A_21 = arith.constant 0 : i32
    %dma_wait3A_22 = tpu.memref_slice %arg7[%dma_wait3A, %dma_wait3A_21] : memref<512x32xf32, #tpu.memory_space<vmem>> -> memref<16x32xf32, #tpu.memory_space<vmem>>
    %dma_wait3A_23 = arith.constant 0 : i32
    %dma_wait3A_24 = tpu.memref_slice %arg5[%mul3A_2, %dma_wait3A_23] : memref<16384x32xf32, #tpu.memory_space<hbm>> -> memref<16x32xf32, #tpu.memory_space<hbm>>
    %dma_wait3A_25 = arith.constant 0 : i32
    %dma_wait3A_26 = arith.constant 0 : i32
    %dma_wait3A_27 = tpu.memref_slice %arg7[%dma_wait3A_25, %dma_wait3A_26] : memref<512x32xf32, #tpu.memory_space<vmem>> -> memref<16x32xf32, #tpu.memory_space<vmem>>
    %dma_wait3A_28 = arith.constant 0 : i32
    %dma_wait3A_29 = tpu.memref_slice %arg5[%mul3A_2, %dma_wait3A_28] : memref<16384x32xf32, #tpu.memory_space<hbm>> -> memref<16x32xf32, #tpu.memory_space<hbm>>
    tpu.wait_dma2 semaphore(%arg9 : memref<!tpu.dma_semaphore, #tpu.memory_space<semaphore_mem>>) src(%dma_wait3A_29 : memref<16x32xf32, #tpu.memory_space<hbm>>) dst(%dma_wait3A_27 : memref<16x32xf32, #tpu.memory_space<vmem>>)
    %dma_wait3A_30 = arith.constant 0 : i32
    %dma_wait3A_31 = arith.constant 0 : i32
    %dma_wait3A_32 = tpu.memref_slice %arg7[%dma_wait3A_30, %dma_wait3A_31] : memref<512x32xf32, #tpu.memory_space<vmem>> -> memref<16x32xf32, #tpu.memory_space<vmem>>
    %dma_wait3A_33 = arith.constant 0 : i32
    %dma_wait3A_34 = tpu.memref_slice %arg5[%mul3A_2, %dma_wait3A_33] : memref<16384x32xf32, #tpu.memory_space<hbm>> -> memref<16x32xf32, #tpu.memory_space<hbm>>
    %dma_wait3A_35 = arith.constant 0 : i32
    %dma_wait3A_36 = arith.constant 0 : i32
    %dma_wait3A_37 = tpu.memref_slice %arg7[%dma_wait3A_35, %dma_wait3A_36] : memref<512x32xf32, #tpu.memory_space<vmem>> -> memref<16x32xf32, #tpu.memory_space<vmem>>
    %dma_wait3A_38 = arith.constant 0 : i32
    %dma_wait3A_39 = tpu.memref_slice %arg5[%mul3A_2, %dma_wait3A_38] : memref<16384x32xf32, #tpu.memory_space<hbm>> -> memref<16x32xf32, #tpu.memory_space<hbm>>
    tpu.wait_dma2 semaphore(%arg10 : memref<!tpu.dma_semaphore, #tpu.memory_space<semaphore_mem>>) src(%dma_wait3A_39 : memref<16x32xf32, #tpu.memory_space<hbm>>) dst(%dma_wait3A_37 : memref<16x32xf32, #tpu.memory_space<vmem>>)
    %dma_wait3A_40 = arith.constant 0 : i32
    %dma_wait3A_41 = arith.constant 0 : i32
    %dma_wait3A_42 = tpu.memref_slice %arg7[%dma_wait3A_40, %dma_wait3A_41] : memref<512x32xf32, #tpu.memory_space<vmem>> -> memref<16x32xf32, #tpu.memory_space<vmem>>
    %dma_wait3A_43 = arith.constant 0 : i32
    %dma_wait3A_44 = tpu.memref_slice %arg5[%mul3A_2, %dma_wait3A_43] : memref<16384x32xf32, #tpu.memory_space<hbm>> -> memref<16x32xf32, #tpu.memory_space<hbm>>
    %dma_wait3A_45 = arith.constant 0 : i32
    %dma_wait3A_46 = arith.constant 0 : i32
    %dma_wait3A_47 = tpu.memref_slice %arg7[%dma_wait3A_45, %dma_wait3A_46] : memref<512x32xf32, #tpu.memory_space<vmem>> -> memref<16x32xf32, #tpu.memory_space<vmem>>
    %dma_wait3A_48 = arith.constant 0 : i32
    %dma_wait3A_49 = tpu.memref_slice %arg5[%mul3A_2, %dma_wait3A_48] : memref<16384x32xf32, #tpu.memory_space<hbm>> -> memref<16x32xf32, #tpu.memory_space<hbm>>
    tpu.wait_dma2 semaphore(%arg11 : memref<!tpu.dma_semaphore, #tpu.memory_space<semaphore_mem>>) src(%dma_wait3A_49 : memref<16x32xf32, #tpu.memory_space<hbm>>) dst(%dma_wait3A_47 : memref<16x32xf32, #tpu.memory_space<vmem>>)
    %dma_wait3A_50 = arith.constant 0 : i32
    %dma_wait3A_51 = arith.constant 0 : i32
    %dma_wait3A_52 = tpu.memref_slice %arg7[%dma_wait3A_50, %dma_wait3A_51] : memref<512x32xf32, #tpu.memory_space<vmem>> -> memref<16x32xf32, #tpu.memory_space<vmem>>
    %dma_wait3A_53 = arith.constant 0 : i32
    %dma_wait3A_54 = tpu.memref_slice %arg5[%mul3A_2, %dma_wait3A_53] : memref<16384x32xf32, #tpu.memory_space<hbm>> -> memref<16x32xf32, #tpu.memory_space<hbm>>
    %dma_wait3A_55 = arith.constant 0 : i32
    %dma_wait3A_56 = arith.constant 0 : i32
    %dma_wait3A_57 = tpu.memref_slice %arg7[%dma_wait3A_55, %dma_wait3A_56] : memref<512x32xf32, #tpu.memory_space<vmem>> -> memref<16x32xf32, #tpu.memory_space<vmem>>
    %dma_wait3A_58 = arith.constant 0 : i32
    %dma_wait3A_59 = tpu.memref_slice %arg5[%mul3A_2, %dma_wait3A_58] : memref<16384x32xf32, #tpu.memory_space<hbm>> -> memref<16x32xf32, #tpu.memory_space<hbm>>
    tpu.wait_dma2 semaphore(%arg12 : memref<!tpu.dma_semaphore, #tpu.memory_space<semaphore_mem>>) src(%dma_wait3A_59 : memref<16x32xf32, #tpu.memory_space<hbm>>) dst(%dma_wait3A_57 : memref<16x32xf32, #tpu.memory_space<vmem>>)
    %dma_wait3A_60 = arith.constant 0 : i32
    %dma_wait3A_61 = arith.constant 0 : i32
    %dma_wait3A_62 = tpu.memref_slice %arg7[%dma_wait3A_60, %dma_wait3A_61] : memref<512x32xf32, #tpu.memory_space<vmem>> -> memref<16x32xf32, #tpu.memory_space<vmem>>
    %dma_wait3A_63 = arith.constant 0 : i32
    %dma_wait3A_64 = tpu.memref_slice %arg5[%mul3A_2, %dma_wait3A_63] : memref<16384x32xf32, #tpu.memory_space<hbm>> -> memref<16x32xf32, #tpu.memory_space<hbm>>
    %dma_wait3A_65 = arith.constant 0 : i32
    %dma_wait3A_66 = arith.constant 0 : i32
    %dma_wait3A_67 = tpu.memref_slice %arg7[%dma_wait3A_65, %dma_wait3A_66] : memref<512x32xf32, #tpu.memory_space<vmem>> -> memref<16x32xf32, #tpu.memory_space<vmem>>
    %dma_wait3A_68 = arith.constant 0 : i32
    %dma_wait3A_69 = tpu.memref_slice %arg5[%mul3A_2, %dma_wait3A_68] : memref<16384x32xf32, #tpu.memory_space<hbm>> -> memref<16x32xf32, #tpu.memory_space<hbm>>
    tpu.wait_dma2 semaphore(%arg13 : memref<!tpu.dma_semaphore, #tpu.memory_space<semaphore_mem>>) src(%dma_wait3A_69 : memref<16x32xf32, #tpu.memory_space<hbm>>) dst(%dma_wait3A_67 : memref<16x32xf32, #tpu.memory_space<vmem>>)
    %dma_wait3A_70 = arith.constant 0 : i32
    %dma_wait3A_71 = arith.constant 0 : i32
    %dma_wait3A_72 = tpu.memref_slice %arg7[%dma_wait3A_70, %dma_wait3A_71] : memref<512x32xf32, #tpu.memory_space<vmem>> -> memref<16x32xf32, #tpu.memory_space<vmem>>
    %dma_wait3A_73 = arith.constant 0 : i32
    %dma_wait3A_74 = tpu.memref_slice %arg5[%mul3A_2, %dma_wait3A_73] : memref<16384x32xf32, #tpu.memory_space<hbm>> -> memref<16x32xf32, #tpu.memory_space<hbm>>
    %dma_wait3A_75 = arith.constant 0 : i32
    %dma_wait3A_76 = arith.constant 0 : i32
    %dma_wait3A_77 = tpu.memref_slice %arg7[%dma_wait3A_75, %dma_wait3A_76] : memref<512x32xf32, #tpu.memory_space<vmem>> -> memref<16x32xf32, #tpu.memory_space<vmem>>
    %dma_wait3A_78 = arith.constant 0 : i32
    %dma_wait3A_79 = tpu.memref_slice %arg5[%mul3A_2, %dma_wait3A_78] : memref<16384x32xf32, #tpu.memory_space<hbm>> -> memref<16x32xf32, #tpu.memory_space<hbm>>
    tpu.wait_dma2 semaphore(%arg14 : memref<!tpu.dma_semaphore, #tpu.memory_space<semaphore_mem>>) src(%dma_wait3A_79 : memref<16x32xf32, #tpu.memory_space<hbm>>) dst(%dma_wait3A_77 : memref<16x32xf32, #tpu.memory_space<vmem>>)
    %dma_wait3A_80 = arith.constant 0 : i32
    %dma_wait3A_81 = arith.constant 0 : i32
    %dma_wait3A_82 = tpu.memref_slice %arg7[%dma_wait3A_80, %dma_wait3A_81] : memref<512x32xf32, #tpu.memory_space<vmem>> -> memref<16x32xf32, #tpu.memory_space<vmem>>
    %dma_wait3A_83 = arith.constant 0 : i32
    %dma_wait3A_84 = tpu.memref_slice %arg5[%mul3A_2, %dma_wait3A_83] : memref<16384x32xf32, #tpu.memory_space<hbm>> -> memref<16x32xf32, #tpu.memory_space<hbm>>
    %dma_wait3A_85 = arith.constant 0 : i32
    %dma_wait3A_86 = arith.constant 0 : i32
    %dma_wait3A_87 = tpu.memref_slice %arg7[%dma_wait3A_85, %dma_wait3A_86] : memref<512x32xf32, #tpu.memory_space<vmem>> -> memref<16x32xf32, #tpu.memory_space<vmem>>
    %dma_wait3A_88 = arith.constant 0 : i32
    %dma_wait3A_89 = tpu.memref_slice %arg5[%mul3A_2, %dma_wait3A_88] : memref<16384x32xf32, #tpu.memory_space<hbm>> -> memref<16x32xf32, #tpu.memory_space<hbm>>
    tpu.wait_dma2 semaphore(%arg15 : memref<!tpu.dma_semaphore, #tpu.memory_space<semaphore_mem>>) src(%dma_wait3A_89 : memref<16x32xf32, #tpu.memory_space<hbm>>) dst(%dma_wait3A_87 : memref<16x32xf32, #tpu.memory_space<vmem>>)
    %dma_wait3A_90 = arith.constant 0 : i32
    %dma_wait3A_91 = arith.constant 0 : i32
    %dma_wait3A_92 = tpu.memref_slice %arg7[%dma_wait3A_90, %dma_wait3A_91] : memref<512x32xf32, #tpu.memory_space<vmem>> -> memref<16x32xf32, #tpu.memory_space<vmem>>
    %dma_wait3A_93 = arith.constant 0 : i32
    %dma_wait3A_94 = tpu.memref_slice %arg5[%mul3A_2, %dma_wait3A_93] : memref<16384x32xf32, #tpu.memory_space<hbm>> -> memref<16x32xf32, #tpu.memory_space<hbm>>
    %dma_wait3A_95 = arith.constant 0 : i32
    %dma_wait3A_96 = arith.constant 0 : i32
    %dma_wait3A_97 = tpu.memref_slice %arg7[%dma_wait3A_95, %dma_wait3A_96] : memref<512x32xf32, #tpu.memory_space<vmem>> -> memref<16x32xf32, #tpu.memory_space<vmem>>
    %dma_wait3A_98 = arith.constant 0 : i32
    %dma_wait3A_99 = tpu.memref_slice %arg5[%mul3A_2, %dma_wait3A_98] : memref<16384x32xf32, #tpu.memory_space<hbm>> -> memref<16x32xf32, #tpu.memory_space<hbm>>
    tpu.wait_dma2 semaphore(%arg16 : memref<!tpu.dma_semaphore, #tpu.memory_space<semaphore_mem>>) src(%dma_wait3A_99 : memref<16x32xf32, #tpu.memory_space<hbm>>) dst(%dma_wait3A_97 : memref<16x32xf32, #tpu.memory_space<vmem>>)
    %scan3A_100 = arith.constant 0 : i32
    %scan3A_101 = arith.constant 0 : i32
    %scan3A_102 = arith.constant 128 : i32
    %scan3A_103 = arith.addi %scan3A_101, %scan3A_102 : i32
    %scan3A_104 = arith.constant 4 : i32
    %scan3A_105 = scf.for %scan3A_382 = %scan3A_101 to %scan3A_103 step %scan3A_104 iter_args(%scan3A_383 = %scan3A_100) -> (i32)  : i32 {
      %get3A_384 = arith.index_cast %scan3A_382 : i32 to index
      %get3A_385 = arith.constant 0 : index
      %get3A_386 = tpu.vector_load %arg7[%get3A_384, %get3A_385] {strides = array<i32>} : memref<512x32xf32, #tpu.memory_space<vmem>>, vector<1x16xf32>,
      %get3A_387 = vector.shape_cast %get3A_386 : vector<1x16xf32> to vector<16xf32>
      %add3A_388 = arith.addf %get3A_387, %get3A_4 : vector<16xf32>
      %swap3A = arith.index_cast %scan3A_382 : i32 to index
      %swap3A_389 = arith.constant 0 : index
      %swap3A_390 = tpu.vector_load %arg7[%swap3A, %swap3A_389] {strides = array<i32>} : memref<512x32xf32, #tpu.memory_space<vmem>>, vector<1x16xf32>,
      %swap3A_391 = vector.shape_cast %swap3A_390 : vector<1x16xf32> to vector<16xf32>
      %swap3A_392 = vector.shape_cast %add3A_388 : vector<16xf32> to vector<1x16xf32>
      tpu.vector_store %arg7[%swap3A, %swap3A_389], %swap3A_392 {strides = array<i32>} : memref<512x32xf32, #tpu.memory_space<vmem>>, vector<1x16xf32>,
      %get3A_393 = arith.index_cast %scan3A_382 : i32 to index
      %get3A_394 = arith.constant 16 : index
      %get3A_395 = tpu.vector_load %arg7[%get3A_393, %get3A_394] {strides = array<i32>} : memref<512x32xf32, #tpu.memory_space<vmem>>, vector<1x16xf32>,
      %get3A_396 = vector.shape_cast %get3A_395 : vector<1x16xf32> to vector<16xf32>
      %add3A_397 = arith.addf %get3A_396, %get3A_7 : vector<16xf32>
      %swap3A_398 = arith.index_cast %scan3A_382 : i32 to index
      %swap3A_399 = arith.constant 16 : index
      %swap3A_400 = tpu.vector_load %arg7[%swap3A_398, %swap3A_399] {strides = array<i32>} : memref<512x32xf32, #tpu.memory_space<vmem>>, vector<1x16xf32>,
      %swap3A_401 = vector.shape_cast %swap3A_400 : vector<1x16xf32> to vector<16xf32>
      %swap3A_402 = vector.shape_cast %add3A_397 : vector<16xf32> to vector<1x16xf32>
      tpu.vector_store %arg7[%swap3A_398, %swap3A_399], %swap3A_402 {strides = array<i32>} : memref<512x32xf32, #tpu.memory_space<vmem>>, vector<1x16xf32>,
      %scan3A_403 = arith.constant 0 : i32
      %scan3A_404 = arith.constant 1 : i32
      %scan3A_405 = arith.addi %scan3A_382, %scan3A_404 : i32
      %get3A_406 = arith.index_cast %scan3A_405 : i32 to index
      %get3A_407 = arith.constant 0 : index
      %get3A_408 = tpu.vector_load %arg7[%get3A_406, %get3A_407] {strides = array<i32>} : memref<512x32xf32, #tpu.memory_space<vmem>>, vector<1x16xf32>,
      %get3A_409 = vector.shape_cast %get3A_408 : vector<1x16xf32> to vector<16xf32>
      %add3A_410 = arith.addf %get3A_409, %get3A_4 : vector<16xf32>
      %swap3A_411 = arith.index_cast %scan3A_405 : i32 to index
      %swap3A_412 = arith.constant 0 : index
      %swap3A_413 = tpu.vector_load %arg7[%swap3A_411, %swap3A_412] {strides = array<i32>} : memref<512x32xf32, #tpu.memory_space<vmem>>, vector<1x16xf32>,
      %swap3A_414 = vector.shape_cast %swap3A_413 : vector<1x16xf32> to vector<16xf32>
      %swap3A_415 = vector.shape_cast %add3A_410 : vector<16xf32> to vector<1x16xf32>
      tpu.vector_store %arg7[%swap3A_411, %swap3A_412], %swap3A_415 {strides = array<i32>} : memref<512x32xf32, #tpu.memory_space<vmem>>, vector<1x16xf32>,
      %get3A_416 = arith.index_cast %scan3A_405 : i32 to index
      %get3A_417 = arith.constant 16 : index
      %get3A_418 = tpu.vector_load %arg7[%get3A_416, %get3A_417] {strides = array<i32>} : memref<512x32xf32, #tpu.memory_space<vmem>>, vector<1x16xf32>,
      %get3A_419 = vector.shape_cast %get3A_418 : vector<1x16xf32> to vector<16xf32>
      %add3A_420 = arith.addf %get3A_419, %get3A_7 : vector<16xf32>
      %swap3A_421 = arith.index_cast %scan3A_405 : i32 to index
      %swap3A_422 = arith.constant 16 : index
      %swap3A_423 = tpu.vector_load %arg7[%swap3A_421, %swap3A_422] {strides = array<i32>} : memref<512x32xf32, #tpu.memory_space<vmem>>, vector<1x16xf32>,
      %swap3A_424 = vector.shape_cast %swap3A_423 : vector<1x16xf32> to vector<16xf32>
      %swap3A_425 = vector.shape_cast %add3A_420 : vector<16xf32> to vector<1x16xf32>
      tpu.vector_store %arg7[%swap3A_421, %swap3A_422], %swap3A_425 {strides = array<i32>} : memref<512x32xf32, #tpu.memory_space<vmem>>, vector<1x16xf32>,
      %scan3A_426 = arith.constant 0 : i32
      %scan3A_427 = arith.constant 2 : i32
      %scan3A_428 = arith.addi %scan3A_382, %scan3A_427 : i32
      %get3A_429 = arith.index_cast %scan3A_428 : i32 to index
      %get3A_430 = arith.constant 0 : index
      %get3A_431 = tpu.vector_load %arg7[%get3A_429, %get3A_430] {strides = array<i32>} : memref<512x32xf32, #tpu.memory_space<vmem>>, vector<1x16xf32>,
      %get3A_432 = vector.shape_cast %get3A_431 : vector<1x16xf32> to vector<16xf32>
      %add3A_433 = arith.addf %get3A_432, %get3A_4 : vector<16xf32>
      %swap3A_434 = arith.index_cast %scan3A_428 : i32 to index
      %swap3A_435 = arith.constant 0 : index
      %swap3A_436 = tpu.vector_load %arg7[%swap3A_434, %swap3A_435] {strides = array<i32>} : memref<512x32xf32, #tpu.memory_space<vmem>>, vector<1x16xf32>,
      %swap3A_437 = vector.shape_cast %swap3A_436 : vector<1x16xf32> to vector<16xf32>
      %swap3A_438 = vector.shape_cast %add3A_433 : vector<16xf32> to vector<1x16xf32>
      tpu.vector_store %arg7[%swap3A_434, %swap3A_435], %swap3A_438 {strides = array<i32>} : memref<512x32xf32, #tpu.memory_space<vmem>>, vector<1x16xf32>,
      %get3A_439 = arith.index_cast %scan3A_428 : i32 to index
      %get3A_440 = arith.constant 16 : index
      %get3A_441 = tpu.vector_load %arg7[%get3A_439, %get3A_440] {strides = array<i32>} : memref<512x32xf32, #tpu.memory_space<vmem>>, vector<1x16xf32>,
      %get3A_442 = vector.shape_cast %get3A_441 : vector<1x16xf32> to vector<16xf32>
      %add3A_443 = arith.addf %get3A_442, %get3A_7 : vector<16xf32>
      %swap3A_444 = arith.index_cast %scan3A_428 : i32 to index
      %swap3A_445 = arith.constant 16 : index
      %swap3A_446 = tpu.vector_load %arg7[%swap3A_444, %swap3A_445] {strides = array<i32>} : memref<512x32xf32, #tpu.memory_space<vmem>>, vector<1x16xf32>,
      %swap3A_447 = vector.shape_cast %swap3A_446 : vector<1x16xf32> to vector<16xf32>
      %swap3A_448 = vector.shape_cast %add3A_443 : vector<16xf32> to vector<1x16xf32>
      tpu.vector_store %arg7[%swap3A_444, %swap3A_445], %swap3A_448 {strides = array<i32>} : memref<512x32xf32, #tpu.memory_space<vmem>>, vector<1x16xf32>,
      %scan3A_449 = arith.constant 0 : i32
      %scan3A_450 = arith.constant 3 : i32
      %scan3A_451 = arith.addi %scan3A_382, %scan3A_450 : i32
      %get3A_452 = arith.index_cast %scan3A_451 : i32 to index
      %get3A_453 = arith.constant 0 : index
      %get3A_454 = tpu.vector_load %arg7[%get3A_452, %get3A_453] {strides = array<i32>} : memref<512x32xf32, #tpu.memory_space<vmem>>, vector<1x16xf32>,
      %get3A_455 = vector.shape_cast %get3A_454 : vector<1x16xf32> to vector<16xf32>
      %add3A_456 = arith.addf %get3A_455, %get3A_4 : vector<16xf32>
      %swap3A_457 = arith.index_cast %scan3A_451 : i32 to index
      %swap3A_458 = arith.constant 0 : index
      %swap3A_459 = tpu.vector_load %arg7[%swap3A_457, %swap3A_458] {strides = array<i32>} : memref<512x32xf32, #tpu.memory_space<vmem>>, vector<1x16xf32>,
      %swap3A_460 = vector.shape_cast %swap3A_459 : vector<1x16xf32> to vector<16xf32>
      %swap3A_461 = vector.shape_cast %add3A_456 : vector<16xf32> to vector<1x16xf32>
      tpu.vector_store %arg7[%swap3A_457, %swap3A_458], %swap3A_461 {strides = array<i32>} : memref<512x32xf32, #tpu.memory_space<vmem>>, vector<1x16xf32>,
      %get3A_462 = arith.index_cast %scan3A_451 : i32 to index
      %get3A_463 = arith.constant 16 : index
      %get3A_464 = tpu.vector_load %arg7[%get3A_462, %get3A_463] {strides = array<i32>} : memref<512x32xf32, #tpu.memory_space<vmem>>, vector<1x16xf32>,
      %get3A_465 = vector.shape_cast %get3A_464 : vector<1x16xf32> to vector<16xf32>
      %add3A_466 = arith.addf %get3A_465, %get3A_7 : vector<16xf32>
      %swap3A_467 = arith.index_cast %scan3A_451 : i32 to index
      %swap3A_468 = arith.constant 16 : index
      %swap3A_469 = tpu.vector_load %arg7[%swap3A_467, %swap3A_468] {strides = array<i32>} : memref<512x32xf32, #tpu.memory_space<vmem>>, vector<1x16xf32>,
      %swap3A_470 = vector.shape_cast %swap3A_469 : vector<1x16xf32> to vector<16xf32>
      %swap3A_471 = vector.shape_cast %add3A_466 : vector<16xf32> to vector<1x16xf32>
      tpu.vector_store %arg7[%swap3A_467, %swap3A_468], %swap3A_471 {strides = array<i32>} : memref<512x32xf32, #tpu.memory_space<vmem>>, vector<1x16xf32>,
      %scan3A_472 = arith.constant 0 : i32
      scf.yield %scan3A_472 : i32
    }
    %scan3A_106 = arith.constant 128 : i32
    %scan3A_107 = arith.constant 0 : i32
    %scan3A_108 = arith.constant 0 : i32
    %scan3A_109 = arith.constant 8 : i32
    %scan3A_110 = arith.addi %scan3A_108, %scan3A_109 : i32
    %scan3A_111 = arith.constant 1 : i32
    %scan3A_112 = scf.for %scan3A_382 = %scan3A_108 to %scan3A_110 step %scan3A_111 iter_args(%scan3A_383 = %scan3A_107) -> (i32)  : i32 {
      %mul3A_384 = arith.constant 16 : i32
      %mul3A_385 = arith.muli %scan3A_382, %mul3A_384 : i32
      %add3A_386 = arith.constant 256 : i32
      %add3A_387 = arith.addi %add3A_386, %mul3A_385 : i32
      %get3A_388 = arith.index_cast %add3A_387 : i32 to index
      %get3A_389 = tpu.vector_load %arg6[%get3A_388] {strides = array<i32>} : memref<512xi32, #tpu.memory_space<vmem>>, vector<16xi32>,
      %get3A_390 = vector.shape_cast %get3A_389 : vector<16xi32> to vector<16xi32>
      %mul3A_391 = arith.constant 16 : i32
      %mul3A_392 = arith.muli %scan3A_382, %mul3A_391 : i32
      %add3A_393 = arith.constant 256 : i32
      %add3A_394 = arith.addi %add3A_393, %mul3A_392 : i32
      %add3A_395 = arith.constant 0 : i32
      %add3A_396 = arith.addi %add3A_394, %add3A_395 : i32
      %slice3A = vector.extract_strided_slice %get3A_390 {offsets = [0], sizes = [1], strides = [1]} : vector<16xi32> to vector<1xi32>
      %squeeze3A = vector.extract %slice3A[0] : i32 from vector<1xi32>
      %dma_start3A = arith.constant 0 : i32
      %dma_start3A_397 = tpu.memref_slice %arg7[%add3A_396, %dma_start3A] : memref<512x32xf32, #tpu.memory_space<vmem>> -> memref<1x32xf32, #tpu.memory_space<vmem>>
      %dma_start3A_398 = tpu.memref_squeeze %dma_start3A_397 : memref<1x32xf32, #tpu.memory_space<vmem>> -> memref<32xf32, #tpu.memory_space<vmem>>
      %dma_start3A_399 = arith.constant 0 : i32
      %dma_start3A_400 = tpu.memref_slice %arg2[%squeeze3A, %dma_start3A_399] : memref<1000000x32xf32, #tpu.memory_space<hbm>> -> memref<1x32xf32, #tpu.memory_space<hbm>>
      %dma_start3A_401 = tpu.memref_squeeze %dma_start3A_400 : memref<1x32xf32, #tpu.memory_space<hbm>> -> memref<32xf32, #tpu.memory_space<hbm>>
      %dma_start3A_402 = arith.constant 0 : i32
      %dma_start3A_403 = tpu.memref_slice %arg7[%add3A_396, %dma_start3A_402] : memref<512x32xf32, #tpu.memory_space<vmem>> -> memref<1x32xf32, #tpu.memory_space<vmem>>
      %dma_start3A_404 = tpu.memref_squeeze %dma_start3A_403 : memref<1x32xf32, #tpu.memory_space<vmem>> -> memref<32xf32, #tpu.memory_space<vmem>>
      %dma_start3A_405 = arith.constant 0 : i32
      %dma_start3A_406 = tpu.memref_slice %arg2[%squeeze3A, %dma_start3A_405] : memref<1000000x32xf32, #tpu.memory_space<hbm>> -> memref<1x32xf32, #tpu.memory_space<hbm>>
      %dma_start3A_407 = tpu.memref_squeeze %dma_start3A_406 : memref<1x32xf32, #tpu.memory_space<hbm>> -> memref<32xf32, #tpu.memory_space<hbm>>
      tpu.enqueue_dma source(%dma_start3A_407 : memref<32xf32, #tpu.memory_space<hbm>>) target(%dma_start3A_404 : memref<32xf32, #tpu.memory_space<vmem>>) target_semaphore(%arg9 : memref<!tpu.dma_semaphore, #tpu.memory_space<semaphore_mem>>)
      %mul3A_408 = arith.constant 16 : i32
      %mul3A_409 = arith.muli %scan3A_382, %mul3A_408 : i32
      %add3A_410 = arith.constant 256 : i32
      %add3A_411 = arith.addi %add3A_410, %mul3A_409 : i32
      %add3A_412 = arith.constant 1 : i32
      %add3A_413 = arith.addi %add3A_411, %add3A_412 : i32
      %slice3A_414 = vector.extract_strided_slice %get3A_390 {offsets = [1], sizes = [1], strides = [1]} : vector<16xi32> to vector<1xi32>
      %squeeze3A_415 = vector.extract %slice3A_414[0] : i32 from vector<1xi32>
      %dma_start3A_416 = arith.constant 0 : i32
      %dma_start3A_417 = tpu.memref_slice %arg7[%add3A_413, %dma_start3A_416] : memref<512x32xf32, #tpu.memory_space<vmem>> -> memref<1x32xf32, #tpu.memory_space<vmem>>
      %dma_start3A_418 = tpu.memref_squeeze %dma_start3A_417 : memref<1x32xf32, #tpu.memory_space<vmem>> -> memref<32xf32, #tpu.memory_space<vmem>>
      %dma_start3A_419 = arith.constant 0 : i32
      %dma_start3A_420 = tpu.memref_slice %arg2[%squeeze3A_415, %dma_start3A_419] : memref<1000000x32xf32, #tpu.memory_space<hbm>> -> memref<1x32xf32, #tpu.memory_space<hbm>>
      %dma_start3A_421 = tpu.memref_squeeze %dma_start3A_420 : memref<1x32xf32, #tpu.memory_space<hbm>> -> memref<32xf32, #tpu.memory_space<hbm>>
      %dma_start3A_422 = arith.constant 0 : i32
      %dma_start3A_423 = tpu.memref_slice %arg7[%add3A_413, %dma_start3A_422] : memref<512x32xf32, #tpu.memory_space<vmem>> -> memref<1x32xf32, #tpu.memory_space<vmem>>
      %dma_start3A_424 = tpu.memref_squeeze %dma_start3A_423 : memref<1x32xf32, #tpu.memory_space<vmem>> -> memref<32xf32, #tpu.memory_space<vmem>>
      %dma_start3A_425 = arith.constant 0 : i32
      %dma_start3A_426 = tpu.memref_slice %arg2[%squeeze3A_415, %dma_start3A_425] : memref<1000000x32xf32, #tpu.memory_space<hbm>> -> memref<1x32xf32, #tpu.memory_space<hbm>>
      %dma_start3A_427 = tpu.memref_squeeze %dma_start3A_426 : memref<1x32xf32, #tpu.memory_space<hbm>> -> memref<32xf32, #tpu.memory_space<hbm>>
      tpu.enqueue_dma source(%dma_start3A_427 : memref<32xf32, #tpu.memory_space<hbm>>) target(%dma_start3A_424 : memref<32xf32, #tpu.memory_space<vmem>>) target_semaphore(%arg10 : memref<!tpu.dma_semaphore, #tpu.memory_space<semaphore_mem>>)
      %mul3A_428 = arith.constant 16 : i32
      %mul3A_429 = arith.muli %scan3A_382, %mul3A_428 : i32
      %add3A_430 = arith.constant 256 : i32
      %add3A_431 = arith.addi %add3A_430, %mul3A_429 : i32
      %add3A_432 = arith.constant 2 : i32
      %add3A_433 = arith.addi %add3A_431, %add3A_432 : i32
      %slice3A_434 = vector.extract_strided_slice %get3A_390 {offsets = [2], sizes = [1], strides = [1]} : vector<16xi32> to vector<1xi32>
      %squeeze3A_435 = vector.extract %slice3A_434[0] : i32 from vector<1xi32>
      %dma_start3A_436 = arith.constant 0 : i32
      %dma_start3A_437 = tpu.memref_slice %arg7[%add3A_433, %dma_start3A_436] : memref<512x32xf32, #tpu.memory_space<vmem>> -> memref<1x32xf32, #tpu.memory_space<vmem>>
      %dma_start3A_438 = tpu.memref_squeeze %dma_start3A_437 : memref<1x32xf32, #tpu.memory_space<vmem>> -> memref<32xf32, #tpu.memory_space<vmem>>
      %dma_start3A_439 = arith.constant 0 : i32
      %dma_start3A_440 = tpu.memref_slice %arg2[%squeeze3A_435, %dma_start3A_439] : memref<1000000x32xf32, #tpu.memory_space<hbm>> -> memref<1x32xf32, #tpu.memory_space<hbm>>
      %dma_start3A_441 = tpu.memref_squeeze %dma_start3A_440 : memref<1x32xf32, #tpu.memory_space<hbm>> -> memref<32xf32, #tpu.memory_space<hbm>>
      %dma_start3A_442 = arith.constant 0 : i32
      %dma_start3A_443 = tpu.memref_slice %arg7[%add3A_433, %dma_start3A_442] : memref<512x32xf32, #tpu.memory_space<vmem>> -> memref<1x32xf32, #tpu.memory_space<vmem>>
      %dma_start3A_444 = tpu.memref_squeeze %dma_start3A_443 : memref<1x32xf32, #tpu.memory_space<vmem>> -> memref<32xf32, #tpu.memory_space<vmem>>
      %dma_start3A_445 = arith.constant 0 : i32
      %dma_start3A_446 = tpu.memref_slice %arg2[%squeeze3A_435, %dma_start3A_445] : memref<1000000x32xf32, #tpu.memory_space<hbm>> -> memref<1x32xf32, #tpu.memory_space<hbm>>
      %dma_start3A_447 = tpu.memref_squeeze %dma_start3A_446 : memref<1x32xf32, #tpu.memory_space<hbm>> -> memref<32xf32, #tpu.memory_space<hbm>>
      tpu.enqueue_dma source(%dma_start3A_447 : memref<32xf32, #tpu.memory_space<hbm>>) target(%dma_start3A_444 : memref<32xf32, #tpu.memory_space<vmem>>) target_semaphore(%arg11 : memref<!tpu.dma_semaphore, #tpu.memory_space<semaphore_mem>>)
      %mul3A_448 = arith.constant 16 : i32
      %mul3A_449 = arith.muli %scan3A_382, %mul3A_448 : i32
      %add3A_450 = arith.constant 256 : i32
      %add3A_451 = arith.addi %add3A_450, %mul3A_449 : i32
      %add3A_452 = arith.constant 3 : i32
      %add3A_453 = arith.addi %add3A_451, %add3A_452 : i32
      %slice3A_454 = vector.extract_strided_slice %get3A_390 {offsets = [3], sizes = [1], strides = [1]} : vector<16xi32> to vector<1xi32>
      %squeeze3A_455 = vector.extract %slice3A_454[0] : i32 from vector<1xi32>
      %dma_start3A_456 = arith.constant 0 : i32
      %dma_start3A_457 = tpu.memref_slice %arg7[%add3A_453, %dma_start3A_456] : memref<512x32xf32, #tpu.memory_space<vmem>> -> memref<1x32xf32, #tpu.memory_space<vmem>>
      %dma_start3A_458 = tpu.memref_squeeze %dma_start3A_457 : memref<1x32xf32, #tpu.memory_space<vmem>> -> memref<32xf32, #tpu.memory_space<vmem>>
      %dma_start3A_459 = arith.constant 0 : i32
      %dma_start3A_460 = tpu.memref_slice %arg2[%squeeze3A_455, %dma_start3A_459] : memref<1000000x32xf32, #tpu.memory_space<hbm>> -> memref<1x32xf32, #tpu.memory_space<hbm>>
      %dma_start3A_461 = tpu.memref_squeeze %dma_start3A_460 : memref<1x32xf32, #tpu.memory_space<hbm>> -> memref<32xf32, #tpu.memory_space<hbm>>
      %dma_start3A_462 = arith.constant 0 : i32
      %dma_start3A_463 = tpu.memref_slice %arg7[%add3A_453, %dma_start3A_462] : memref<512x32xf32, #tpu.memory_space<vmem>> -> memref<1x32xf32, #tpu.memory_space<vmem>>
      %dma_start3A_464 = tpu.memref_squeeze %dma_start3A_463 : memref<1x32xf32, #tpu.memory_space<vmem>> -> memref<32xf32, #tpu.memory_space<vmem>>
      %dma_start3A_465 = arith.constant 0 : i32
      %dma_start3A_466 = tpu.memref_slice %arg2[%squeeze3A_455, %dma_start3A_465] : memref<1000000x32xf32, #tpu.memory_space<hbm>> -> memref<1x32xf32, #tpu.memory_space<hbm>>
      %dma_start3A_467 = tpu.memref_squeeze %dma_start3A_466 : memref<1x32xf32, #tpu.memory_space<hbm>> -> memref<32xf32, #tpu.memory_space<hbm>>
      tpu.enqueue_dma source(%dma_start3A_467 : memref<32xf32, #tpu.memory_space<hbm>>) target(%dma_start3A_464 : memref<32xf32, #tpu.memory_space<vmem>>) target_semaphore(%arg12 : memref<!tpu.dma_semaphore, #tpu.memory_space<semaphore_mem>>)
      %mul3A_468 = arith.constant 16 : i32
      %mul3A_469 = arith.muli %scan3A_382, %mul3A_468 : i32
      %add3A_470 = arith.constant 256 : i32
      %add3A_471 = arith.addi %add3A_470, %mul3A_469 : i32
      %add3A_472 = arith.constant 4 : i32
      %add3A_473 = arith.addi %add3A_471, %add3A_472 : i32
      %slice3A_474 = vector.extract_strided_slice %get3A_390 {offsets = [4], sizes = [1], strides = [1]} : vector<16xi32> to vector<1xi32>
      %squeeze3A_475 = vector.extract %slice3A_474[0] : i32 from vector<1xi32>
      %dma_start3A_476 = arith.constant 0 : i32
      %dma_start3A_477 = tpu.memref_slice %arg7[%add3A_473, %dma_start3A_476] : memref<512x32xf32, #tpu.memory_space<vmem>> -> memref<1x32xf32, #tpu.memory_space<vmem>>
      %dma_start3A_478 = tpu.memref_squeeze %dma_start3A_477 : memref<1x32xf32, #tpu.memory_space<vmem>> -> memref<32xf32, #tpu.memory_space<vmem>>
      %dma_start3A_479 = arith.constant 0 : i32
      %dma_start3A_480 = tpu.memref_slice %arg2[%squeeze3A_475, %dma_start3A_479] : memref<1000000x32xf32, #tpu.memory_space<hbm>> -> memref<1x32xf32, #tpu.memory_space<hbm>>
      %dma_start3A_481 = tpu.memref_squeeze %dma_start3A_480 : memref<1x32xf32, #tpu.memory_space<hbm>> -> memref<32xf32, #tpu.memory_space<hbm>>
      %dma_start3A_482 = arith.constant 0 : i32
      %dma_start3A_483 = tpu.memref_slice %arg7[%add3A_473, %dma_start3A_482] : memref<512x32xf32, #tpu.memory_space<vmem>> -> memref<1x32xf32, #tpu.memory_space<vmem>>
      %dma_start3A_484 = tpu.memref_squeeze %dma_start3A_483 : memref<1x32xf32, #tpu.memory_space<vmem>> -> memref<32xf32, #tpu.memory_space<vmem>>
      %dma_start3A_485 = arith.constant 0 : i32
      %dma_start3A_486 = tpu.memref_slice %arg2[%squeeze3A_475, %dma_start3A_485] : memref<1000000x32xf32, #tpu.memory_space<hbm>> -> memref<1x32xf32, #tpu.memory_space<hbm>>
      %dma_start3A_487 = tpu.memref_squeeze %dma_start3A_486 : memref<1x32xf32, #tpu.memory_space<hbm>> -> memref<32xf32, #tpu.memory_space<hbm>>
      tpu.enqueue_dma source(%dma_start3A_487 : memref<32xf32, #tpu.memory_space<hbm>>) target(%dma_start3A_484 : memref<32xf32, #tpu.memory_space<vmem>>) target_semaphore(%arg13 : memref<!tpu.dma_semaphore, #tpu.memory_space<semaphore_mem>>)
      %mul3A_488 = arith.constant 16 : i32
      %mul3A_489 = arith.muli %scan3A_382, %mul3A_488 : i32
      %add3A_490 = arith.constant 256 : i32
      %add3A_491 = arith.addi %add3A_490, %mul3A_489 : i32
      %add3A_492 = arith.constant 5 : i32
      %add3A_493 = arith.addi %add3A_491, %add3A_492 : i32
      %slice3A_494 = vector.extract_strided_slice %get3A_390 {offsets = [5], sizes = [1], strides = [1]} : vector<16xi32> to vector<1xi32>
      %squeeze3A_495 = vector.extract %slice3A_494[0] : i32 from vector<1xi32>
      %dma_start3A_496 = arith.constant 0 : i32
      %dma_start3A_497 = tpu.memref_slice %arg7[%add3A_493, %dma_start3A_496] : memref<512x32xf32, #tpu.memory_space<vmem>> -> memref<1x32xf32, #tpu.memory_space<vmem>>
      %dma_start3A_498 = tpu.memref_squeeze %dma_start3A_497 : memref<1x32xf32, #tpu.memory_space<vmem>> -> memref<32xf32, #tpu.memory_space<vmem>>
      %dma_start3A_499 = arith.constant 0 : i32
      %dma_start3A_500 = tpu.memref_slice %arg2[%squeeze3A_495, %dma_start3A_499] : memref<1000000x32xf32, #tpu.memory_space<hbm>> -> memref<1x32xf32, #tpu.memory_space<hbm>>
      %dma_start3A_501 = tpu.memref_squeeze %dma_start3A_500 : memref<1x32xf32, #tpu.memory_space<hbm>> -> memref<32xf32, #tpu.memory_space<hbm>>
      %dma_start3A_502 = arith.constant 0 : i32
      %dma_start3A_503 = tpu.memref_slice %arg7[%add3A_493, %dma_start3A_502] : memref<512x32xf32, #tpu.memory_space<vmem>> -> memref<1x32xf32, #tpu.memory_space<vmem>>
      %dma_start3A_504 = tpu.memref_squeeze %dma_start3A_503 : memref<1x32xf32, #tpu.memory_space<vmem>> -> memref<32xf32, #tpu.memory_space<vmem>>
      %dma_start3A_505 = arith.constant 0 : i32
      %dma_start3A_506 = tpu.memref_slice %arg2[%squeeze3A_495, %dma_start3A_505] : memref<1000000x32xf32, #tpu.memory_space<hbm>> -> memref<1x32xf32, #tpu.memory_space<hbm>>
      %dma_start3A_507 = tpu.memref_squeeze %dma_start3A_506 : memref<1x32xf32, #tpu.memory_space<hbm>> -> memref<32xf32, #tpu.memory_space<hbm>>
      tpu.enqueue_dma source(%dma_start3A_507 : memref<32xf32, #tpu.memory_space<hbm>>) target(%dma_start3A_504 : memref<32xf32, #tpu.memory_space<vmem>>) target_semaphore(%arg14 : memref<!tpu.dma_semaphore, #tpu.memory_space<semaphore_mem>>)
      %mul3A_508 = arith.constant 16 : i32
      %mul3A_509 = arith.muli %scan3A_382, %mul3A_508 : i32
      %add3A_510 = arith.constant 256 : i32
      %add3A_511 = arith.addi %add3A_510, %mul3A_509 : i32
      %add3A_512 = arith.constant 6 : i32
      %add3A_513 = arith.addi %add3A_511, %add3A_512 : i32
      %slice3A_514 = vector.extract_strided_slice %get3A_390 {offsets = [6], sizes = [1], strides = [1]} : vector<16xi32> to vector<1xi32>
      %squeeze3A_515 = vector.extract %slice3A_514[0] : i32 from vector<1xi32>
      %dma_start3A_516 = arith.constant 0 : i32
      %dma_start3A_517 = tpu.memref_slice %arg7[%add3A_513, %dma_start3A_516] : memref<512x32xf32, #tpu.memory_space<vmem>> -> memref<1x32xf32, #tpu.memory_space<vmem>>
      %dma_start3A_518 = tpu.memref_squeeze %dma_start3A_517 : memref<1x32xf32, #tpu.memory_space<vmem>> -> memref<32xf32, #tpu.memory_space<vmem>>
      %dma_start3A_519 = arith.constant 0 : i32
      %dma_start3A_520 = tpu.memref_slice %arg2[%squeeze3A_515, %dma_start3A_519] : memref<1000000x32xf32, #tpu.memory_space<hbm>> -> memref<1x32xf32, #tpu.memory_space<hbm>>
      %dma_start3A_521 = tpu.memref_squeeze %dma_start3A_520 : memref<1x32xf32, #tpu.memory_space<hbm>> -> memref<32xf32, #tpu.memory_space<hbm>>
      %dma_start3A_522 = arith.constant 0 : i32
      %dma_start3A_523 = tpu.memref_slice %arg7[%add3A_513, %dma_start3A_522] : memref<512x32xf32, #tpu.memory_space<vmem>> -> memref<1x32xf32, #tpu.memory_space<vmem>>
      %dma_start3A_524 = tpu.memref_squeeze %dma_start3A_523 : memref<1x32xf32, #tpu.memory_space<vmem>> -> memref<32xf32, #tpu.memory_space<vmem>>
      %dma_start3A_525 = arith.constant 0 : i32
      %dma_start3A_526 = tpu.memref_slice %arg2[%squeeze3A_515, %dma_start3A_525] : memref<1000000x32xf32, #tpu.memory_space<hbm>> -> memref<1x32xf32, #tpu.memory_space<hbm>>
      %dma_start3A_527 = tpu.memref_squeeze %dma_start3A_526 : memref<1x32xf32, #tpu.memory_space<hbm>> -> memref<32xf32, #tpu.memory_space<hbm>>
      tpu.enqueue_dma source(%dma_start3A_527 : memref<32xf32, #tpu.memory_space<hbm>>) target(%dma_start3A_524 : memref<32xf32, #tpu.memory_space<vmem>>) target_semaphore(%arg15 : memref<!tpu.dma_semaphore, #tpu.memory_space<semaphore_mem>>)
      %mul3A_528 = arith.constant 16 : i32
      %mul3A_529 = arith.muli %scan3A_382, %mul3A_528 : i32
      %add3A_530 = arith.constant 256 : i32
      %add3A_531 = arith.addi %add3A_530, %mul3A_529 : i32
      %add3A_532 = arith.constant 7 : i32
      %add3A_533 = arith.addi %add3A_531, %add3A_532 : i32
      %slice3A_534 = vector.extract_strided_slice %get3A_390 {offsets = [7], sizes = [1], strides = [1]} : vector<16xi32> to vector<1xi32>
      %squeeze3A_535 = vector.extract %slice3A_534[0] : i32 from vector<1xi32>
      %dma_start3A_536 = arith.constant 0 : i32
      %dma_start3A_537 = tpu.memref_slice %arg7[%add3A_533, %dma_start3A_536] : memref<512x32xf32, #tpu.memory_space<vmem>> -> memref<1x32xf32, #tpu.memory_space<vmem>>
      %dma_start3A_538 = tpu.memref_squeeze %dma_start3A_537 : memref<1x32xf32, #tpu.memory_space<vmem>> -> memref<32xf32, #tpu.memory_space<vmem>>
      %dma_start3A_539 = arith.constant 0 : i32
      %dma_start3A_540 = tpu.memref_slice %arg2[%squeeze3A_535, %dma_start3A_539] : memref<1000000x32xf32, #tpu.memory_space<hbm>> -> memref<1x32xf32, #tpu.memory_space<hbm>>
      %dma_start3A_541 = tpu.memref_squeeze %dma_start3A_540 : memref<1x32xf32, #tpu.memory_space<hbm>> -> memref<32xf32, #tpu.memory_space<hbm>>
      %dma_start3A_542 = arith.constant 0 : i32
      %dma_start3A_543 = tpu.memref_slice %arg7[%add3A_533, %dma_start3A_542] : memref<512x32xf32, #tpu.memory_space<vmem>> -> memref<1x32xf32, #tpu.memory_space<vmem>>
      %dma_start3A_544 = tpu.memref_squeeze %dma_start3A_543 : memref<1x32xf32, #tpu.memory_space<vmem>> -> memref<32xf32, #tpu.memory_space<vmem>>
      %dma_start3A_545 = arith.constant 0 : i32
      %dma_start3A_546 = tpu.memref_slice %arg2[%squeeze3A_535, %dma_start3A_545] : memref<1000000x32xf32, #tpu.memory_space<hbm>> -> memref<1x32xf32, #tpu.memory_space<hbm>>
      %dma_start3A_547 = tpu.memref_squeeze %dma_start3A_546 : memref<1x32xf32, #tpu.memory_space<hbm>> -> memref<32xf32, #tpu.memory_space<hbm>>
      tpu.enqueue_dma source(%dma_start3A_547 : memref<32xf32, #tpu.memory_space<hbm>>) target(%dma_start3A_544 : memref<32xf32, #tpu.memory_space<vmem>>) target_semaphore(%arg16 : memref<!tpu.dma_semaphore, #tpu.memory_space<semaphore_mem>>)
      %mul3A_548 = arith.constant 16 : i32
      %mul3A_549 = arith.muli %scan3A_382, %mul3A_548 : i32
      %add3A_550 = arith.constant 256 : i32
      %add3A_551 = arith.addi %add3A_550, %mul3A_549 : i32
      %add3A_552 = arith.constant 8 : i32
      %add3A_553 = arith.addi %add3A_551, %add3A_552 : i32
      %slice3A_554 = vector.extract_strided_slice %get3A_390 {offsets = [8], sizes = [1], strides = [1]} : vector<16xi32> to vector<1xi32>
      %squeeze3A_555 = vector.extract %slice3A_554[0] : i32 from vector<1xi32>
      %dma_start3A_556 = arith.constant 0 : i32
      %dma_start3A_557 = tpu.memref_slice %arg7[%add3A_553, %dma_start3A_556] : memref<512x32xf32, #tpu.memory_space<vmem>> -> memref<1x32xf32, #tpu.memory_space<vmem>>
      %dma_start3A_558 = tpu.memref_squeeze %dma_start3A_557 : memref<1x32xf32, #tpu.memory_space<vmem>> -> memref<32xf32, #tpu.memory_space<vmem>>
      %dma_start3A_559 = arith.constant 0 : i32
      %dma_start3A_560 = tpu.memref_slice %arg2[%squeeze3A_555, %dma_start3A_559] : memref<1000000x32xf32, #tpu.memory_space<hbm>> -> memref<1x32xf32, #tpu.memory_space<hbm>>
      %dma_start3A_561 = tpu.memref_squeeze %dma_start3A_560 : memref<1x32xf32, #tpu.memory_space<hbm>> -> memref<32xf32, #tpu.memory_space<hbm>>
      %dma_start3A_562 = arith.constant 0 : i32
      %dma_start3A_563 = tpu.memref_slice %arg7[%add3A_553, %dma_start3A_562] : memref<512x32xf32, #tpu.memory_space<vmem>> -> memref<1x32xf32, #tpu.memory_space<vmem>>
      %dma_start3A_564 = tpu.memref_squeeze %dma_start3A_563 : memref<1x32xf32, #tpu.memory_space<vmem>> -> memref<32xf32, #tpu.memory_space<vmem>>
      %dma_start3A_565 = arith.constant 0 : i32
      %dma_start3A_566 = tpu.memref_slice %arg2[%squeeze3A_555, %dma_start3A_565] : memref<1000000x32xf32, #tpu.memory_space<hbm>> -> memref<1x32xf32, #tpu.memory_space<hbm>>
      %dma_start3A_567 = tpu.memref_squeeze %dma_start3A_566 : memref<1x32xf32, #tpu.memory_space<hbm>> -> memref<32xf32, #tpu.memory_space<hbm>>
      tpu.enqueue_dma source(%dma_start3A_567 : memref<32xf32, #tpu.memory_space<hbm>>) target(%dma_start3A_564 : memref<32xf32, #tpu.memory_space<vmem>>) target_semaphore(%arg9 : memref<!tpu.dma_semaphore, #tpu.memory_space<semaphore_mem>>)
      %mul3A_568 = arith.constant 16 : i32
      %mul3A_569 = arith.muli %scan3A_382, %mul3A_568 : i32
      %add3A_570 = arith.constant 256 : i32
      %add3A_571 = arith.addi %add3A_570, %mul3A_569 : i32
      %add3A_572 = arith.constant 9 : i32
      %add3A_573 = arith.addi %add3A_571, %add3A_572 : i32
      %slice3A_574 = vector.extract_strided_slice %get3A_390 {offsets = [9], sizes = [1], strides = [1]} : vector<16xi32> to vector<1xi32>
      %squeeze3A_575 = vector.extract %slice3A_574[0] : i32 from vector<1xi32>
      %dma_start3A_576 = arith.constant 0 : i32
      %dma_start3A_577 = tpu.memref_slice %arg7[%add3A_573, %dma_start3A_576] : memref<512x32xf32, #tpu.memory_space<vmem>> -> memref<1x32xf32, #tpu.memory_space<vmem>>
      %dma_start3A_578 = tpu.memref_squeeze %dma_start3A_577 : memref<1x32xf32, #tpu.memory_space<vmem>> -> memref<32xf32, #tpu.memory_space<vmem>>
      %dma_start3A_579 = arith.constant 0 : i32
      %dma_start3A_580 = tpu.memref_slice %arg2[%squeeze3A_575, %dma_start3A_579] : memref<1000000x32xf32, #tpu.memory_space<hbm>> -> memref<1x32xf32, #tpu.memory_space<hbm>>
      %dma_start3A_581 = tpu.memref_squeeze %dma_start3A_580 : memref<1x32xf32, #tpu.memory_space<hbm>> -> memref<32xf32, #tpu.memory_space<hbm>>
      %dma_start3A_582 = arith.constant 0 : i32
      %dma_start3A_583 = tpu.memref_slice %arg7[%add3A_573, %dma_start3A_582] : memref<512x32xf32, #tpu.memory_space<vmem>> -> memref<1x32xf32, #tpu.memory_space<vmem>>
      %dma_start3A_584 = tpu.memref_squeeze %dma_start3A_583 : memref<1x32xf32, #tpu.memory_space<vmem>> -> memref<32xf32, #tpu.memory_space<vmem>>
      %dma_start3A_585 = arith.constant 0 : i32
      %dma_start3A_586 = tpu.memref_slice %arg2[%squeeze3A_575, %dma_start3A_585] : memref<1000000x32xf32, #tpu.memory_space<hbm>> -> memref<1x32xf32, #tpu.memory_space<hbm>>
      %dma_start3A_587 = tpu.memref_squeeze %dma_start3A_586 : memref<1x32xf32, #tpu.memory_space<hbm>> -> memref<32xf32, #tpu.memory_space<hbm>>
      tpu.enqueue_dma source(%dma_start3A_587 : memref<32xf32, #tpu.memory_space<hbm>>) target(%dma_start3A_584 : memref<32xf32, #tpu.memory_space<vmem>>) target_semaphore(%arg10 : memref<!tpu.dma_semaphore, #tpu.memory_space<semaphore_mem>>)
      %mul3A_588 = arith.constant 16 : i32
      %mul3A_589 = arith.muli %scan3A_382, %mul3A_588 : i32
      %add3A_590 = arith.constant 256 : i32
      %add3A_591 = arith.addi %add3A_590, %mul3A_589 : i32
      %add3A_592 = arith.constant 10 : i32
      %add3A_593 = arith.addi %add3A_591, %add3A_592 : i32
      %slice3A_594 = vector.extract_strided_slice %get3A_390 {offsets = [10], sizes = [1], strides = [1]} : vector<16xi32> to vector<1xi32>
      %squeeze3A_595 = vector.extract %slice3A_594[0] : i32 from vector<1xi32>
      %dma_start3A_596 = arith.constant 0 : i32
      %dma_start3A_597 = tpu.memref_slice %arg7[%add3A_593, %dma_start3A_596] : memref<512x32xf32, #tpu.memory_space<vmem>> -> memref<1x32xf32, #tpu.memory_space<vmem>>
      %dma_start3A_598 = tpu.memref_squeeze %dma_start3A_597 : memref<1x32xf32, #tpu.memory_space<vmem>> -> memref<32xf32, #tpu.memory_space<vmem>>
      %dma_start3A_599 = arith.constant 0 : i32
      %dma_start3A_600 = tpu.memref_slice %arg2[%squeeze3A_595, %dma_start3A_599] : memref<1000000x32xf32, #tpu.memory_space<hbm>> -> memref<1x32xf32, #tpu.memory_space<hbm>>
      %dma_start3A_601 = tpu.memref_squeeze %dma_start3A_600 : memref<1x32xf32, #tpu.memory_space<hbm>> -> memref<32xf32, #tpu.memory_space<hbm>>
      %dma_start3A_602 = arith.constant 0 : i32
      %dma_start3A_603 = tpu.memref_slice %arg7[%add3A_593, %dma_start3A_602] : memref<512x32xf32, #tpu.memory_space<vmem>> -> memref<1x32xf32, #tpu.memory_space<vmem>>
      %dma_start3A_604 = tpu.memref_squeeze %dma_start3A_603 : memref<1x32xf32, #tpu.memory_space<vmem>> -> memref<32xf32, #tpu.memory_space<vmem>>
      %dma_start3A_605 = arith.constant 0 : i32
      %dma_start3A_606 = tpu.memref_slice %arg2[%squeeze3A_595, %dma_start3A_605] : memref<1000000x32xf32, #tpu.memory_space<hbm>> -> memref<1x32xf32, #tpu.memory_space<hbm>>
      %dma_start3A_607 = tpu.memref_squeeze %dma_start3A_606 : memref<1x32xf32, #tpu.memory_space<hbm>> -> memref<32xf32, #tpu.memory_space<hbm>>
      tpu.enqueue_dma source(%dma_start3A_607 : memref<32xf32, #tpu.memory_space<hbm>>) target(%dma_start3A_604 : memref<32xf32, #tpu.memory_space<vmem>>) target_semaphore(%arg11 : memref<!tpu.dma_semaphore, #tpu.memory_space<semaphore_mem>>)
      %mul3A_608 = arith.constant 16 : i32
      %mul3A_609 = arith.muli %scan3A_382, %mul3A_608 : i32
      %add3A_610 = arith.constant 256 : i32
      %add3A_611 = arith.addi %add3A_610, %mul3A_609 : i32
      %add3A_612 = arith.constant 11 : i32
      %add3A_613 = arith.addi %add3A_611, %add3A_612 : i32
      %slice3A_614 = vector.extract_strided_slice %get3A_390 {offsets = [11], sizes = [1], strides = [1]} : vector<16xi32> to vector<1xi32>
      %squeeze3A_615 = vector.extract %slice3A_614[0] : i32 from vector<1xi32>
      %dma_start3A_616 = arith.constant 0 : i32
      %dma_start3A_617 = tpu.memref_slice %arg7[%add3A_613, %dma_start3A_616] : memref<512x32xf32, #tpu.memory_space<vmem>> -> memref<1x32xf32, #tpu.memory_space<vmem>>
      %dma_start3A_618 = tpu.memref_squeeze %dma_start3A_617 : memref<1x32xf32, #tpu.memory_space<vmem>> -> memref<32xf32, #tpu.memory_space<vmem>>
      %dma_start3A_619 = arith.constant 0 : i32
      %dma_start3A_620 = tpu.memref_slice %arg2[%squeeze3A_615, %dma_start3A_619] : memref<1000000x32xf32, #tpu.memory_space<hbm>> -> memref<1x32xf32, #tpu.memory_space<hbm>>
      %dma_start3A_621 = tpu.memref_squeeze %dma_start3A_620 : memref<1x32xf32, #tpu.memory_space<hbm>> -> memref<32xf32, #tpu.memory_space<hbm>>
      %dma_start3A_622 = arith.constant 0 : i32
      %dma_start3A_623 = tpu.memref_slice %arg7[%add3A_613, %dma_start3A_622] : memref<512x32xf32, #tpu.memory_space<vmem>> -> memref<1x32xf32, #tpu.memory_space<vmem>>
      %dma_start3A_624 = tpu.memref_squeeze %dma_start3A_623 : memref<1x32xf32, #tpu.memory_space<vmem>> -> memref<32xf32, #tpu.memory_space<vmem>>
      %dma_start3A_625 = arith.constant 0 : i32
      %dma_start3A_626 = tpu.memref_slice %arg2[%squeeze3A_615, %dma_start3A_625] : memref<1000000x32xf32, #tpu.memory_space<hbm>> -> memref<1x32xf32, #tpu.memory_space<hbm>>
      %dma_start3A_627 = tpu.memref_squeeze %dma_start3A_626 : memref<1x32xf32, #tpu.memory_space<hbm>> -> memref<32xf32, #tpu.memory_space<hbm>>
      tpu.enqueue_dma source(%dma_start3A_627 : memref<32xf32, #tpu.memory_space<hbm>>) target(%dma_start3A_624 : memref<32xf32, #tpu.memory_space<vmem>>) target_semaphore(%arg12 : memref<!tpu.dma_semaphore, #tpu.memory_space<semaphore_mem>>)
      %mul3A_628 = arith.constant 16 : i32
      %mul3A_629 = arith.muli %scan3A_382, %mul3A_628 : i32
      %add3A_630 = arith.constant 256 : i32
      %add3A_631 = arith.addi %add3A_630, %mul3A_629 : i32
      %add3A_632 = arith.constant 12 : i32
      %add3A_633 = arith.addi %add3A_631, %add3A_632 : i32
      %slice3A_634 = vector.extract_strided_slice %get3A_390 {offsets = [12], sizes = [1], strides = [1]} : vector<16xi32> to vector<1xi32>
      %squeeze3A_635 = vector.extract %slice3A_634[0] : i32 from vector<1xi32>
      %dma_start3A_636 = arith.constant 0 : i32
      %dma_start3A_637 = tpu.memref_slice %arg7[%add3A_633, %dma_start3A_636] : memref<512x32xf32, #tpu.memory_space<vmem>> -> memref<1x32xf32, #tpu.memory_space<vmem>>
      %dma_start3A_638 = tpu.memref_squeeze %dma_start3A_637 : memref<1x32xf32, #tpu.memory_space<vmem>> -> memref<32xf32, #tpu.memory_space<vmem>>
      %dma_start3A_639 = arith.constant 0 : i32
      %dma_start3A_640 = tpu.memref_slice %arg2[%squeeze3A_635, %dma_start3A_639] : memref<1000000x32xf32, #tpu.memory_space<hbm>> -> memref<1x32xf32, #tpu.memory_space<hbm>>
      %dma_start3A_641 = tpu.memref_squeeze %dma_start3A_640 : memref<1x32xf32, #tpu.memory_space<hbm>> -> memref<32xf32, #tpu.memory_space<hbm>>
      %dma_start3A_642 = arith.constant 0 : i32
      %dma_start3A_643 = tpu.memref_slice %arg7[%add3A_633, %dma_start3A_642] : memref<512x32xf32, #tpu.memory_space<vmem>> -> memref<1x32xf32, #tpu.memory_space<vmem>>
      %dma_start3A_644 = tpu.memref_squeeze %dma_start3A_643 : memref<1x32xf32, #tpu.memory_space<vmem>> -> memref<32xf32, #tpu.memory_space<vmem>>
      %dma_start3A_645 = arith.constant 0 : i32
      %dma_start3A_646 = tpu.memref_slice %arg2[%squeeze3A_635, %dma_start3A_645] : memref<1000000x32xf32, #tpu.memory_space<hbm>> -> memref<1x32xf32, #tpu.memory_space<hbm>>
      %dma_start3A_647 = tpu.memref_squeeze %dma_start3A_646 : memref<1x32xf32, #tpu.memory_space<hbm>> -> memref<32xf32, #tpu.memory_space<hbm>>
      tpu.enqueue_dma source(%dma_start3A_647 : memref<32xf32, #tpu.memory_space<hbm>>) target(%dma_start3A_644 : memref<32xf32, #tpu.memory_space<vmem>>) target_semaphore(%arg13 : memref<!tpu.dma_semaphore, #tpu.memory_space<semaphore_mem>>)
      %mul3A_648 = arith.constant 16 : i32
      %mul3A_649 = arith.muli %scan3A_382, %mul3A_648 : i32
      %add3A_650 = arith.constant 256 : i32
      %add3A_651 = arith.addi %add3A_650, %mul3A_649 : i32
      %add3A_652 = arith.constant 13 : i32
      %add3A_653 = arith.addi %add3A_651, %add3A_652 : i32
      %slice3A_654 = vector.extract_strided_slice %get3A_390 {offsets = [13], sizes = [1], strides = [1]} : vector<16xi32> to vector<1xi32>
      %squeeze3A_655 = vector.extract %slice3A_654[0] : i32 from vector<1xi32>
      %dma_start3A_656 = arith.constant 0 : i32
      %dma_start3A_657 = tpu.memref_slice %arg7[%add3A_653, %dma_start3A_656] : memref<512x32xf32, #tpu.memory_space<vmem>> -> memref<1x32xf32, #tpu.memory_space<vmem>>
      %dma_start3A_658 = tpu.memref_squeeze %dma_start3A_657 : memref<1x32xf32, #tpu.memory_space<vmem>> -> memref<32xf32, #tpu.memory_space<vmem>>
      %dma_start3A_659 = arith.constant 0 : i32
      %dma_start3A_660 = tpu.memref_slice %arg2[%squeeze3A_655, %dma_start3A_659] : memref<1000000x32xf32, #tpu.memory_space<hbm>> -> memref<1x32xf32, #tpu.memory_space<hbm>>
      %dma_start3A_661 = tpu.memref_squeeze %dma_start3A_660 : memref<1x32xf32, #tpu.memory_space<hbm>> -> memref<32xf32, #tpu.memory_space<hbm>>
      %dma_start3A_662 = arith.constant 0 : i32
      %dma_start3A_663 = tpu.memref_slice %arg7[%add3A_653, %dma_start3A_662] : memref<512x32xf32, #tpu.memory_space<vmem>> -> memref<1x32xf32, #tpu.memory_space<vmem>>
      %dma_start3A_664 = tpu.memref_squeeze %dma_start3A_663 : memref<1x32xf32, #tpu.memory_space<vmem>> -> memref<32xf32, #tpu.memory_space<vmem>>
      %dma_start3A_665 = arith.constant 0 : i32
      %dma_start3A_666 = tpu.memref_slice %arg2[%squeeze3A_655, %dma_start3A_665] : memref<1000000x32xf32, #tpu.memory_space<hbm>> -> memref<1x32xf32, #tpu.memory_space<hbm>>
      %dma_start3A_667 = tpu.memref_squeeze %dma_start3A_666 : memref<1x32xf32, #tpu.memory_space<hbm>> -> memref<32xf32, #tpu.memory_space<hbm>>
      tpu.enqueue_dma source(%dma_start3A_667 : memref<32xf32, #tpu.memory_space<hbm>>) target(%dma_start3A_664 : memref<32xf32, #tpu.memory_space<vmem>>) target_semaphore(%arg14 : memref<!tpu.dma_semaphore, #tpu.memory_space<semaphore_mem>>)
      %mul3A_668 = arith.constant 16 : i32
      %mul3A_669 = arith.muli %scan3A_382, %mul3A_668 : i32
      %add3A_670 = arith.constant 256 : i32
      %add3A_671 = arith.addi %add3A_670, %mul3A_669 : i32
      %add3A_672 = arith.constant 14 : i32
      %add3A_673 = arith.addi %add3A_671, %add3A_672 : i32
      %slice3A_674 = vector.extract_strided_slice %get3A_390 {offsets = [14], sizes = [1], strides = [1]} : vector<16xi32> to vector<1xi32>
      %squeeze3A_675 = vector.extract %slice3A_674[0] : i32 from vector<1xi32>
      %dma_start3A_676 = arith.constant 0 : i32
      %dma_start3A_677 = tpu.memref_slice %arg7[%add3A_673, %dma_start3A_676] : memref<512x32xf32, #tpu.memory_space<vmem>> -> memref<1x32xf32, #tpu.memory_space<vmem>>
      %dma_start3A_678 = tpu.memref_squeeze %dma_start3A_677 : memref<1x32xf32, #tpu.memory_space<vmem>> -> memref<32xf32, #tpu.memory_space<vmem>>
      %dma_start3A_679 = arith.constant 0 : i32
      %dma_start3A_680 = tpu.memref_slice %arg2[%squeeze3A_675, %dma_start3A_679] : memref<1000000x32xf32, #tpu.memory_space<hbm>> -> memref<1x32xf32, #tpu.memory_space<hbm>>
      %dma_start3A_681 = tpu.memref_squeeze %dma_start3A_680 : memref<1x32xf32, #tpu.memory_space<hbm>> -> memref<32xf32, #tpu.memory_space<hbm>>
      %dma_start3A_682 = arith.constant 0 : i32
      %dma_start3A_683 = tpu.memref_slice %arg7[%add3A_673, %dma_start3A_682] : memref<512x32xf32, #tpu.memory_space<vmem>> -> memref<1x32xf32, #tpu.memory_space<vmem>>
      %dma_start3A_684 = tpu.memref_squeeze %dma_start3A_683 : memref<1x32xf32, #tpu.memory_space<vmem>> -> memref<32xf32, #tpu.memory_space<vmem>>
      %dma_start3A_685 = arith.constant 0 : i32
      %dma_start3A_686 = tpu.memref_slice %arg2[%squeeze3A_675, %dma_start3A_685] : memref<1000000x32xf32, #tpu.memory_space<hbm>> -> memref<1x32xf32, #tpu.memory_space<hbm>>
      %dma_start3A_687 = tpu.memref_squeeze %dma_start3A_686 : memref<1x32xf32, #tpu.memory_space<hbm>> -> memref<32xf32, #tpu.memory_space<hbm>>
      tpu.enqueue_dma source(%dma_start3A_687 : memref<32xf32, #tpu.memory_space<hbm>>) target(%dma_start3A_684 : memref<32xf32, #tpu.memory_space<vmem>>) target_semaphore(%arg15 : memref<!tpu.dma_semaphore, #tpu.memory_space<semaphore_mem>>)
      %mul3A_688 = arith.constant 16 : i32
      %mul3A_689 = arith.muli %scan3A_382, %mul3A_688 : i32
      %add3A_690 = arith.constant 256 : i32
      %add3A_691 = arith.addi %add3A_690, %mul3A_689 : i32
      %add3A_692 = arith.constant 15 : i32
      %add3A_693 = arith.addi %add3A_691, %add3A_692 : i32
      %slice3A_694 = vector.extract_strided_slice %get3A_390 {offsets = [15], sizes = [1], strides = [1]} : vector<16xi32> to vector<1xi32>
      %squeeze3A_695 = vector.extract %slice3A_694[0] : i32 from vector<1xi32>
      %dma_start3A_696 = arith.constant 0 : i32
      %dma_start3A_697 = tpu.memref_slice %arg7[%add3A_693, %dma_start3A_696] : memref<512x32xf32, #tpu.memory_space<vmem>> -> memref<1x32xf32, #tpu.memory_space<vmem>>
      %dma_start3A_698 = tpu.memref_squeeze %dma_start3A_697 : memref<1x32xf32, #tpu.memory_space<vmem>> -> memref<32xf32, #tpu.memory_space<vmem>>
      %dma_start3A_699 = arith.constant 0 : i32
      %dma_start3A_700 = tpu.memref_slice %arg2[%squeeze3A_695, %dma_start3A_699] : memref<1000000x32xf32, #tpu.memory_space<hbm>> -> memref<1x32xf32, #tpu.memory_space<hbm>>
      %dma_start3A_701 = tpu.memref_squeeze %dma_start3A_700 : memref<1x32xf32, #tpu.memory_space<hbm>> -> memref<32xf32, #tpu.memory_space<hbm>>
      %dma_start3A_702 = arith.constant 0 : i32
      %dma_start3A_703 = tpu.memref_slice %arg7[%add3A_693, %dma_start3A_702] : memref<512x32xf32, #tpu.memory_space<vmem>> -> memref<1x32xf32, #tpu.memory_space<vmem>>
      %dma_start3A_704 = tpu.memref_squeeze %dma_start3A_703 : memref<1x32xf32, #tpu.memory_space<vmem>> -> memref<32xf32, #tpu.memory_space<vmem>>
      %dma_start3A_705 = arith.constant 0 : i32
      %dma_start3A_706 = tpu.memref_slice %arg2[%squeeze3A_695, %dma_start3A_705] : memref<1000000x32xf32, #tpu.memory_space<hbm>> -> memref<1x32xf32, #tpu.memory_space<hbm>>
      %dma_start3A_707 = tpu.memref_squeeze %dma_start3A_706 : memref<1x32xf32, #tpu.memory_space<hbm>> -> memref<32xf32, #tpu.memory_space<hbm>>
      tpu.enqueue_dma source(%dma_start3A_707 : memref<32xf32, #tpu.memory_space<hbm>>) target(%dma_start3A_704 : memref<32xf32, #tpu.memory_space<vmem>>) target_semaphore(%arg16 : memref<!tpu.dma_semaphore, #tpu.memory_space<semaphore_mem>>)
      %scan3A_708 = arith.constant 0 : i32
      scf.yield %scan3A_708 : i32
    }
    %scan3A_113 = arith.constant 8 : i32
    %dma_wait3A_114 = arith.constant 0 : i32
    %dma_wait3A_115 = arith.constant 0 : i32
    %dma_wait3A_116 = tpu.memref_slice %arg7[%dma_wait3A_114, %dma_wait3A_115] : memref<512x32xf32, #tpu.memory_space<vmem>> -> memref<16x32xf32, #tpu.memory_space<vmem>>
    %dma_wait3A_117 = arith.constant 0 : i32
    %dma_wait3A_118 = tpu.memref_slice %arg5[%mul3A_2, %dma_wait3A_117] : memref<16384x32xf32, #tpu.memory_space<hbm>> -> memref<16x32xf32, #tpu.memory_space<hbm>>
    %dma_wait3A_119 = arith.constant 0 : i32
    %dma_wait3A_120 = arith.constant 0 : i32
    %dma_wait3A_121 = tpu.memref_slice %arg7[%dma_wait3A_119, %dma_wait3A_120] : memref<512x32xf32, #tpu.memory_space<vmem>> -> memref<16x32xf32, #tpu.memory_space<vmem>>
    %dma_wait3A_122 = arith.constant 0 : i32
    %dma_wait3A_123 = tpu.memref_slice %arg5[%mul3A_2, %dma_wait3A_122] : memref<16384x32xf32, #tpu.memory_space<hbm>> -> memref<16x32xf32, #tpu.memory_space<hbm>>
    tpu.wait_dma2 semaphore(%arg9 : memref<!tpu.dma_semaphore, #tpu.memory_space<semaphore_mem>>) src(%dma_wait3A_123 : memref<16x32xf32, #tpu.memory_space<hbm>>) dst(%dma_wait3A_121 : memref<16x32xf32, #tpu.memory_space<vmem>>)
    %dma_wait3A_124 = arith.constant 0 : i32
    %dma_wait3A_125 = arith.constant 0 : i32
    %dma_wait3A_126 = tpu.memref_slice %arg7[%dma_wait3A_124, %dma_wait3A_125] : memref<512x32xf32, #tpu.memory_space<vmem>> -> memref<16x32xf32, #tpu.memory_space<vmem>>
    %dma_wait3A_127 = arith.constant 0 : i32
    %dma_wait3A_128 = tpu.memref_slice %arg5[%mul3A_2, %dma_wait3A_127] : memref<16384x32xf32, #tpu.memory_space<hbm>> -> memref<16x32xf32, #tpu.memory_space<hbm>>
    %dma_wait3A_129 = arith.constant 0 : i32
    %dma_wait3A_130 = arith.constant 0 : i32
    %dma_wait3A_131 = tpu.memref_slice %arg7[%dma_wait3A_129, %dma_wait3A_130] : memref<512x32xf32, #tpu.memory_space<vmem>> -> memref<16x32xf32, #tpu.memory_space<vmem>>
    %dma_wait3A_132 = arith.constant 0 : i32
    %dma_wait3A_133 = tpu.memref_slice %arg5[%mul3A_2, %dma_wait3A_132] : memref<16384x32xf32, #tpu.memory_space<hbm>> -> memref<16x32xf32, #tpu.memory_space<hbm>>
    tpu.wait_dma2 semaphore(%arg10 : memref<!tpu.dma_semaphore, #tpu.memory_space<semaphore_mem>>) src(%dma_wait3A_133 : memref<16x32xf32, #tpu.memory_space<hbm>>) dst(%dma_wait3A_131 : memref<16x32xf32, #tpu.memory_space<vmem>>)
    %dma_wait3A_134 = arith.constant 0 : i32
    %dma_wait3A_135 = arith.constant 0 : i32
    %dma_wait3A_136 = tpu.memref_slice %arg7[%dma_wait3A_134, %dma_wait3A_135] : memref<512x32xf32, #tpu.memory_space<vmem>> -> memref<16x32xf32, #tpu.memory_space<vmem>>
    %dma_wait3A_137 = arith.constant 0 : i32
    %dma_wait3A_138 = tpu.memref_slice %arg5[%mul3A_2, %dma_wait3A_137] : memref<16384x32xf32, #tpu.memory_space<hbm>> -> memref<16x32xf32, #tpu.memory_space<hbm>>
    %dma_wait3A_139 = arith.constant 0 : i32
    %dma_wait3A_140 = arith.constant 0 : i32
    %dma_wait3A_141 = tpu.memref_slice %arg7[%dma_wait3A_139, %dma_wait3A_140] : memref<512x32xf32, #tpu.memory_space<vmem>> -> memref<16x32xf32, #tpu.memory_space<vmem>>
    %dma_wait3A_142 = arith.constant 0 : i32
    %dma_wait3A_143 = tpu.memref_slice %arg5[%mul3A_2, %dma_wait3A_142] : memref<16384x32xf32, #tpu.memory_space<hbm>> -> memref<16x32xf32, #tpu.memory_space<hbm>>
    tpu.wait_dma2 semaphore(%arg11 : memref<!tpu.dma_semaphore, #tpu.memory_space<semaphore_mem>>) src(%dma_wait3A_143 : memref<16x32xf32, #tpu.memory_space<hbm>>) dst(%dma_wait3A_141 : memref<16x32xf32, #tpu.memory_space<vmem>>)
    %dma_wait3A_144 = arith.constant 0 : i32
    %dma_wait3A_145 = arith.constant 0 : i32
    %dma_wait3A_146 = tpu.memref_slice %arg7[%dma_wait3A_144, %dma_wait3A_145] : memref<512x32xf32, #tpu.memory_space<vmem>> -> memref<16x32xf32, #tpu.memory_space<vmem>>
    %dma_wait3A_147 = arith.constant 0 : i32
    %dma_wait3A_148 = tpu.memref_slice %arg5[%mul3A_2, %dma_wait3A_147] : memref<16384x32xf32, #tpu.memory_space<hbm>> -> memref<16x32xf32, #tpu.memory_space<hbm>>
    %dma_wait3A_149 = arith.constant 0 : i32
    %dma_wait3A_150 = arith.constant 0 : i32
    %dma_wait3A_151 = tpu.memref_slice %arg7[%dma_wait3A_149, %dma_wait3A_150] : memref<512x32xf32, #tpu.memory_space<vmem>> -> memref<16x32xf32, #tpu.memory_space<vmem>>
    %dma_wait3A_152 = arith.constant 0 : i32
    %dma_wait3A_153 = tpu.memref_slice %arg5[%mul3A_2, %dma_wait3A_152] : memref<16384x32xf32, #tpu.memory_space<hbm>> -> memref<16x32xf32, #tpu.memory_space<hbm>>
    tpu.wait_dma2 semaphore(%arg12 : memref<!tpu.dma_semaphore, #tpu.memory_space<semaphore_mem>>) src(%dma_wait3A_153 : memref<16x32xf32, #tpu.memory_space<hbm>>) dst(%dma_wait3A_151 : memref<16x32xf32, #tpu.memory_space<vmem>>)
    %dma_wait3A_154 = arith.constant 0 : i32
    %dma_wait3A_155 = arith.constant 0 : i32
    %dma_wait3A_156 = tpu.memref_slice %arg7[%dma_wait3A_154, %dma_wait3A_155] : memref<512x32xf32, #tpu.memory_space<vmem>> -> memref<16x32xf32, #tpu.memory_space<vmem>>
    %dma_wait3A_157 = arith.constant 0 : i32
    %dma_wait3A_158 = tpu.memref_slice %arg5[%mul3A_2, %dma_wait3A_157] : memref<16384x32xf32, #tpu.memory_space<hbm>> -> memref<16x32xf32, #tpu.memory_space<hbm>>
    %dma_wait3A_159 = arith.constant 0 : i32
    %dma_wait3A_160 = arith.constant 0 : i32
    %dma_wait3A_161 = tpu.memref_slice %arg7[%dma_wait3A_159, %dma_wait3A_160] : memref<512x32xf32, #tpu.memory_space<vmem>> -> memref<16x32xf32, #tpu.memory_space<vmem>>
    %dma_wait3A_162 = arith.constant 0 : i32
    %dma_wait3A_163 = tpu.memref_slice %arg5[%mul3A_2, %dma_wait3A_162] : memref<16384x32xf32, #tpu.memory_space<hbm>> -> memref<16x32xf32, #tpu.memory_space<hbm>>
    tpu.wait_dma2 semaphore(%arg13 : memref<!tpu.dma_semaphore, #tpu.memory_space<semaphore_mem>>) src(%dma_wait3A_163 : memref<16x32xf32, #tpu.memory_space<hbm>>) dst(%dma_wait3A_161 : memref<16x32xf32, #tpu.memory_space<vmem>>)
    %dma_wait3A_164 = arith.constant 0 : i32
    %dma_wait3A_165 = arith.constant 0 : i32
    %dma_wait3A_166 = tpu.memref_slice %arg7[%dma_wait3A_164, %dma_wait3A_165] : memref<512x32xf32, #tpu.memory_space<vmem>> -> memref<16x32xf32, #tpu.memory_space<vmem>>
    %dma_wait3A_167 = arith.constant 0 : i32
    %dma_wait3A_168 = tpu.memref_slice %arg5[%mul3A_2, %dma_wait3A_167] : memref<16384x32xf32, #tpu.memory_space<hbm>> -> memref<16x32xf32, #tpu.memory_space<hbm>>
    %dma_wait3A_169 = arith.constant 0 : i32
    %dma_wait3A_170 = arith.constant 0 : i32
    %dma_wait3A_171 = tpu.memref_slice %arg7[%dma_wait3A_169, %dma_wait3A_170] : memref<512x32xf32, #tpu.memory_space<vmem>> -> memref<16x32xf32, #tpu.memory_space<vmem>>
    %dma_wait3A_172 = arith.constant 0 : i32
    %dma_wait3A_173 = tpu.memref_slice %arg5[%mul3A_2, %dma_wait3A_172] : memref<16384x32xf32, #tpu.memory_space<hbm>> -> memref<16x32xf32, #tpu.memory_space<hbm>>
    tpu.wait_dma2 semaphore(%arg14 : memref<!tpu.dma_semaphore, #tpu.memory_space<semaphore_mem>>) src(%dma_wait3A_173 : memref<16x32xf32, #tpu.memory_space<hbm>>) dst(%dma_wait3A_171 : memref<16x32xf32, #tpu.memory_space<vmem>>)
    %dma_wait3A_174 = arith.constant 0 : i32
    %dma_wait3A_175 = arith.constant 0 : i32
    %dma_wait3A_176 = tpu.memref_slice %arg7[%dma_wait3A_174, %dma_wait3A_175] : memref<512x32xf32, #tpu.memory_space<vmem>> -> memref<16x32xf32, #tpu.memory_space<vmem>>
    %dma_wait3A_177 = arith.constant 0 : i32
    %dma_wait3A_178 = tpu.memref_slice %arg5[%mul3A_2, %dma_wait3A_177] : memref<16384x32xf32, #tpu.memory_space<hbm>> -> memref<16x32xf32, #tpu.memory_space<hbm>>
    %dma_wait3A_179 = arith.constant 0 : i32
    %dma_wait3A_180 = arith.constant 0 : i32
    %dma_wait3A_181 = tpu.memref_slice %arg7[%dma_wait3A_179, %dma_wait3A_180] : memref<512x32xf32, #tpu.memory_space<vmem>> -> memref<16x32xf32, #tpu.memory_space<vmem>>
    %dma_wait3A_182 = arith.constant 0 : i32
    %dma_wait3A_183 = tpu.memref_slice %arg5[%mul3A_2, %dma_wait3A_182] : memref<16384x32xf32, #tpu.memory_space<hbm>> -> memref<16x32xf32, #tpu.memory_space<hbm>>
    tpu.wait_dma2 semaphore(%arg15 : memref<!tpu.dma_semaphore, #tpu.memory_space<semaphore_mem>>) src(%dma_wait3A_183 : memref<16x32xf32, #tpu.memory_space<hbm>>) dst(%dma_wait3A_181 : memref<16x32xf32, #tpu.memory_space<vmem>>)
    %dma_wait3A_184 = arith.constant 0 : i32
    %dma_wait3A_185 = arith.constant 0 : i32
    %dma_wait3A_186 = tpu.memref_slice %arg7[%dma_wait3A_184, %dma_wait3A_185] : memref<512x32xf32, #tpu.memory_space<vmem>> -> memref<16x32xf32, #tpu.memory_space<vmem>>
    %dma_wait3A_187 = arith.constant 0 : i32
    %dma_wait3A_188 = tpu.memref_slice %arg5[%mul3A_2, %dma_wait3A_187] : memref<16384x32xf32, #tpu.memory_space<hbm>> -> memref<16x32xf32, #tpu.memory_space<hbm>>
    %dma_wait3A_189 = arith.constant 0 : i32
    %dma_wait3A_190 = arith.constant 0 : i32
    %dma_wait3A_191 = tpu.memref_slice %arg7[%dma_wait3A_189, %dma_wait3A_190] : memref<512x32xf32, #tpu.memory_space<vmem>> -> memref<16x32xf32, #tpu.memory_space<vmem>>
    %dma_wait3A_192 = arith.constant 0 : i32
    %dma_wait3A_193 = tpu.memref_slice %arg5[%mul3A_2, %dma_wait3A_192] : memref<16384x32xf32, #tpu.memory_space<hbm>> -> memref<16x32xf32, #tpu.memory_space<hbm>>
    tpu.wait_dma2 semaphore(%arg16 : memref<!tpu.dma_semaphore, #tpu.memory_space<semaphore_mem>>) src(%dma_wait3A_193 : memref<16x32xf32, #tpu.memory_space<hbm>>) dst(%dma_wait3A_191 : memref<16x32xf32, #tpu.memory_space<vmem>>)
    %scan3A_194 = arith.constant 0 : i32
    %scan3A_195 = arith.constant 128 : i32
    %scan3A_196 = arith.constant 128 : i32
    %scan3A_197 = arith.addi %scan3A_195, %scan3A_196 : i32
    %scan3A_198 = arith.constant 4 : i32
    %scan3A_199 = scf.for %scan3A_382 = %scan3A_195 to %scan3A_197 step %scan3A_198 iter_args(%scan3A_383 = %scan3A_194) -> (i32)  : i32 {
      %get3A_384 = arith.index_cast %scan3A_382 : i32 to index
      %get3A_385 = arith.constant 0 : index
      %get3A_386 = tpu.vector_load %arg7[%get3A_384, %get3A_385] {strides = array<i32>} : memref<512x32xf32, #tpu.memory_space<vmem>>, vector<1x16xf32>,
      %get3A_387 = vector.shape_cast %get3A_386 : vector<1x16xf32> to vector<16xf32>
      %add3A_388 = arith.addf %get3A_387, %get3A_4 : vector<16xf32>
      %swap3A = arith.index_cast %scan3A_382 : i32 to index
      %swap3A_389 = arith.constant 0 : index
      %swap3A_390 = tpu.vector_load %arg7[%swap3A, %swap3A_389] {strides = array<i32>} : memref<512x32xf32, #tpu.memory_space<vmem>>, vector<1x16xf32>,
      %swap3A_391 = vector.shape_cast %swap3A_390 : vector<1x16xf32> to vector<16xf32>
      %swap3A_392 = vector.shape_cast %add3A_388 : vector<16xf32> to vector<1x16xf32>
      tpu.vector_store %arg7[%swap3A, %swap3A_389], %swap3A_392 {strides = array<i32>} : memref<512x32xf32, #tpu.memory_space<vmem>>, vector<1x16xf32>,
      %get3A_393 = arith.index_cast %scan3A_382 : i32 to index
      %get3A_394 = arith.constant 16 : index
      %get3A_395 = tpu.vector_load %arg7[%get3A_393, %get3A_394] {strides = array<i32>} : memref<512x32xf32, #tpu.memory_space<vmem>>, vector<1x16xf32>,
      %get3A_396 = vector.shape_cast %get3A_395 : vector<1x16xf32> to vector<16xf32>
      %add3A_397 = arith.addf %get3A_396, %get3A_7 : vector<16xf32>
      %swap3A_398 = arith.index_cast %scan3A_382 : i32 to index
      %swap3A_399 = arith.constant 16 : index
      %swap3A_400 = tpu.vector_load %arg7[%swap3A_398, %swap3A_399] {strides = array<i32>} : memref<512x32xf32, #tpu.memory_space<vmem>>, vector<1x16xf32>,
      %swap3A_401 = vector.shape_cast %swap3A_400 : vector<1x16xf32> to vector<16xf32>
      %swap3A_402 = vector.shape_cast %add3A_397 : vector<16xf32> to vector<1x16xf32>
      tpu.vector_store %arg7[%swap3A_398, %swap3A_399], %swap3A_402 {strides = array<i32>} : memref<512x32xf32, #tpu.memory_space<vmem>>, vector<1x16xf32>,
      %scan3A_403 = arith.constant 0 : i32
      %scan3A_404 = arith.constant 1 : i32
      %scan3A_405 = arith.addi %scan3A_382, %scan3A_404 : i32
      %get3A_406 = arith.index_cast %scan3A_405 : i32 to index
      %get3A_407 = arith.constant 0 : index
      %get3A_408 = tpu.vector_load %arg7[%get3A_406, %get3A_407] {strides = array<i32>} : memref<512x32xf32, #tpu.memory_space<vmem>>, vector<1x16xf32>,
      %get3A_409 = vector.shape_cast %get3A_408 : vector<1x16xf32> to vector<16xf32>
      %add3A_410 = arith.addf %get3A_409, %get3A_4 : vector<16xf32>
      %swap3A_411 = arith.index_cast %scan3A_405 : i32 to index
      %swap3A_412 = arith.constant 0 : index
      %swap3A_413 = tpu.vector_load %arg7[%swap3A_411, %swap3A_412] {strides = array<i32>} : memref<512x32xf32, #tpu.memory_space<vmem>>, vector<1x16xf32>,
      %swap3A_414 = vector.shape_cast %swap3A_413 : vector<1x16xf32> to vector<16xf32>
      %swap3A_415 = vector.shape_cast %add3A_410 : vector<16xf32> to vector<1x16xf32>
      tpu.vector_store %arg7[%swap3A_411, %swap3A_412], %swap3A_415 {strides = array<i32>} : memref<512x32xf32, #tpu.memory_space<vmem>>, vector<1x16xf32>,
      %get3A_416 = arith.index_cast %scan3A_405 : i32 to index
      %get3A_417 = arith.constant 16 : index
      %get3A_418 = tpu.vector_load %arg7[%get3A_416, %get3A_417] {strides = array<i32>} : memref<512x32xf32, #tpu.memory_space<vmem>>, vector<1x16xf32>,
      %get3A_419 = vector.shape_cast %get3A_418 : vector<1x16xf32> to vector<16xf32>
      %add3A_420 = arith.addf %get3A_419, %get3A_7 : vector<16xf32>
      %swap3A_421 = arith.index_cast %scan3A_405 : i32 to index
      %swap3A_422 = arith.constant 16 : index
      %swap3A_423 = tpu.vector_load %arg7[%swap3A_421, %swap3A_422] {strides = array<i32>} : memref<512x32xf32, #tpu.memory_space<vmem>>, vector<1x16xf32>,
      %swap3A_424 = vector.shape_cast %swap3A_423 : vector<1x16xf32> to vector<16xf32>
      %swap3A_425 = vector.shape_cast %add3A_420 : vector<16xf32> to vector<1x16xf32>
      tpu.vector_store %arg7[%swap3A_421, %swap3A_422], %swap3A_425 {strides = array<i32>} : memref<512x32xf32, #tpu.memory_space<vmem>>, vector<1x16xf32>,
      %scan3A_426 = arith.constant 0 : i32
      %scan3A_427 = arith.constant 2 : i32
      %scan3A_428 = arith.addi %scan3A_382, %scan3A_427 : i32
      %get3A_429 = arith.index_cast %scan3A_428 : i32 to index
      %get3A_430 = arith.constant 0 : index
      %get3A_431 = tpu.vector_load %arg7[%get3A_429, %get3A_430] {strides = array<i32>} : memref<512x32xf32, #tpu.memory_space<vmem>>, vector<1x16xf32>,
      %get3A_432 = vector.shape_cast %get3A_431 : vector<1x16xf32> to vector<16xf32>
      %add3A_433 = arith.addf %get3A_432, %get3A_4 : vector<16xf32>
      %swap3A_434 = arith.index_cast %scan3A_428 : i32 to index
      %swap3A_435 = arith.constant 0 : index
      %swap3A_436 = tpu.vector_load %arg7[%swap3A_434, %swap3A_435] {strides = array<i32>} : memref<512x32xf32, #tpu.memory_space<vmem>>, vector<1x16xf32>,
      %swap3A_437 = vector.shape_cast %swap3A_436 : vector<1x16xf32> to vector<16xf32>
      %swap3A_438 = vector.shape_cast %add3A_433 : vector<16xf32> to vector<1x16xf32>
      tpu.vector_store %arg7[%swap3A_434, %swap3A_435], %swap3A_438 {strides = array<i32>} : memref<512x32xf32, #tpu.memory_space<vmem>>, vector<1x16xf32>,
      %get3A_439 = arith.index_cast %scan3A_428 : i32 to index
      %get3A_440 = arith.constant 16 : index
      %get3A_441 = tpu.vector_load %arg7[%get3A_439, %get3A_440] {strides = array<i32>} : memref<512x32xf32, #tpu.memory_space<vmem>>, vector<1x16xf32>,
      %get3A_442 = vector.shape_cast %get3A_441 : vector<1x16xf32> to vector<16xf32>
      %add3A_443 = arith.addf %get3A_442, %get3A_7 : vector<16xf32>
      %swap3A_444 = arith.index_cast %scan3A_428 : i32 to index
      %swap3A_445 = arith.constant 16 : index
      %swap3A_446 = tpu.vector_load %arg7[%swap3A_444, %swap3A_445] {strides = array<i32>} : memref<512x32xf32, #tpu.memory_space<vmem>>, vector<1x16xf32>,
      %swap3A_447 = vector.shape_cast %swap3A_446 : vector<1x16xf32> to vector<16xf32>
      %swap3A_448 = vector.shape_cast %add3A_443 : vector<16xf32> to vector<1x16xf32>
      tpu.vector_store %arg7[%swap3A_444, %swap3A_445], %swap3A_448 {strides = array<i32>} : memref<512x32xf32, #tpu.memory_space<vmem>>, vector<1x16xf32>,
      %scan3A_449 = arith.constant 0 : i32
      %scan3A_450 = arith.constant 3 : i32
      %scan3A_451 = arith.addi %scan3A_382, %scan3A_450 : i32
      %get3A_452 = arith.index_cast %scan3A_451 : i32 to index
      %get3A_453 = arith.constant 0 : index
      %get3A_454 = tpu.vector_load %arg7[%get3A_452, %get3A_453] {strides = array<i32>} : memref<512x32xf32, #tpu.memory_space<vmem>>, vector<1x16xf32>,
      %get3A_455 = vector.shape_cast %get3A_454 : vector<1x16xf32> to vector<16xf32>
      %add3A_456 = arith.addf %get3A_455, %get3A_4 : vector<16xf32>
      %swap3A_457 = arith.index_cast %scan3A_451 : i32 to index
      %swap3A_458 = arith.constant 0 : index
      %swap3A_459 = tpu.vector_load %arg7[%swap3A_457, %swap3A_458] {strides = array<i32>} : memref<512x32xf32, #tpu.memory_space<vmem>>, vector<1x16xf32>,
      %swap3A_460 = vector.shape_cast %swap3A_459 : vector<1x16xf32> to vector<16xf32>
      %swap3A_461 = vector.shape_cast %add3A_456 : vector<16xf32> to vector<1x16xf32>
      tpu.vector_store %arg7[%swap3A_457, %swap3A_458], %swap3A_461 {strides = array<i32>} : memref<512x32xf32, #tpu.memory_space<vmem>>, vector<1x16xf32>,
      %get3A_462 = arith.index_cast %scan3A_451 : i32 to index
      %get3A_463 = arith.constant 16 : index
      %get3A_464 = tpu.vector_load %arg7[%get3A_462, %get3A_463] {strides = array<i32>} : memref<512x32xf32, #tpu.memory_space<vmem>>, vector<1x16xf32>,
      %get3A_465 = vector.shape_cast %get3A_464 : vector<1x16xf32> to vector<16xf32>
      %add3A_466 = arith.addf %get3A_465, %get3A_7 : vector<16xf32>
      %swap3A_467 = arith.index_cast %scan3A_451 : i32 to index
      %swap3A_468 = arith.constant 16 : index
      %swap3A_469 = tpu.vector_load %arg7[%swap3A_467, %swap3A_468] {strides = array<i32>} : memref<512x32xf32, #tpu.memory_space<vmem>>, vector<1x16xf32>,
      %swap3A_470 = vector.shape_cast %swap3A_469 : vector<1x16xf32> to vector<16xf32>
      %swap3A_471 = vector.shape_cast %add3A_466 : vector<16xf32> to vector<1x16xf32>
      tpu.vector_store %arg7[%swap3A_467, %swap3A_468], %swap3A_471 {strides = array<i32>} : memref<512x32xf32, #tpu.memory_space<vmem>>, vector<1x16xf32>,
      %scan3A_472 = arith.constant 0 : i32
      scf.yield %scan3A_472 : i32
    }
    %scan3A_200 = arith.constant 128 : i32
    %scan3A_201 = arith.constant 0 : i32
    %scan3A_202 = arith.constant 0 : i32
    %scan3A_203 = arith.constant 8 : i32
    %scan3A_204 = arith.addi %scan3A_202, %scan3A_203 : i32
    %scan3A_205 = arith.constant 1 : i32
    %scan3A_206 = scf.for %scan3A_382 = %scan3A_202 to %scan3A_204 step %scan3A_205 iter_args(%scan3A_383 = %scan3A_201) -> (i32)  : i32 {
      %mul3A_384 = arith.constant 16 : i32
      %mul3A_385 = arith.muli %scan3A_382, %mul3A_384 : i32
      %add3A_386 = arith.constant 384 : i32
      %add3A_387 = arith.addi %add3A_386, %mul3A_385 : i32
      %get3A_388 = arith.index_cast %add3A_387 : i32 to index
      %get3A_389 = tpu.vector_load %arg6[%get3A_388] {strides = array<i32>} : memref<512xi32, #tpu.memory_space<vmem>>, vector<16xi32>,
      %get3A_390 = vector.shape_cast %get3A_389 : vector<16xi32> to vector<16xi32>
      %mul3A_391 = arith.constant 16 : i32
      %mul3A_392 = arith.muli %scan3A_382, %mul3A_391 : i32
      %add3A_393 = arith.constant 384 : i32
      %add3A_394 = arith.addi %add3A_393, %mul3A_392 : i32
      %add3A_395 = arith.constant 0 : i32
      %add3A_396 = arith.addi %add3A_394, %add3A_395 : i32
      %slice3A = vector.extract_strided_slice %get3A_390 {offsets = [0], sizes = [1], strides = [1]} : vector<16xi32> to vector<1xi32>
      %squeeze3A = vector.extract %slice3A[0] : i32 from vector<1xi32>
      %dma_start3A = arith.constant 0 : i32
      %dma_start3A_397 = tpu.memref_slice %arg7[%add3A_396, %dma_start3A] : memref<512x32xf32, #tpu.memory_space<vmem>> -> memref<1x32xf32, #tpu.memory_space<vmem>>
      %dma_start3A_398 = tpu.memref_squeeze %dma_start3A_397 : memref<1x32xf32, #tpu.memory_space<vmem>> -> memref<32xf32, #tpu.memory_space<vmem>>
      %dma_start3A_399 = arith.constant 0 : i32
      %dma_start3A_400 = tpu.memref_slice %arg2[%squeeze3A, %dma_start3A_399] : memref<1000000x32xf32, #tpu.memory_space<hbm>> -> memref<1x32xf32, #tpu.memory_space<hbm>>
      %dma_start3A_401 = tpu.memref_squeeze %dma_start3A_400 : memref<1x32xf32, #tpu.memory_space<hbm>> -> memref<32xf32, #tpu.memory_space<hbm>>
      %dma_start3A_402 = arith.constant 0 : i32
      %dma_start3A_403 = tpu.memref_slice %arg7[%add3A_396, %dma_start3A_402] : memref<512x32xf32, #tpu.memory_space<vmem>> -> memref<1x32xf32, #tpu.memory_space<vmem>>
      %dma_start3A_404 = tpu.memref_squeeze %dma_start3A_403 : memref<1x32xf32, #tpu.memory_space<vmem>> -> memref<32xf32, #tpu.memory_space<vmem>>
      %dma_start3A_405 = arith.constant 0 : i32
      %dma_start3A_406 = tpu.memref_slice %arg2[%squeeze3A, %dma_start3A_405] : memref<1000000x32xf32, #tpu.memory_space<hbm>> -> memref<1x32xf32, #tpu.memory_space<hbm>>
      %dma_start3A_407 = tpu.memref_squeeze %dma_start3A_406 : memref<1x32xf32, #tpu.memory_space<hbm>> -> memref<32xf32, #tpu.memory_space<hbm>>
      tpu.enqueue_dma source(%dma_start3A_407 : memref<32xf32, #tpu.memory_space<hbm>>) target(%dma_start3A_404 : memref<32xf32, #tpu.memory_space<vmem>>) target_semaphore(%arg9 : memref<!tpu.dma_semaphore, #tpu.memory_space<semaphore_mem>>)
      %mul3A_408 = arith.constant 16 : i32
      %mul3A_409 = arith.muli %scan3A_382, %mul3A_408 : i32
      %add3A_410 = arith.constant 384 : i32
      %add3A_411 = arith.addi %add3A_410, %mul3A_409 : i32
      %add3A_412 = arith.constant 1 : i32
      %add3A_413 = arith.addi %add3A_411, %add3A_412 : i32
      %slice3A_414 = vector.extract_strided_slice %get3A_390 {offsets = [1], sizes = [1], strides = [1]} : vector<16xi32> to vector<1xi32>
      %squeeze3A_415 = vector.extract %slice3A_414[0] : i32 from vector<1xi32>
      %dma_start3A_416 = arith.constant 0 : i32
      %dma_start3A_417 = tpu.memref_slice %arg7[%add3A_413, %dma_start3A_416] : memref<512x32xf32, #tpu.memory_space<vmem>> -> memref<1x32xf32, #tpu.memory_space<vmem>>
      %dma_start3A_418 = tpu.memref_squeeze %dma_start3A_417 : memref<1x32xf32, #tpu.memory_space<vmem>> -> memref<32xf32, #tpu.memory_space<vmem>>
      %dma_start3A_419 = arith.constant 0 : i32
      %dma_start3A_420 = tpu.memref_slice %arg2[%squeeze3A_415, %dma_start3A_419] : memref<1000000x32xf32, #tpu.memory_space<hbm>> -> memref<1x32xf32, #tpu.memory_space<hbm>>
      %dma_start3A_421 = tpu.memref_squeeze %dma_start3A_420 : memref<1x32xf32, #tpu.memory_space<hbm>> -> memref<32xf32, #tpu.memory_space<hbm>>
      %dma_start3A_422 = arith.constant 0 : i32
      %dma_start3A_423 = tpu.memref_slice %arg7[%add3A_413, %dma_start3A_422] : memref<512x32xf32, #tpu.memory_space<vmem>> -> memref<1x32xf32, #tpu.memory_space<vmem>>
      %dma_start3A_424 = tpu.memref_squeeze %dma_start3A_423 : memref<1x32xf32, #tpu.memory_space<vmem>> -> memref<32xf32, #tpu.memory_space<vmem>>
      %dma_start3A_425 = arith.constant 0 : i32
      %dma_start3A_426 = tpu.memref_slice %arg2[%squeeze3A_415, %dma_start3A_425] : memref<1000000x32xf32, #tpu.memory_space<hbm>> -> memref<1x32xf32, #tpu.memory_space<hbm>>
      %dma_start3A_427 = tpu.memref_squeeze %dma_start3A_426 : memref<1x32xf32, #tpu.memory_space<hbm>> -> memref<32xf32, #tpu.memory_space<hbm>>
      tpu.enqueue_dma source(%dma_start3A_427 : memref<32xf32, #tpu.memory_space<hbm>>) target(%dma_start3A_424 : memref<32xf32, #tpu.memory_space<vmem>>) target_semaphore(%arg10 : memref<!tpu.dma_semaphore, #tpu.memory_space<semaphore_mem>>)
      %mul3A_428 = arith.constant 16 : i32
      %mul3A_429 = arith.muli %scan3A_382, %mul3A_428 : i32
      %add3A_430 = arith.constant 384 : i32
      %add3A_431 = arith.addi %add3A_430, %mul3A_429 : i32
      %add3A_432 = arith.constant 2 : i32
      %add3A_433 = arith.addi %add3A_431, %add3A_432 : i32
      %slice3A_434 = vector.extract_strided_slice %get3A_390 {offsets = [2], sizes = [1], strides = [1]} : vector<16xi32> to vector<1xi32>
      %squeeze3A_435 = vector.extract %slice3A_434[0] : i32 from vector<1xi32>
      %dma_start3A_436 = arith.constant 0 : i32
      %dma_start3A_437 = tpu.memref_slice %arg7[%add3A_433, %dma_start3A_436] : memref<512x32xf32, #tpu.memory_space<vmem>> -> memref<1x32xf32, #tpu.memory_space<vmem>>
      %dma_start3A_438 = tpu.memref_squeeze %dma_start3A_437 : memref<1x32xf32, #tpu.memory_space<vmem>> -> memref<32xf32, #tpu.memory_space<vmem>>
      %dma_start3A_439 = arith.constant 0 : i32
      %dma_start3A_440 = tpu.memref_slice %arg2[%squeeze3A_435, %dma_start3A_439] : memref<1000000x32xf32, #tpu.memory_space<hbm>> -> memref<1x32xf32, #tpu.memory_space<hbm>>
      %dma_start3A_441 = tpu.memref_squeeze %dma_start3A_440 : memref<1x32xf32, #tpu.memory_space<hbm>> -> memref<32xf32, #tpu.memory_space<hbm>>
      %dma_start3A_442 = arith.constant 0 : i32
      %dma_start3A_443 = tpu.memref_slice %arg7[%add3A_433, %dma_start3A_442] : memref<512x32xf32, #tpu.memory_space<vmem>> -> memref<1x32xf32, #tpu.memory_space<vmem>>
      %dma_start3A_444 = tpu.memref_squeeze %dma_start3A_443 : memref<1x32xf32, #tpu.memory_space<vmem>> -> memref<32xf32, #tpu.memory_space<vmem>>
      %dma_start3A_445 = arith.constant 0 : i32
      %dma_start3A_446 = tpu.memref_slice %arg2[%squeeze3A_435, %dma_start3A_445] : memref<1000000x32xf32, #tpu.memory_space<hbm>> -> memref<1x32xf32, #tpu.memory_space<hbm>>
      %dma_start3A_447 = tpu.memref_squeeze %dma_start3A_446 : memref<1x32xf32, #tpu.memory_space<hbm>> -> memref<32xf32, #tpu.memory_space<hbm>>
      tpu.enqueue_dma source(%dma_start3A_447 : memref<32xf32, #tpu.memory_space<hbm>>) target(%dma_start3A_444 : memref<32xf32, #tpu.memory_space<vmem>>) target_semaphore(%arg11 : memref<!tpu.dma_semaphore, #tpu.memory_space<semaphore_mem>>)
      %mul3A_448 = arith.constant 16 : i32
      %mul3A_449 = arith.muli %scan3A_382, %mul3A_448 : i32
      %add3A_450 = arith.constant 384 : i32
      %add3A_451 = arith.addi %add3A_450, %mul3A_449 : i32
      %add3A_452 = arith.constant 3 : i32
      %add3A_453 = arith.addi %add3A_451, %add3A_452 : i32
      %slice3A_454 = vector.extract_strided_slice %get3A_390 {offsets = [3], sizes = [1], strides = [1]} : vector<16xi32> to vector<1xi32>
      %squeeze3A_455 = vector.extract %slice3A_454[0] : i32 from vector<1xi32>
      %dma_start3A_456 = arith.constant 0 : i32
      %dma_start3A_457 = tpu.memref_slice %arg7[%add3A_453, %dma_start3A_456] : memref<512x32xf32, #tpu.memory_space<vmem>> -> memref<1x32xf32, #tpu.memory_space<vmem>>
      %dma_start3A_458 = tpu.memref_squeeze %dma_start3A_457 : memref<1x32xf32, #tpu.memory_space<vmem>> -> memref<32xf32, #tpu.memory_space<vmem>>
      %dma_start3A_459 = arith.constant 0 : i32
      %dma_start3A_460 = tpu.memref_slice %arg2[%squeeze3A_455, %dma_start3A_459] : memref<1000000x32xf32, #tpu.memory_space<hbm>> -> memref<1x32xf32, #tpu.memory_space<hbm>>
      %dma_start3A_461 = tpu.memref_squeeze %dma_start3A_460 : memref<1x32xf32, #tpu.memory_space<hbm>> -> memref<32xf32, #tpu.memory_space<hbm>>
      %dma_start3A_462 = arith.constant 0 : i32
      %dma_start3A_463 = tpu.memref_slice %arg7[%add3A_453, %dma_start3A_462] : memref<512x32xf32, #tpu.memory_space<vmem>> -> memref<1x32xf32, #tpu.memory_space<vmem>>
      %dma_start3A_464 = tpu.memref_squeeze %dma_start3A_463 : memref<1x32xf32, #tpu.memory_space<vmem>> -> memref<32xf32, #tpu.memory_space<vmem>>
      %dma_start3A_465 = arith.constant 0 : i32
      %dma_start3A_466 = tpu.memref_slice %arg2[%squeeze3A_455, %dma_start3A_465] : memref<1000000x32xf32, #tpu.memory_space<hbm>> -> memref<1x32xf32, #tpu.memory_space<hbm>>
      %dma_start3A_467 = tpu.memref_squeeze %dma_start3A_466 : memref<1x32xf32, #tpu.memory_space<hbm>> -> memref<32xf32, #tpu.memory_space<hbm>>
      tpu.enqueue_dma source(%dma_start3A_467 : memref<32xf32, #tpu.memory_space<hbm>>) target(%dma_start3A_464 : memref<32xf32, #tpu.memory_space<vmem>>) target_semaphore(%arg12 : memref<!tpu.dma_semaphore, #tpu.memory_space<semaphore_mem>>)
      %mul3A_468 = arith.constant 16 : i32
      %mul3A_469 = arith.muli %scan3A_382, %mul3A_468 : i32
      %add3A_470 = arith.constant 384 : i32
      %add3A_471 = arith.addi %add3A_470, %mul3A_469 : i32
      %add3A_472 = arith.constant 4 : i32
      %add3A_473 = arith.addi %add3A_471, %add3A_472 : i32
      %slice3A_474 = vector.extract_strided_slice %get3A_390 {offsets = [4], sizes = [1], strides = [1]} : vector<16xi32> to vector<1xi32>
      %squeeze3A_475 = vector.extract %slice3A_474[0] : i32 from vector<1xi32>
      %dma_start3A_476 = arith.constant 0 : i32
      %dma_start3A_477 = tpu.memref_slice %arg7[%add3A_473, %dma_start3A_476] : memref<512x32xf32, #tpu.memory_space<vmem>> -> memref<1x32xf32, #tpu.memory_space<vmem>>
      %dma_start3A_478 = tpu.memref_squeeze %dma_start3A_477 : memref<1x32xf32, #tpu.memory_space<vmem>> -> memref<32xf32, #tpu.memory_space<vmem>>
      %dma_start3A_479 = arith.constant 0 : i32
      %dma_start3A_480 = tpu.memref_slice %arg2[%squeeze3A_475, %dma_start3A_479] : memref<1000000x32xf32, #tpu.memory_space<hbm>> -> memref<1x32xf32, #tpu.memory_space<hbm>>
      %dma_start3A_481 = tpu.memref_squeeze %dma_start3A_480 : memref<1x32xf32, #tpu.memory_space<hbm>> -> memref<32xf32, #tpu.memory_space<hbm>>
      %dma_start3A_482 = arith.constant 0 : i32
      %dma_start3A_483 = tpu.memref_slice %arg7[%add3A_473, %dma_start3A_482] : memref<512x32xf32, #tpu.memory_space<vmem>> -> memref<1x32xf32, #tpu.memory_space<vmem>>
      %dma_start3A_484 = tpu.memref_squeeze %dma_start3A_483 : memref<1x32xf32, #tpu.memory_space<vmem>> -> memref<32xf32, #tpu.memory_space<vmem>>
      %dma_start3A_485 = arith.constant 0 : i32
      %dma_start3A_486 = tpu.memref_slice %arg2[%squeeze3A_475, %dma_start3A_485] : memref<1000000x32xf32, #tpu.memory_space<hbm>> -> memref<1x32xf32, #tpu.memory_space<hbm>>
      %dma_start3A_487 = tpu.memref_squeeze %dma_start3A_486 : memref<1x32xf32, #tpu.memory_space<hbm>> -> memref<32xf32, #tpu.memory_space<hbm>>
      tpu.enqueue_dma source(%dma_start3A_487 : memref<32xf32, #tpu.memory_space<hbm>>) target(%dma_start3A_484 : memref<32xf32, #tpu.memory_space<vmem>>) target_semaphore(%arg13 : memref<!tpu.dma_semaphore, #tpu.memory_space<semaphore_mem>>)
      %mul3A_488 = arith.constant 16 : i32
      %mul3A_489 = arith.muli %scan3A_382, %mul3A_488 : i32
      %add3A_490 = arith.constant 384 : i32
      %add3A_491 = arith.addi %add3A_490, %mul3A_489 : i32
      %add3A_492 = arith.constant 5 : i32
      %add3A_493 = arith.addi %add3A_491, %add3A_492 : i32
      %slice3A_494 = vector.extract_strided_slice %get3A_390 {offsets = [5], sizes = [1], strides = [1]} : vector<16xi32> to vector<1xi32>
      %squeeze3A_495 = vector.extract %slice3A_494[0] : i32 from vector<1xi32>
      %dma_start3A_496 = arith.constant 0 : i32
      %dma_start3A_497 = tpu.memref_slice %arg7[%add3A_493, %dma_start3A_496] : memref<512x32xf32, #tpu.memory_space<vmem>> -> memref<1x32xf32, #tpu.memory_space<vmem>>
      %dma_start3A_498 = tpu.memref_squeeze %dma_start3A_497 : memref<1x32xf32, #tpu.memory_space<vmem>> -> memref<32xf32, #tpu.memory_space<vmem>>
      %dma_start3A_499 = arith.constant 0 : i32
      %dma_start3A_500 = tpu.memref_slice %arg2[%squeeze3A_495, %dma_start3A_499] : memref<1000000x32xf32, #tpu.memory_space<hbm>> -> memref<1x32xf32, #tpu.memory_space<hbm>>
      %dma_start3A_501 = tpu.memref_squeeze %dma_start3A_500 : memref<1x32xf32, #tpu.memory_space<hbm>> -> memref<32xf32, #tpu.memory_space<hbm>>
      %dma_start3A_502 = arith.constant 0 : i32
      %dma_start3A_503 = tpu.memref_slice %arg7[%add3A_493, %dma_start3A_502] : memref<512x32xf32, #tpu.memory_space<vmem>> -> memref<1x32xf32, #tpu.memory_space<vmem>>
      %dma_start3A_504 = tpu.memref_squeeze %dma_start3A_503 : memref<1x32xf32, #tpu.memory_space<vmem>> -> memref<32xf32, #tpu.memory_space<vmem>>
      %dma_start3A_505 = arith.constant 0 : i32
      %dma_start3A_506 = tpu.memref_slice %arg2[%squeeze3A_495, %dma_start3A_505] : memref<1000000x32xf32, #tpu.memory_space<hbm>> -> memref<1x32xf32, #tpu.memory_space<hbm>>
      %dma_start3A_507 = tpu.memref_squeeze %dma_start3A_506 : memref<1x32xf32, #tpu.memory_space<hbm>> -> memref<32xf32, #tpu.memory_space<hbm>>
      tpu.enqueue_dma source(%dma_start3A_507 : memref<32xf32, #tpu.memory_space<hbm>>) target(%dma_start3A_504 : memref<32xf32, #tpu.memory_space<vmem>>) target_semaphore(%arg14 : memref<!tpu.dma_semaphore, #tpu.memory_space<semaphore_mem>>)
      %mul3A_508 = arith.constant 16 : i32
      %mul3A_509 = arith.muli %scan3A_382, %mul3A_508 : i32
      %add3A_510 = arith.constant 384 : i32
      %add3A_511 = arith.addi %add3A_510, %mul3A_509 : i32
      %add3A_512 = arith.constant 6 : i32
      %add3A_513 = arith.addi %add3A_511, %add3A_512 : i32
      %slice3A_514 = vector.extract_strided_slice %get3A_390 {offsets = [6], sizes = [1], strides = [1]} : vector<16xi32> to vector<1xi32>
      %squeeze3A_515 = vector.extract %slice3A_514[0] : i32 from vector<1xi32>
      %dma_start3A_516 = arith.constant 0 : i32
      %dma_start3A_517 = tpu.memref_slice %arg7[%add3A_513, %dma_start3A_516] : memref<512x32xf32, #tpu.memory_space<vmem>> -> memref<1x32xf32, #tpu.memory_space<vmem>>
      %dma_start3A_518 = tpu.memref_squeeze %dma_start3A_517 : memref<1x32xf32, #tpu.memory_space<vmem>> -> memref<32xf32, #tpu.memory_space<vmem>>
      %dma_start3A_519 = arith.constant 0 : i32
      %dma_start3A_520 = tpu.memref_slice %arg2[%squeeze3A_515, %dma_start3A_519] : memref<1000000x32xf32, #tpu.memory_space<hbm>> -> memref<1x32xf32, #tpu.memory_space<hbm>>
      %dma_start3A_521 = tpu.memref_squeeze %dma_start3A_520 : memref<1x32xf32, #tpu.memory_space<hbm>> -> memref<32xf32, #tpu.memory_space<hbm>>
      %dma_start3A_522 = arith.constant 0 : i32
      %dma_start3A_523 = tpu.memref_slice %arg7[%add3A_513, %dma_start3A_522] : memref<512x32xf32, #tpu.memory_space<vmem>> -> memref<1x32xf32, #tpu.memory_space<vmem>>
      %dma_start3A_524 = tpu.memref_squeeze %dma_start3A_523 : memref<1x32xf32, #tpu.memory_space<vmem>> -> memref<32xf32, #tpu.memory_space<vmem>>
      %dma_start3A_525 = arith.constant 0 : i32
      %dma_start3A_526 = tpu.memref_slice %arg2[%squeeze3A_515, %dma_start3A_525] : memref<1000000x32xf32, #tpu.memory_space<hbm>> -> memref<1x32xf32, #tpu.memory_space<hbm>>
      %dma_start3A_527 = tpu.memref_squeeze %dma_start3A_526 : memref<1x32xf32, #tpu.memory_space<hbm>> -> memref<32xf32, #tpu.memory_space<hbm>>
      tpu.enqueue_dma source(%dma_start3A_527 : memref<32xf32, #tpu.memory_space<hbm>>) target(%dma_start3A_524 : memref<32xf32, #tpu.memory_space<vmem>>) target_semaphore(%arg15 : memref<!tpu.dma_semaphore, #tpu.memory_space<semaphore_mem>>)
      %mul3A_528 = arith.constant 16 : i32
      %mul3A_529 = arith.muli %scan3A_382, %mul3A_528 : i32
      %add3A_530 = arith.constant 384 : i32
      %add3A_531 = arith.addi %add3A_530, %mul3A_529 : i32
      %add3A_532 = arith.constant 7 : i32
      %add3A_533 = arith.addi %add3A_531, %add3A_532 : i32
      %slice3A_534 = vector.extract_strided_slice %get3A_390 {offsets = [7], sizes = [1], strides = [1]} : vector<16xi32> to vector<1xi32>
      %squeeze3A_535 = vector.extract %slice3A_534[0] : i32 from vector<1xi32>
      %dma_start3A_536 = arith.constant 0 : i32
      %dma_start3A_537 = tpu.memref_slice %arg7[%add3A_533, %dma_start3A_536] : memref<512x32xf32, #tpu.memory_space<vmem>> -> memref<1x32xf32, #tpu.memory_space<vmem>>
      %dma_start3A_538 = tpu.memref_squeeze %dma_start3A_537 : memref<1x32xf32, #tpu.memory_space<vmem>> -> memref<32xf32, #tpu.memory_space<vmem>>
      %dma_start3A_539 = arith.constant 0 : i32
      %dma_start3A_540 = tpu.memref_slice %arg2[%squeeze3A_535, %dma_start3A_539] : memref<1000000x32xf32, #tpu.memory_space<hbm>> -> memref<1x32xf32, #tpu.memory_space<hbm>>
      %dma_start3A_541 = tpu.memref_squeeze %dma_start3A_540 : memref<1x32xf32, #tpu.memory_space<hbm>> -> memref<32xf32, #tpu.memory_space<hbm>>
      %dma_start3A_542 = arith.constant 0 : i32
      %dma_start3A_543 = tpu.memref_slice %arg7[%add3A_533, %dma_start3A_542] : memref<512x32xf32, #tpu.memory_space<vmem>> -> memref<1x32xf32, #tpu.memory_space<vmem>>
      %dma_start3A_544 = tpu.memref_squeeze %dma_start3A_543 : memref<1x32xf32, #tpu.memory_space<vmem>> -> memref<32xf32, #tpu.memory_space<vmem>>
      %dma_start3A_545 = arith.constant 0 : i32
      %dma_start3A_546 = tpu.memref_slice %arg2[%squeeze3A_535, %dma_start3A_545] : memref<1000000x32xf32, #tpu.memory_space<hbm>> -> memref<1x32xf32, #tpu.memory_space<hbm>>
      %dma_start3A_547 = tpu.memref_squeeze %dma_start3A_546 : memref<1x32xf32, #tpu.memory_space<hbm>> -> memref<32xf32, #tpu.memory_space<hbm>>
      tpu.enqueue_dma source(%dma_start3A_547 : memref<32xf32, #tpu.memory_space<hbm>>) target(%dma_start3A_544 : memref<32xf32, #tpu.memory_space<vmem>>) target_semaphore(%arg16 : memref<!tpu.dma_semaphore, #tpu.memory_space<semaphore_mem>>)
      %mul3A_548 = arith.constant 16 : i32
      %mul3A_549 = arith.muli %scan3A_382, %mul3A_548 : i32
      %add3A_550 = arith.constant 384 : i32
      %add3A_551 = arith.addi %add3A_550, %mul3A_549 : i32
      %add3A_552 = arith.constant 8 : i32
      %add3A_553 = arith.addi %add3A_551, %add3A_552 : i32
      %slice3A_554 = vector.extract_strided_slice %get3A_390 {offsets = [8], sizes = [1], strides = [1]} : vector<16xi32> to vector<1xi32>
      %squeeze3A_555 = vector.extract %slice3A_554[0] : i32 from vector<1xi32>
      %dma_start3A_556 = arith.constant 0 : i32
      %dma_start3A_557 = tpu.memref_slice %arg7[%add3A_553, %dma_start3A_556] : memref<512x32xf32, #tpu.memory_space<vmem>> -> memref<1x32xf32, #tpu.memory_space<vmem>>
      %dma_start3A_558 = tpu.memref_squeeze %dma_start3A_557 : memref<1x32xf32, #tpu.memory_space<vmem>> -> memref<32xf32, #tpu.memory_space<vmem>>
      %dma_start3A_559 = arith.constant 0 : i32
      %dma_start3A_560 = tpu.memref_slice %arg2[%squeeze3A_555, %dma_start3A_559] : memref<1000000x32xf32, #tpu.memory_space<hbm>> -> memref<1x32xf32, #tpu.memory_space<hbm>>
      %dma_start3A_561 = tpu.memref_squeeze %dma_start3A_560 : memref<1x32xf32, #tpu.memory_space<hbm>> -> memref<32xf32, #tpu.memory_space<hbm>>
      %dma_start3A_562 = arith.constant 0 : i32
      %dma_start3A_563 = tpu.memref_slice %arg7[%add3A_553, %dma_start3A_562] : memref<512x32xf32, #tpu.memory_space<vmem>> -> memref<1x32xf32, #tpu.memory_space<vmem>>
      %dma_start3A_564 = tpu.memref_squeeze %dma_start3A_563 : memref<1x32xf32, #tpu.memory_space<vmem>> -> memref<32xf32, #tpu.memory_space<vmem>>
      %dma_start3A_565 = arith.constant 0 : i32
      %dma_start3A_566 = tpu.memref_slice %arg2[%squeeze3A_555, %dma_start3A_565] : memref<1000000x32xf32, #tpu.memory_space<hbm>> -> memref<1x32xf32, #tpu.memory_space<hbm>>
      %dma_start3A_567 = tpu.memref_squeeze %dma_start3A_566 : memref<1x32xf32, #tpu.memory_space<hbm>> -> memref<32xf32, #tpu.memory_space<hbm>>
      tpu.enqueue_dma source(%dma_start3A_567 : memref<32xf32, #tpu.memory_space<hbm>>) target(%dma_start3A_564 : memref<32xf32, #tpu.memory_space<vmem>>) target_semaphore(%arg9 : memref<!tpu.dma_semaphore, #tpu.memory_space<semaphore_mem>>)
      %mul3A_568 = arith.constant 16 : i32
      %mul3A_569 = arith.muli %scan3A_382, %mul3A_568 : i32
      %add3A_570 = arith.constant 384 : i32
      %add3A_571 = arith.addi %add3A_570, %mul3A_569 : i32
      %add3A_572 = arith.constant 9 : i32
      %add3A_573 = arith.addi %add3A_571, %add3A_572 : i32
      %slice3A_574 = vector.extract_strided_slice %get3A_390 {offsets = [9], sizes = [1], strides = [1]} : vector<16xi32> to vector<1xi32>
      %squeeze3A_575 = vector.extract %slice3A_574[0] : i32 from vector<1xi32>
      %dma_start3A_576 = arith.constant 0 : i32
      %dma_start3A_577 = tpu.memref_slice %arg7[%add3A_573, %dma_start3A_576] : memref<512x32xf32, #tpu.memory_space<vmem>> -> memref<1x32xf32, #tpu.memory_space<vmem>>
      %dma_start3A_578 = tpu.memref_squeeze %dma_start3A_577 : memref<1x32xf32, #tpu.memory_space<vmem>> -> memref<32xf32, #tpu.memory_space<vmem>>
      %dma_start3A_579 = arith.constant 0 : i32
      %dma_start3A_580 = tpu.memref_slice %arg2[%squeeze3A_575, %dma_start3A_579] : memref<1000000x32xf32, #tpu.memory_space<hbm>> -> memref<1x32xf32, #tpu.memory_space<hbm>>
      %dma_start3A_581 = tpu.memref_squeeze %dma_start3A_580 : memref<1x32xf32, #tpu.memory_space<hbm>> -> memref<32xf32, #tpu.memory_space<hbm>>
      %dma_start3A_582 = arith.constant 0 : i32
      %dma_start3A_583 = tpu.memref_slice %arg7[%add3A_573, %dma_start3A_582] : memref<512x32xf32, #tpu.memory_space<vmem>> -> memref<1x32xf32, #tpu.memory_space<vmem>>
      %dma_start3A_584 = tpu.memref_squeeze %dma_start3A_583 : memref<1x32xf32, #tpu.memory_space<vmem>> -> memref<32xf32, #tpu.memory_space<vmem>>
      %dma_start3A_585 = arith.constant 0 : i32
      %dma_start3A_586 = tpu.memref_slice %arg2[%squeeze3A_575, %dma_start3A_585] : memref<1000000x32xf32, #tpu.memory_space<hbm>> -> memref<1x32xf32, #tpu.memory_space<hbm>>
      %dma_start3A_587 = tpu.memref_squeeze %dma_start3A_586 : memref<1x32xf32, #tpu.memory_space<hbm>> -> memref<32xf32, #tpu.memory_space<hbm>>
      tpu.enqueue_dma source(%dma_start3A_587 : memref<32xf32, #tpu.memory_space<hbm>>) target(%dma_start3A_584 : memref<32xf32, #tpu.memory_space<vmem>>) target_semaphore(%arg10 : memref<!tpu.dma_semaphore, #tpu.memory_space<semaphore_mem>>)
      %mul3A_588 = arith.constant 16 : i32
      %mul3A_589 = arith.muli %scan3A_382, %mul3A_588 : i32
      %add3A_590 = arith.constant 384 : i32
      %add3A_591 = arith.addi %add3A_590, %mul3A_589 : i32
      %add3A_592 = arith.constant 10 : i32
      %add3A_593 = arith.addi %add3A_591, %add3A_592 : i32
      %slice3A_594 = vector.extract_strided_slice %get3A_390 {offsets = [10], sizes = [1], strides = [1]} : vector<16xi32> to vector<1xi32>
      %squeeze3A_595 = vector.extract %slice3A_594[0] : i32 from vector<1xi32>
      %dma_start3A_596 = arith.constant 0 : i32
      %dma_start3A_597 = tpu.memref_slice %arg7[%add3A_593, %dma_start3A_596] : memref<512x32xf32, #tpu.memory_space<vmem>> -> memref<1x32xf32, #tpu.memory_space<vmem>>
      %dma_start3A_598 = tpu.memref_squeeze %dma_start3A_597 : memref<1x32xf32, #tpu.memory_space<vmem>> -> memref<32xf32, #tpu.memory_space<vmem>>
      %dma_start3A_599 = arith.constant 0 : i32
      %dma_start3A_600 = tpu.memref_slice %arg2[%squeeze3A_595, %dma_start3A_599] : memref<1000000x32xf32, #tpu.memory_space<hbm>> -> memref<1x32xf32, #tpu.memory_space<hbm>>
      %dma_start3A_601 = tpu.memref_squeeze %dma_start3A_600 : memref<1x32xf32, #tpu.memory_space<hbm>> -> memref<32xf32, #tpu.memory_space<hbm>>
      %dma_start3A_602 = arith.constant 0 : i32
      %dma_start3A_603 = tpu.memref_slice %arg7[%add3A_593, %dma_start3A_602] : memref<512x32xf32, #tpu.memory_space<vmem>> -> memref<1x32xf32, #tpu.memory_space<vmem>>
      %dma_start3A_604 = tpu.memref_squeeze %dma_start3A_603 : memref<1x32xf32, #tpu.memory_space<vmem>> -> memref<32xf32, #tpu.memory_space<vmem>>
      %dma_start3A_605 = arith.constant 0 : i32
      %dma_start3A_606 = tpu.memref_slice %arg2[%squeeze3A_595, %dma_start3A_605] : memref<1000000x32xf32, #tpu.memory_space<hbm>> -> memref<1x32xf32, #tpu.memory_space<hbm>>
      %dma_start3A_607 = tpu.memref_squeeze %dma_start3A_606 : memref<1x32xf32, #tpu.memory_space<hbm>> -> memref<32xf32, #tpu.memory_space<hbm>>
      tpu.enqueue_dma source(%dma_start3A_607 : memref<32xf32, #tpu.memory_space<hbm>>) target(%dma_start3A_604 : memref<32xf32, #tpu.memory_space<vmem>>) target_semaphore(%arg11 : memref<!tpu.dma_semaphore, #tpu.memory_space<semaphore_mem>>)
      %mul3A_608 = arith.constant 16 : i32
      %mul3A_609 = arith.muli %scan3A_382, %mul3A_608 : i32
      %add3A_610 = arith.constant 384 : i32
      %add3A_611 = arith.addi %add3A_610, %mul3A_609 : i32
      %add3A_612 = arith.constant 11 : i32
      %add3A_613 = arith.addi %add3A_611, %add3A_612 : i32
      %slice3A_614 = vector.extract_strided_slice %get3A_390 {offsets = [11], sizes = [1], strides = [1]} : vector<16xi32> to vector<1xi32>
      %squeeze3A_615 = vector.extract %slice3A_614[0] : i32 from vector<1xi32>
      %dma_start3A_616 = arith.constant 0 : i32
      %dma_start3A_617 = tpu.memref_slice %arg7[%add3A_613, %dma_start3A_616] : memref<512x32xf32, #tpu.memory_space<vmem>> -> memref<1x32xf32, #tpu.memory_space<vmem>>
      %dma_start3A_618 = tpu.memref_squeeze %dma_start3A_617 : memref<1x32xf32, #tpu.memory_space<vmem>> -> memref<32xf32, #tpu.memory_space<vmem>>
      %dma_start3A_619 = arith.constant 0 : i32
      %dma_start3A_620 = tpu.memref_slice %arg2[%squeeze3A_615, %dma_start3A_619] : memref<1000000x32xf32, #tpu.memory_space<hbm>> -> memref<1x32xf32, #tpu.memory_space<hbm>>
      %dma_start3A_621 = tpu.memref_squeeze %dma_start3A_620 : memref<1x32xf32, #tpu.memory_space<hbm>> -> memref<32xf32, #tpu.memory_space<hbm>>
      %dma_start3A_622 = arith.constant 0 : i32
      %dma_start3A_623 = tpu.memref_slice %arg7[%add3A_613, %dma_start3A_622] : memref<512x32xf32, #tpu.memory_space<vmem>> -> memref<1x32xf32, #tpu.memory_space<vmem>>
      %dma_start3A_624 = tpu.memref_squeeze %dma_start3A_623 : memref<1x32xf32, #tpu.memory_space<vmem>> -> memref<32xf32, #tpu.memory_space<vmem>>
      %dma_start3A_625 = arith.constant 0 : i32
      %dma_start3A_626 = tpu.memref_slice %arg2[%squeeze3A_615, %dma_start3A_625] : memref<1000000x32xf32, #tpu.memory_space<hbm>> -> memref<1x32xf32, #tpu.memory_space<hbm>>
      %dma_start3A_627 = tpu.memref_squeeze %dma_start3A_626 : memref<1x32xf32, #tpu.memory_space<hbm>> -> memref<32xf32, #tpu.memory_space<hbm>>
      tpu.enqueue_dma source(%dma_start3A_627 : memref<32xf32, #tpu.memory_space<hbm>>) target(%dma_start3A_624 : memref<32xf32, #tpu.memory_space<vmem>>) target_semaphore(%arg12 : memref<!tpu.dma_semaphore, #tpu.memory_space<semaphore_mem>>)
      %mul3A_628 = arith.constant 16 : i32
      %mul3A_629 = arith.muli %scan3A_382, %mul3A_628 : i32
      %add3A_630 = arith.constant 384 : i32
      %add3A_631 = arith.addi %add3A_630, %mul3A_629 : i32
      %add3A_632 = arith.constant 12 : i32
      %add3A_633 = arith.addi %add3A_631, %add3A_632 : i32
      %slice3A_634 = vector.extract_strided_slice %get3A_390 {offsets = [12], sizes = [1], strides = [1]} : vector<16xi32> to vector<1xi32>
      %squeeze3A_635 = vector.extract %slice3A_634[0] : i32 from vector<1xi32>
      %dma_start3A_636 = arith.constant 0 : i32
      %dma_start3A_637 = tpu.memref_slice %arg7[%add3A_633, %dma_start3A_636] : memref<512x32xf32, #tpu.memory_space<vmem>> -> memref<1x32xf32, #tpu.memory_space<vmem>>
      %dma_start3A_638 = tpu.memref_squeeze %dma_start3A_637 : memref<1x32xf32, #tpu.memory_space<vmem>> -> memref<32xf32, #tpu.memory_space<vmem>>
      %dma_start3A_639 = arith.constant 0 : i32
      %dma_start3A_640 = tpu.memref_slice %arg2[%squeeze3A_635, %dma_start3A_639] : memref<1000000x32xf32, #tpu.memory_space<hbm>> -> memref<1x32xf32, #tpu.memory_space<hbm>>
      %dma_start3A_641 = tpu.memref_squeeze %dma_start3A_640 : memref<1x32xf32, #tpu.memory_space<hbm>> -> memref<32xf32, #tpu.memory_space<hbm>>
      %dma_start3A_642 = arith.constant 0 : i32
      %dma_start3A_643 = tpu.memref_slice %arg7[%add3A_633, %dma_start3A_642] : memref<512x32xf32, #tpu.memory_space<vmem>> -> memref<1x32xf32, #tpu.memory_space<vmem>>
      %dma_start3A_644 = tpu.memref_squeeze %dma_start3A_643 : memref<1x32xf32, #tpu.memory_space<vmem>> -> memref<32xf32, #tpu.memory_space<vmem>>
      %dma_start3A_645 = arith.constant 0 : i32
      %dma_start3A_646 = tpu.memref_slice %arg2[%squeeze3A_635, %dma_start3A_645] : memref<1000000x32xf32, #tpu.memory_space<hbm>> -> memref<1x32xf32, #tpu.memory_space<hbm>>
      %dma_start3A_647 = tpu.memref_squeeze %dma_start3A_646 : memref<1x32xf32, #tpu.memory_space<hbm>> -> memref<32xf32, #tpu.memory_space<hbm>>
      tpu.enqueue_dma source(%dma_start3A_647 : memref<32xf32, #tpu.memory_space<hbm>>) target(%dma_start3A_644 : memref<32xf32, #tpu.memory_space<vmem>>) target_semaphore(%arg13 : memref<!tpu.dma_semaphore, #tpu.memory_space<semaphore_mem>>)
      %mul3A_648 = arith.constant 16 : i32
      %mul3A_649 = arith.muli %scan3A_382, %mul3A_648 : i32
      %add3A_650 = arith.constant 384 : i32
      %add3A_651 = arith.addi %add3A_650, %mul3A_649 : i32
      %add3A_652 = arith.constant 13 : i32
      %add3A_653 = arith.addi %add3A_651, %add3A_652 : i32
      %slice3A_654 = vector.extract_strided_slice %get3A_390 {offsets = [13], sizes = [1], strides = [1]} : vector<16xi32> to vector<1xi32>
      %squeeze3A_655 = vector.extract %slice3A_654[0] : i32 from vector<1xi32>
      %dma_start3A_656 = arith.constant 0 : i32
      %dma_start3A_657 = tpu.memref_slice %arg7[%add3A_653, %dma_start3A_656] : memref<512x32xf32, #tpu.memory_space<vmem>> -> memref<1x32xf32, #tpu.memory_space<vmem>>
      %dma_start3A_658 = tpu.memref_squeeze %dma_start3A_657 : memref<1x32xf32, #tpu.memory_space<vmem>> -> memref<32xf32, #tpu.memory_space<vmem>>
      %dma_start3A_659 = arith.constant 0 : i32
      %dma_start3A_660 = tpu.memref_slice %arg2[%squeeze3A_655, %dma_start3A_659] : memref<1000000x32xf32, #tpu.memory_space<hbm>> -> memref<1x32xf32, #tpu.memory_space<hbm>>
      %dma_start3A_661 = tpu.memref_squeeze %dma_start3A_660 : memref<1x32xf32, #tpu.memory_space<hbm>> -> memref<32xf32, #tpu.memory_space<hbm>>
      %dma_start3A_662 = arith.constant 0 : i32
      %dma_start3A_663 = tpu.memref_slice %arg7[%add3A_653, %dma_start3A_662] : memref<512x32xf32, #tpu.memory_space<vmem>> -> memref<1x32xf32, #tpu.memory_space<vmem>>
      %dma_start3A_664 = tpu.memref_squeeze %dma_start3A_663 : memref<1x32xf32, #tpu.memory_space<vmem>> -> memref<32xf32, #tpu.memory_space<vmem>>
      %dma_start3A_665 = arith.constant 0 : i32
      %dma_start3A_666 = tpu.memref_slice %arg2[%squeeze3A_655, %dma_start3A_665] : memref<1000000x32xf32, #tpu.memory_space<hbm>> -> memref<1x32xf32, #tpu.memory_space<hbm>>
      %dma_start3A_667 = tpu.memref_squeeze %dma_start3A_666 : memref<1x32xf32, #tpu.memory_space<hbm>> -> memref<32xf32, #tpu.memory_space<hbm>>
      tpu.enqueue_dma source(%dma_start3A_667 : memref<32xf32, #tpu.memory_space<hbm>>) target(%dma_start3A_664 : memref<32xf32, #tpu.memory_space<vmem>>) target_semaphore(%arg14 : memref<!tpu.dma_semaphore, #tpu.memory_space<semaphore_mem>>)
      %mul3A_668 = arith.constant 16 : i32
      %mul3A_669 = arith.muli %scan3A_382, %mul3A_668 : i32
      %add3A_670 = arith.constant 384 : i32
      %add3A_671 = arith.addi %add3A_670, %mul3A_669 : i32
      %add3A_672 = arith.constant 14 : i32
      %add3A_673 = arith.addi %add3A_671, %add3A_672 : i32
      %slice3A_674 = vector.extract_strided_slice %get3A_390 {offsets = [14], sizes = [1], strides = [1]} : vector<16xi32> to vector<1xi32>
      %squeeze3A_675 = vector.extract %slice3A_674[0] : i32 from vector<1xi32>
      %dma_start3A_676 = arith.constant 0 : i32
      %dma_start3A_677 = tpu.memref_slice %arg7[%add3A_673, %dma_start3A_676] : memref<512x32xf32, #tpu.memory_space<vmem>> -> memref<1x32xf32, #tpu.memory_space<vmem>>
      %dma_start3A_678 = tpu.memref_squeeze %dma_start3A_677 : memref<1x32xf32, #tpu.memory_space<vmem>> -> memref<32xf32, #tpu.memory_space<vmem>>
      %dma_start3A_679 = arith.constant 0 : i32
      %dma_start3A_680 = tpu.memref_slice %arg2[%squeeze3A_675, %dma_start3A_679] : memref<1000000x32xf32, #tpu.memory_space<hbm>> -> memref<1x32xf32, #tpu.memory_space<hbm>>
      %dma_start3A_681 = tpu.memref_squeeze %dma_start3A_680 : memref<1x32xf32, #tpu.memory_space<hbm>> -> memref<32xf32, #tpu.memory_space<hbm>>
      %dma_start3A_682 = arith.constant 0 : i32
      %dma_start3A_683 = tpu.memref_slice %arg7[%add3A_673, %dma_start3A_682] : memref<512x32xf32, #tpu.memory_space<vmem>> -> memref<1x32xf32, #tpu.memory_space<vmem>>
      %dma_start3A_684 = tpu.memref_squeeze %dma_start3A_683 : memref<1x32xf32, #tpu.memory_space<vmem>> -> memref<32xf32, #tpu.memory_space<vmem>>
      %dma_start3A_685 = arith.constant 0 : i32
      %dma_start3A_686 = tpu.memref_slice %arg2[%squeeze3A_675, %dma_start3A_685] : memref<1000000x32xf32, #tpu.memory_space<hbm>> -> memref<1x32xf32, #tpu.memory_space<hbm>>
      %dma_start3A_687 = tpu.memref_squeeze %dma_start3A_686 : memref<1x32xf32, #tpu.memory_space<hbm>> -> memref<32xf32, #tpu.memory_space<hbm>>
      tpu.enqueue_dma source(%dma_start3A_687 : memref<32xf32, #tpu.memory_space<hbm>>) target(%dma_start3A_684 : memref<32xf32, #tpu.memory_space<vmem>>) target_semaphore(%arg15 : memref<!tpu.dma_semaphore, #tpu.memory_space<semaphore_mem>>)
      %mul3A_688 = arith.constant 16 : i32
      %mul3A_689 = arith.muli %scan3A_382, %mul3A_688 : i32
      %add3A_690 = arith.constant 384 : i32
      %add3A_691 = arith.addi %add3A_690, %mul3A_689 : i32
      %add3A_692 = arith.constant 15 : i32
      %add3A_693 = arith.addi %add3A_691, %add3A_692 : i32
      %slice3A_694 = vector.extract_strided_slice %get3A_390 {offsets = [15], sizes = [1], strides = [1]} : vector<16xi32> to vector<1xi32>
      %squeeze3A_695 = vector.extract %slice3A_694[0] : i32 from vector<1xi32>
      %dma_start3A_696 = arith.constant 0 : i32
      %dma_start3A_697 = tpu.memref_slice %arg7[%add3A_693, %dma_start3A_696] : memref<512x32xf32, #tpu.memory_space<vmem>> -> memref<1x32xf32, #tpu.memory_space<vmem>>
      %dma_start3A_698 = tpu.memref_squeeze %dma_start3A_697 : memref<1x32xf32, #tpu.memory_space<vmem>> -> memref<32xf32, #tpu.memory_space<vmem>>
      %dma_start3A_699 = arith.constant 0 : i32
      %dma_start3A_700 = tpu.memref_slice %arg2[%squeeze3A_695, %dma_start3A_699] : memref<1000000x32xf32, #tpu.memory_space<hbm>> -> memref<1x32xf32, #tpu.memory_space<hbm>>
      %dma_start3A_701 = tpu.memref_squeeze %dma_start3A_700 : memref<1x32xf32, #tpu.memory_space<hbm>> -> memref<32xf32, #tpu.memory_space<hbm>>
      %dma_start3A_702 = arith.constant 0 : i32
      %dma_start3A_703 = tpu.memref_slice %arg7[%add3A_693, %dma_start3A_702] : memref<512x32xf32, #tpu.memory_space<vmem>> -> memref<1x32xf32, #tpu.memory_space<vmem>>
      %dma_start3A_704 = tpu.memref_squeeze %dma_start3A_703 : memref<1x32xf32, #tpu.memory_space<vmem>> -> memref<32xf32, #tpu.memory_space<vmem>>
      %dma_start3A_705 = arith.constant 0 : i32
      %dma_start3A_706 = tpu.memref_slice %arg2[%squeeze3A_695, %dma_start3A_705] : memref<1000000x32xf32, #tpu.memory_space<hbm>> -> memref<1x32xf32, #tpu.memory_space<hbm>>
      %dma_start3A_707 = tpu.memref_squeeze %dma_start3A_706 : memref<1x32xf32, #tpu.memory_space<hbm>> -> memref<32xf32, #tpu.memory_space<hbm>>
      tpu.enqueue_dma source(%dma_start3A_707 : memref<32xf32, #tpu.memory_space<hbm>>) target(%dma_start3A_704 : memref<32xf32, #tpu.memory_space<vmem>>) target_semaphore(%arg16 : memref<!tpu.dma_semaphore, #tpu.memory_space<semaphore_mem>>)
      %scan3A_708 = arith.constant 0 : i32
      scf.yield %scan3A_708 : i32
    }
    %scan3A_207 = arith.constant 8 : i32
    %dma_wait3A_208 = arith.constant 0 : i32
    %dma_wait3A_209 = arith.constant 0 : i32
    %dma_wait3A_210 = tpu.memref_slice %arg7[%dma_wait3A_208, %dma_wait3A_209] : memref<512x32xf32, #tpu.memory_space<vmem>> -> memref<16x32xf32, #tpu.memory_space<vmem>>
    %dma_wait3A_211 = arith.constant 0 : i32
    %dma_wait3A_212 = tpu.memref_slice %arg5[%mul3A_2, %dma_wait3A_211] : memref<16384x32xf32, #tpu.memory_space<hbm>> -> memref<16x32xf32, #tpu.memory_space<hbm>>
    %dma_wait3A_213 = arith.constant 0 : i32
    %dma_wait3A_214 = arith.constant 0 : i32
    %dma_wait3A_215 = tpu.memref_slice %arg7[%dma_wait3A_213, %dma_wait3A_214] : memref<512x32xf32, #tpu.memory_space<vmem>> -> memref<16x32xf32, #tpu.memory_space<vmem>>
    %dma_wait3A_216 = arith.constant 0 : i32
    %dma_wait3A_217 = tpu.memref_slice %arg5[%mul3A_2, %dma_wait3A_216] : memref<16384x32xf32, #tpu.memory_space<hbm>> -> memref<16x32xf32, #tpu.memory_space<hbm>>
    tpu.wait_dma2 semaphore(%arg9 : memref<!tpu.dma_semaphore, #tpu.memory_space<semaphore_mem>>) src(%dma_wait3A_217 : memref<16x32xf32, #tpu.memory_space<hbm>>) dst(%dma_wait3A_215 : memref<16x32xf32, #tpu.memory_space<vmem>>)
    %dma_wait3A_218 = arith.constant 0 : i32
    %dma_wait3A_219 = arith.constant 0 : i32
    %dma_wait3A_220 = tpu.memref_slice %arg7[%dma_wait3A_218, %dma_wait3A_219] : memref<512x32xf32, #tpu.memory_space<vmem>> -> memref<16x32xf32, #tpu.memory_space<vmem>>
    %dma_wait3A_221 = arith.constant 0 : i32
    %dma_wait3A_222 = tpu.memref_slice %arg5[%mul3A_2, %dma_wait3A_221] : memref<16384x32xf32, #tpu.memory_space<hbm>> -> memref<16x32xf32, #tpu.memory_space<hbm>>
    %dma_wait3A_223 = arith.constant 0 : i32
    %dma_wait3A_224 = arith.constant 0 : i32
    %dma_wait3A_225 = tpu.memref_slice %arg7[%dma_wait3A_223, %dma_wait3A_224] : memref<512x32xf32, #tpu.memory_space<vmem>> -> memref<16x32xf32, #tpu.memory_space<vmem>>
    %dma_wait3A_226 = arith.constant 0 : i32
    %dma_wait3A_227 = tpu.memref_slice %arg5[%mul3A_2, %dma_wait3A_226] : memref<16384x32xf32, #tpu.memory_space<hbm>> -> memref<16x32xf32, #tpu.memory_space<hbm>>
    tpu.wait_dma2 semaphore(%arg10 : memref<!tpu.dma_semaphore, #tpu.memory_space<semaphore_mem>>) src(%dma_wait3A_227 : memref<16x32xf32, #tpu.memory_space<hbm>>) dst(%dma_wait3A_225 : memref<16x32xf32, #tpu.memory_space<vmem>>)
    %dma_wait3A_228 = arith.constant 0 : i32
    %dma_wait3A_229 = arith.constant 0 : i32
    %dma_wait3A_230 = tpu.memref_slice %arg7[%dma_wait3A_228, %dma_wait3A_229] : memref<512x32xf32, #tpu.memory_space<vmem>> -> memref<16x32xf32, #tpu.memory_space<vmem>>
    %dma_wait3A_231 = arith.constant 0 : i32
    %dma_wait3A_232 = tpu.memref_slice %arg5[%mul3A_2, %dma_wait3A_231] : memref<16384x32xf32, #tpu.memory_space<hbm>> -> memref<16x32xf32, #tpu.memory_space<hbm>>
    %dma_wait3A_233 = arith.constant 0 : i32
    %dma_wait3A_234 = arith.constant 0 : i32
    %dma_wait3A_235 = tpu.memref_slice %arg7[%dma_wait3A_233, %dma_wait3A_234] : memref<512x32xf32, #tpu.memory_space<vmem>> -> memref<16x32xf32, #tpu.memory_space<vmem>>
    %dma_wait3A_236 = arith.constant 0 : i32
    %dma_wait3A_237 = tpu.memref_slice %arg5[%mul3A_2, %dma_wait3A_236] : memref<16384x32xf32, #tpu.memory_space<hbm>> -> memref<16x32xf32, #tpu.memory_space<hbm>>
    tpu.wait_dma2 semaphore(%arg11 : memref<!tpu.dma_semaphore, #tpu.memory_space<semaphore_mem>>) src(%dma_wait3A_237 : memref<16x32xf32, #tpu.memory_space<hbm>>) dst(%dma_wait3A_235 : memref<16x32xf32, #tpu.memory_space<vmem>>)
    %dma_wait3A_238 = arith.constant 0 : i32
    %dma_wait3A_239 = arith.constant 0 : i32
    %dma_wait3A_240 = tpu.memref_slice %arg7[%dma_wait3A_238, %dma_wait3A_239] : memref<512x32xf32, #tpu.memory_space<vmem>> -> memref<16x32xf32, #tpu.memory_space<vmem>>
    %dma_wait3A_241 = arith.constant 0 : i32
    %dma_wait3A_242 = tpu.memref_slice %arg5[%mul3A_2, %dma_wait3A_241] : memref<16384x32xf32, #tpu.memory_space<hbm>> -> memref<16x32xf32, #tpu.memory_space<hbm>>
    %dma_wait3A_243 = arith.constant 0 : i32
    %dma_wait3A_244 = arith.constant 0 : i32
    %dma_wait3A_245 = tpu.memref_slice %arg7[%dma_wait3A_243, %dma_wait3A_244] : memref<512x32xf32, #tpu.memory_space<vmem>> -> memref<16x32xf32, #tpu.memory_space<vmem>>
    %dma_wait3A_246 = arith.constant 0 : i32
    %dma_wait3A_247 = tpu.memref_slice %arg5[%mul3A_2, %dma_wait3A_246] : memref<16384x32xf32, #tpu.memory_space<hbm>> -> memref<16x32xf32, #tpu.memory_space<hbm>>
    tpu.wait_dma2 semaphore(%arg12 : memref<!tpu.dma_semaphore, #tpu.memory_space<semaphore_mem>>) src(%dma_wait3A_247 : memref<16x32xf32, #tpu.memory_space<hbm>>) dst(%dma_wait3A_245 : memref<16x32xf32, #tpu.memory_space<vmem>>)
    %dma_wait3A_248 = arith.constant 0 : i32
    %dma_wait3A_249 = arith.constant 0 : i32
    %dma_wait3A_250 = tpu.memref_slice %arg7[%dma_wait3A_248, %dma_wait3A_249] : memref<512x32xf32, #tpu.memory_space<vmem>> -> memref<16x32xf32, #tpu.memory_space<vmem>>
    %dma_wait3A_251 = arith.constant 0 : i32
    %dma_wait3A_252 = tpu.memref_slice %arg5[%mul3A_2, %dma_wait3A_251] : memref<16384x32xf32, #tpu.memory_space<hbm>> -> memref<16x32xf32, #tpu.memory_space<hbm>>
    %dma_wait3A_253 = arith.constant 0 : i32
    %dma_wait3A_254 = arith.constant 0 : i32
    %dma_wait3A_255 = tpu.memref_slice %arg7[%dma_wait3A_253, %dma_wait3A_254] : memref<512x32xf32, #tpu.memory_space<vmem>> -> memref<16x32xf32, #tpu.memory_space<vmem>>
    %dma_wait3A_256 = arith.constant 0 : i32
    %dma_wait3A_257 = tpu.memref_slice %arg5[%mul3A_2, %dma_wait3A_256] : memref<16384x32xf32, #tpu.memory_space<hbm>> -> memref<16x32xf32, #tpu.memory_space<hbm>>
    tpu.wait_dma2 semaphore(%arg13 : memref<!tpu.dma_semaphore, #tpu.memory_space<semaphore_mem>>) src(%dma_wait3A_257 : memref<16x32xf32, #tpu.memory_space<hbm>>) dst(%dma_wait3A_255 : memref<16x32xf32, #tpu.memory_space<vmem>>)
    %dma_wait3A_258 = arith.constant 0 : i32
    %dma_wait3A_259 = arith.constant 0 : i32
    %dma_wait3A_260 = tpu.memref_slice %arg7[%dma_wait3A_258, %dma_wait3A_259] : memref<512x32xf32, #tpu.memory_space<vmem>> -> memref<16x32xf32, #tpu.memory_space<vmem>>
    %dma_wait3A_261 = arith.constant 0 : i32
    %dma_wait3A_262 = tpu.memref_slice %arg5[%mul3A_2, %dma_wait3A_261] : memref<16384x32xf32, #tpu.memory_space<hbm>> -> memref<16x32xf32, #tpu.memory_space<hbm>>
    %dma_wait3A_263 = arith.constant 0 : i32
    %dma_wait3A_264 = arith.constant 0 : i32
    %dma_wait3A_265 = tpu.memref_slice %arg7[%dma_wait3A_263, %dma_wait3A_264] : memref<512x32xf32, #tpu.memory_space<vmem>> -> memref<16x32xf32, #tpu.memory_space<vmem>>
    %dma_wait3A_266 = arith.constant 0 : i32
    %dma_wait3A_267 = tpu.memref_slice %arg5[%mul3A_2, %dma_wait3A_266] : memref<16384x32xf32, #tpu.memory_space<hbm>> -> memref<16x32xf32, #tpu.memory_space<hbm>>
    tpu.wait_dma2 semaphore(%arg14 : memref<!tpu.dma_semaphore, #tpu.memory_space<semaphore_mem>>) src(%dma_wait3A_267 : memref<16x32xf32, #tpu.memory_space<hbm>>) dst(%dma_wait3A_265 : memref<16x32xf32, #tpu.memory_space<vmem>>)
    %dma_wait3A_268 = arith.constant 0 : i32
    %dma_wait3A_269 = arith.constant 0 : i32
    %dma_wait3A_270 = tpu.memref_slice %arg7[%dma_wait3A_268, %dma_wait3A_269] : memref<512x32xf32, #tpu.memory_space<vmem>> -> memref<16x32xf32, #tpu.memory_space<vmem>>
    %dma_wait3A_271 = arith.constant 0 : i32
    %dma_wait3A_272 = tpu.memref_slice %arg5[%mul3A_2, %dma_wait3A_271] : memref<16384x32xf32, #tpu.memory_space<hbm>> -> memref<16x32xf32, #tpu.memory_space<hbm>>
    %dma_wait3A_273 = arith.constant 0 : i32
    %dma_wait3A_274 = arith.constant 0 : i32
    %dma_wait3A_275 = tpu.memref_slice %arg7[%dma_wait3A_273, %dma_wait3A_274] : memref<512x32xf32, #tpu.memory_space<vmem>> -> memref<16x32xf32, #tpu.memory_space<vmem>>
    %dma_wait3A_276 = arith.constant 0 : i32
    %dma_wait3A_277 = tpu.memref_slice %arg5[%mul3A_2, %dma_wait3A_276] : memref<16384x32xf32, #tpu.memory_space<hbm>> -> memref<16x32xf32, #tpu.memory_space<hbm>>
    tpu.wait_dma2 semaphore(%arg15 : memref<!tpu.dma_semaphore, #tpu.memory_space<semaphore_mem>>) src(%dma_wait3A_277 : memref<16x32xf32, #tpu.memory_space<hbm>>) dst(%dma_wait3A_275 : memref<16x32xf32, #tpu.memory_space<vmem>>)
    %dma_wait3A_278 = arith.constant 0 : i32
    %dma_wait3A_279 = arith.constant 0 : i32
    %dma_wait3A_280 = tpu.memref_slice %arg7[%dma_wait3A_278, %dma_wait3A_279] : memref<512x32xf32, #tpu.memory_space<vmem>> -> memref<16x32xf32, #tpu.memory_space<vmem>>
    %dma_wait3A_281 = arith.constant 0 : i32
    %dma_wait3A_282 = tpu.memref_slice %arg5[%mul3A_2, %dma_wait3A_281] : memref<16384x32xf32, #tpu.memory_space<hbm>> -> memref<16x32xf32, #tpu.memory_space<hbm>>
    %dma_wait3A_283 = arith.constant 0 : i32
    %dma_wait3A_284 = arith.constant 0 : i32
    %dma_wait3A_285 = tpu.memref_slice %arg7[%dma_wait3A_283, %dma_wait3A_284] : memref<512x32xf32, #tpu.memory_space<vmem>> -> memref<16x32xf32, #tpu.memory_space<vmem>>
    %dma_wait3A_286 = arith.constant 0 : i32
    %dma_wait3A_287 = tpu.memref_slice %arg5[%mul3A_2, %dma_wait3A_286] : memref<16384x32xf32, #tpu.memory_space<hbm>> -> memref<16x32xf32, #tpu.memory_space<hbm>>
    tpu.wait_dma2 semaphore(%arg16 : memref<!tpu.dma_semaphore, #tpu.memory_space<semaphore_mem>>) src(%dma_wait3A_287 : memref<16x32xf32, #tpu.memory_space<hbm>>) dst(%dma_wait3A_285 : memref<16x32xf32, #tpu.memory_space<vmem>>)
    %scan3A_288 = arith.constant 0 : i32
    %scan3A_289 = arith.constant 256 : i32
    %scan3A_290 = arith.constant 128 : i32
    %scan3A_291 = arith.addi %scan3A_289, %scan3A_290 : i32
    %scan3A_292 = arith.constant 4 : i32
    %scan3A_293 = scf.for %scan3A_382 = %scan3A_289 to %scan3A_291 step %scan3A_292 iter_args(%scan3A_383 = %scan3A_288) -> (i32)  : i32 {
      %get3A_384 = arith.index_cast %scan3A_382 : i32 to index
      %get3A_385 = arith.constant 0 : index
      %get3A_386 = tpu.vector_load %arg7[%get3A_384, %get3A_385] {strides = array<i32>} : memref<512x32xf32, #tpu.memory_space<vmem>>, vector<1x16xf32>,
      %get3A_387 = vector.shape_cast %get3A_386 : vector<1x16xf32> to vector<16xf32>
      %add3A_388 = arith.addf %get3A_387, %get3A_4 : vector<16xf32>
      %swap3A = arith.index_cast %scan3A_382 : i32 to index
      %swap3A_389 = arith.constant 0 : index
      %swap3A_390 = tpu.vector_load %arg7[%swap3A, %swap3A_389] {strides = array<i32>} : memref<512x32xf32, #tpu.memory_space<vmem>>, vector<1x16xf32>,
      %swap3A_391 = vector.shape_cast %swap3A_390 : vector<1x16xf32> to vector<16xf32>
      %swap3A_392 = vector.shape_cast %add3A_388 : vector<16xf32> to vector<1x16xf32>
      tpu.vector_store %arg7[%swap3A, %swap3A_389], %swap3A_392 {strides = array<i32>} : memref<512x32xf32, #tpu.memory_space<vmem>>, vector<1x16xf32>,
      %get3A_393 = arith.index_cast %scan3A_382 : i32 to index
      %get3A_394 = arith.constant 16 : index
      %get3A_395 = tpu.vector_load %arg7[%get3A_393, %get3A_394] {strides = array<i32>} : memref<512x32xf32, #tpu.memory_space<vmem>>, vector<1x16xf32>,
      %get3A_396 = vector.shape_cast %get3A_395 : vector<1x16xf32> to vector<16xf32>
      %add3A_397 = arith.addf %get3A_396, %get3A_7 : vector<16xf32>
      %swap3A_398 = arith.index_cast %scan3A_382 : i32 to index
      %swap3A_399 = arith.constant 16 : index
      %swap3A_400 = tpu.vector_load %arg7[%swap3A_398, %swap3A_399] {strides = array<i32>} : memref<512x32xf32, #tpu.memory_space<vmem>>, vector<1x16xf32>,
      %swap3A_401 = vector.shape_cast %swap3A_400 : vector<1x16xf32> to vector<16xf32>
      %swap3A_402 = vector.shape_cast %add3A_397 : vector<16xf32> to vector<1x16xf32>
      tpu.vector_store %arg7[%swap3A_398, %swap3A_399], %swap3A_402 {strides = array<i32>} : memref<512x32xf32, #tpu.memory_space<vmem>>, vector<1x16xf32>,
      %scan3A_403 = arith.constant 0 : i32
      %scan3A_404 = arith.constant 1 : i32
      %scan3A_405 = arith.addi %scan3A_382, %scan3A_404 : i32
      %get3A_406 = arith.index_cast %scan3A_405 : i32 to index
      %get3A_407 = arith.constant 0 : index
      %get3A_408 = tpu.vector_load %arg7[%get3A_406, %get3A_407] {strides = array<i32>} : memref<512x32xf32, #tpu.memory_space<vmem>>, vector<1x16xf32>,
      %get3A_409 = vector.shape_cast %get3A_408 : vector<1x16xf32> to vector<16xf32>
      %add3A_410 = arith.addf %get3A_409, %get3A_4 : vector<16xf32>
      %swap3A_411 = arith.index_cast %scan3A_405 : i32 to index
      %swap3A_412 = arith.constant 0 : index
      %swap3A_413 = tpu.vector_load %arg7[%swap3A_411, %swap3A_412] {strides = array<i32>} : memref<512x32xf32, #tpu.memory_space<vmem>>, vector<1x16xf32>,
      %swap3A_414 = vector.shape_cast %swap3A_413 : vector<1x16xf32> to vector<16xf32>
      %swap3A_415 = vector.shape_cast %add3A_410 : vector<16xf32> to vector<1x16xf32>
      tpu.vector_store %arg7[%swap3A_411, %swap3A_412], %swap3A_415 {strides = array<i32>} : memref<512x32xf32, #tpu.memory_space<vmem>>, vector<1x16xf32>,
      %get3A_416 = arith.index_cast %scan3A_405 : i32 to index
      %get3A_417 = arith.constant 16 : index
      %get3A_418 = tpu.vector_load %arg7[%get3A_416, %get3A_417] {strides = array<i32>} : memref<512x32xf32, #tpu.memory_space<vmem>>, vector<1x16xf32>,
      %get3A_419 = vector.shape_cast %get3A_418 : vector<1x16xf32> to vector<16xf32>
      %add3A_420 = arith.addf %get3A_419, %get3A_7 : vector<16xf32>
      %swap3A_421 = arith.index_cast %scan3A_405 : i32 to index
      %swap3A_422 = arith.constant 16 : index
      %swap3A_423 = tpu.vector_load %arg7[%swap3A_421, %swap3A_422] {strides = array<i32>} : memref<512x32xf32, #tpu.memory_space<vmem>>, vector<1x16xf32>,
      %swap3A_424 = vector.shape_cast %swap3A_423 : vector<1x16xf32> to vector<16xf32>
      %swap3A_425 = vector.shape_cast %add3A_420 : vector<16xf32> to vector<1x16xf32>
      tpu.vector_store %arg7[%swap3A_421, %swap3A_422], %swap3A_425 {strides = array<i32>} : memref<512x32xf32, #tpu.memory_space<vmem>>, vector<1x16xf32>,
      %scan3A_426 = arith.constant 0 : i32
      %scan3A_427 = arith.constant 2 : i32
      %scan3A_428 = arith.addi %scan3A_382, %scan3A_427 : i32
      %get3A_429 = arith.index_cast %scan3A_428 : i32 to index
      %get3A_430 = arith.constant 0 : index
      %get3A_431 = tpu.vector_load %arg7[%get3A_429, %get3A_430] {strides = array<i32>} : memref<512x32xf32, #tpu.memory_space<vmem>>, vector<1x16xf32>,
      %get3A_432 = vector.shape_cast %get3A_431 : vector<1x16xf32> to vector<16xf32>
      %add3A_433 = arith.addf %get3A_432, %get3A_4 : vector<16xf32>
      %swap3A_434 = arith.index_cast %scan3A_428 : i32 to index
      %swap3A_435 = arith.constant 0 : index
      %swap3A_436 = tpu.vector_load %arg7[%swap3A_434, %swap3A_435] {strides = array<i32>} : memref<512x32xf32, #tpu.memory_space<vmem>>, vector<1x16xf32>,
      %swap3A_437 = vector.shape_cast %swap3A_436 : vector<1x16xf32> to vector<16xf32>
      %swap3A_438 = vector.shape_cast %add3A_433 : vector<16xf32> to vector<1x16xf32>
      tpu.vector_store %arg7[%swap3A_434, %swap3A_435], %swap3A_438 {strides = array<i32>} : memref<512x32xf32, #tpu.memory_space<vmem>>, vector<1x16xf32>,
      %get3A_439 = arith.index_cast %scan3A_428 : i32 to index
      %get3A_440 = arith.constant 16 : index
      %get3A_441 = tpu.vector_load %arg7[%get3A_439, %get3A_440] {strides = array<i32>} : memref<512x32xf32, #tpu.memory_space<vmem>>, vector<1x16xf32>,
      %get3A_442 = vector.shape_cast %get3A_441 : vector<1x16xf32> to vector<16xf32>
      %add3A_443 = arith.addf %get3A_442, %get3A_7 : vector<16xf32>
      %swap3A_444 = arith.index_cast %scan3A_428 : i32 to index
      %swap3A_445 = arith.constant 16 : index
      %swap3A_446 = tpu.vector_load %arg7[%swap3A_444, %swap3A_445] {strides = array<i32>} : memref<512x32xf32, #tpu.memory_space<vmem>>, vector<1x16xf32>,
      %swap3A_447 = vector.shape_cast %swap3A_446 : vector<1x16xf32> to vector<16xf32>
      %swap3A_448 = vector.shape_cast %add3A_443 : vector<16xf32> to vector<1x16xf32>
      tpu.vector_store %arg7[%swap3A_444, %swap3A_445], %swap3A_448 {strides = array<i32>} : memref<512x32xf32, #tpu.memory_space<vmem>>, vector<1x16xf32>,
      %scan3A_449 = arith.constant 0 : i32
      %scan3A_450 = arith.constant 3 : i32
      %scan3A_451 = arith.addi %scan3A_382, %scan3A_450 : i32
      %get3A_452 = arith.index_cast %scan3A_451 : i32 to index
      %get3A_453 = arith.constant 0 : index
      %get3A_454 = tpu.vector_load %arg7[%get3A_452, %get3A_453] {strides = array<i32>} : memref<512x32xf32, #tpu.memory_space<vmem>>, vector<1x16xf32>,
      %get3A_455 = vector.shape_cast %get3A_454 : vector<1x16xf32> to vector<16xf32>
      %add3A_456 = arith.addf %get3A_455, %get3A_4 : vector<16xf32>
      %swap3A_457 = arith.index_cast %scan3A_451 : i32 to index
      %swap3A_458 = arith.constant 0 : index
      %swap3A_459 = tpu.vector_load %arg7[%swap3A_457, %swap3A_458] {strides = array<i32>} : memref<512x32xf32, #tpu.memory_space<vmem>>, vector<1x16xf32>,
      %swap3A_460 = vector.shape_cast %swap3A_459 : vector<1x16xf32> to vector<16xf32>
      %swap3A_461 = vector.shape_cast %add3A_456 : vector<16xf32> to vector<1x16xf32>
      tpu.vector_store %arg7[%swap3A_457, %swap3A_458], %swap3A_461 {strides = array<i32>} : memref<512x32xf32, #tpu.memory_space<vmem>>, vector<1x16xf32>,
      %get3A_462 = arith.index_cast %scan3A_451 : i32 to index
      %get3A_463 = arith.constant 16 : index
      %get3A_464 = tpu.vector_load %arg7[%get3A_462, %get3A_463] {strides = array<i32>} : memref<512x32xf32, #tpu.memory_space<vmem>>, vector<1x16xf32>,
      %get3A_465 = vector.shape_cast %get3A_464 : vector<1x16xf32> to vector<16xf32>
      %add3A_466 = arith.addf %get3A_465, %get3A_7 : vector<16xf32>
      %swap3A_467 = arith.index_cast %scan3A_451 : i32 to index
      %swap3A_468 = arith.constant 16 : index
      %swap3A_469 = tpu.vector_load %arg7[%swap3A_467, %swap3A_468] {strides = array<i32>} : memref<512x32xf32, #tpu.memory_space<vmem>>, vector<1x16xf32>,
      %swap3A_470 = vector.shape_cast %swap3A_469 : vector<1x16xf32> to vector<16xf32>
      %swap3A_471 = vector.shape_cast %add3A_466 : vector<16xf32> to vector<1x16xf32>
      tpu.vector_store %arg7[%swap3A_467, %swap3A_468], %swap3A_471 {strides = array<i32>} : memref<512x32xf32, #tpu.memory_space<vmem>>, vector<1x16xf32>,
      %scan3A_472 = arith.constant 0 : i32
      scf.yield %scan3A_472 : i32
    }
    %scan3A_294 = arith.constant 128 : i32
    %dma_wait3A_295 = arith.constant 0 : i32
    %dma_wait3A_296 = arith.constant 0 : i32
    %dma_wait3A_297 = tpu.memref_slice %arg7[%dma_wait3A_295, %dma_wait3A_296] : memref<512x32xf32, #tpu.memory_space<vmem>> -> memref<16x32xf32, #tpu.memory_space<vmem>>
    %dma_wait3A_298 = arith.constant 0 : i32
    %dma_wait3A_299 = tpu.memref_slice %arg5[%mul3A_2, %dma_wait3A_298] : memref<16384x32xf32, #tpu.memory_space<hbm>> -> memref<16x32xf32, #tpu.memory_space<hbm>>
    %dma_wait3A_300 = arith.constant 0 : i32
    %dma_wait3A_301 = arith.constant 0 : i32
    %dma_wait3A_302 = tpu.memref_slice %arg7[%dma_wait3A_300, %dma_wait3A_301] : memref<512x32xf32, #tpu.memory_space<vmem>> -> memref<16x32xf32, #tpu.memory_space<vmem>>
    %dma_wait3A_303 = arith.constant 0 : i32
    %dma_wait3A_304 = tpu.memref_slice %arg5[%mul3A_2, %dma_wait3A_303] : memref<16384x32xf32, #tpu.memory_space<hbm>> -> memref<16x32xf32, #tpu.memory_space<hbm>>
    tpu.wait_dma2 semaphore(%arg9 : memref<!tpu.dma_semaphore, #tpu.memory_space<semaphore_mem>>) src(%dma_wait3A_304 : memref<16x32xf32, #tpu.memory_space<hbm>>) dst(%dma_wait3A_302 : memref<16x32xf32, #tpu.memory_space<vmem>>)
    %dma_wait3A_305 = arith.constant 0 : i32
    %dma_wait3A_306 = arith.constant 0 : i32
    %dma_wait3A_307 = tpu.memref_slice %arg7[%dma_wait3A_305, %dma_wait3A_306] : memref<512x32xf32, #tpu.memory_space<vmem>> -> memref<16x32xf32, #tpu.memory_space<vmem>>
    %dma_wait3A_308 = arith.constant 0 : i32
    %dma_wait3A_309 = tpu.memref_slice %arg5[%mul3A_2, %dma_wait3A_308] : memref<16384x32xf32, #tpu.memory_space<hbm>> -> memref<16x32xf32, #tpu.memory_space<hbm>>
    %dma_wait3A_310 = arith.constant 0 : i32
    %dma_wait3A_311 = arith.constant 0 : i32
    %dma_wait3A_312 = tpu.memref_slice %arg7[%dma_wait3A_310, %dma_wait3A_311] : memref<512x32xf32, #tpu.memory_space<vmem>> -> memref<16x32xf32, #tpu.memory_space<vmem>>
    %dma_wait3A_313 = arith.constant 0 : i32
    %dma_wait3A_314 = tpu.memref_slice %arg5[%mul3A_2, %dma_wait3A_313] : memref<16384x32xf32, #tpu.memory_space<hbm>> -> memref<16x32xf32, #tpu.memory_space<hbm>>
    tpu.wait_dma2 semaphore(%arg10 : memref<!tpu.dma_semaphore, #tpu.memory_space<semaphore_mem>>) src(%dma_wait3A_314 : memref<16x32xf32, #tpu.memory_space<hbm>>) dst(%dma_wait3A_312 : memref<16x32xf32, #tpu.memory_space<vmem>>)
    %dma_wait3A_315 = arith.constant 0 : i32
    %dma_wait3A_316 = arith.constant 0 : i32
    %dma_wait3A_317 = tpu.memref_slice %arg7[%dma_wait3A_315, %dma_wait3A_316] : memref<512x32xf32, #tpu.memory_space<vmem>> -> memref<16x32xf32, #tpu.memory_space<vmem>>
    %dma_wait3A_318 = arith.constant 0 : i32
    %dma_wait3A_319 = tpu.memref_slice %arg5[%mul3A_2, %dma_wait3A_318] : memref<16384x32xf32, #tpu.memory_space<hbm>> -> memref<16x32xf32, #tpu.memory_space<hbm>>
    %dma_wait3A_320 = arith.constant 0 : i32
    %dma_wait3A_321 = arith.constant 0 : i32
    %dma_wait3A_322 = tpu.memref_slice %arg7[%dma_wait3A_320, %dma_wait3A_321] : memref<512x32xf32, #tpu.memory_space<vmem>> -> memref<16x32xf32, #tpu.memory_space<vmem>>
    %dma_wait3A_323 = arith.constant 0 : i32
    %dma_wait3A_324 = tpu.memref_slice %arg5[%mul3A_2, %dma_wait3A_323] : memref<16384x32xf32, #tpu.memory_space<hbm>> -> memref<16x32xf32, #tpu.memory_space<hbm>>
    tpu.wait_dma2 semaphore(%arg11 : memref<!tpu.dma_semaphore, #tpu.memory_space<semaphore_mem>>) src(%dma_wait3A_324 : memref<16x32xf32, #tpu.memory_space<hbm>>) dst(%dma_wait3A_322 : memref<16x32xf32, #tpu.memory_space<vmem>>)
    %dma_wait3A_325 = arith.constant 0 : i32
    %dma_wait3A_326 = arith.constant 0 : i32
    %dma_wait3A_327 = tpu.memref_slice %arg7[%dma_wait3A_325, %dma_wait3A_326] : memref<512x32xf32, #tpu.memory_space<vmem>> -> memref<16x32xf32, #tpu.memory_space<vmem>>
    %dma_wait3A_328 = arith.constant 0 : i32
    %dma_wait3A_329 = tpu.memref_slice %arg5[%mul3A_2, %dma_wait3A_328] : memref<16384x32xf32, #tpu.memory_space<hbm>> -> memref<16x32xf32, #tpu.memory_space<hbm>>
    %dma_wait3A_330 = arith.constant 0 : i32
    %dma_wait3A_331 = arith.constant 0 : i32
    %dma_wait3A_332 = tpu.memref_slice %arg7[%dma_wait3A_330, %dma_wait3A_331] : memref<512x32xf32, #tpu.memory_space<vmem>> -> memref<16x32xf32, #tpu.memory_space<vmem>>
    %dma_wait3A_333 = arith.constant 0 : i32
    %dma_wait3A_334 = tpu.memref_slice %arg5[%mul3A_2, %dma_wait3A_333] : memref<16384x32xf32, #tpu.memory_space<hbm>> -> memref<16x32xf32, #tpu.memory_space<hbm>>
    tpu.wait_dma2 semaphore(%arg12 : memref<!tpu.dma_semaphore, #tpu.memory_space<semaphore_mem>>) src(%dma_wait3A_334 : memref<16x32xf32, #tpu.memory_space<hbm>>) dst(%dma_wait3A_332 : memref<16x32xf32, #tpu.memory_space<vmem>>)
    %dma_wait3A_335 = arith.constant 0 : i32
    %dma_wait3A_336 = arith.constant 0 : i32
    %dma_wait3A_337 = tpu.memref_slice %arg7[%dma_wait3A_335, %dma_wait3A_336] : memref<512x32xf32, #tpu.memory_space<vmem>> -> memref<16x32xf32, #tpu.memory_space<vmem>>
    %dma_wait3A_338 = arith.constant 0 : i32
    %dma_wait3A_339 = tpu.memref_slice %arg5[%mul3A_2, %dma_wait3A_338] : memref<16384x32xf32, #tpu.memory_space<hbm>> -> memref<16x32xf32, #tpu.memory_space<hbm>>
    %dma_wait3A_340 = arith.constant 0 : i32
    %dma_wait3A_341 = arith.constant 0 : i32
    %dma_wait3A_342 = tpu.memref_slice %arg7[%dma_wait3A_340, %dma_wait3A_341] : memref<512x32xf32, #tpu.memory_space<vmem>> -> memref<16x32xf32, #tpu.memory_space<vmem>>
    %dma_wait3A_343 = arith.constant 0 : i32
    %dma_wait3A_344 = tpu.memref_slice %arg5[%mul3A_2, %dma_wait3A_343] : memref<16384x32xf32, #tpu.memory_space<hbm>> -> memref<16x32xf32, #tpu.memory_space<hbm>>
    tpu.wait_dma2 semaphore(%arg13 : memref<!tpu.dma_semaphore, #tpu.memory_space<semaphore_mem>>) src(%dma_wait3A_344 : memref<16x32xf32, #tpu.memory_space<hbm>>) dst(%dma_wait3A_342 : memref<16x32xf32, #tpu.memory_space<vmem>>)
    %dma_wait3A_345 = arith.constant 0 : i32
    %dma_wait3A_346 = arith.constant 0 : i32
    %dma_wait3A_347 = tpu.memref_slice %arg7[%dma_wait3A_345, %dma_wait3A_346] : memref<512x32xf32, #tpu.memory_space<vmem>> -> memref<16x32xf32, #tpu.memory_space<vmem>>
    %dma_wait3A_348 = arith.constant 0 : i32
    %dma_wait3A_349 = tpu.memref_slice %arg5[%mul3A_2, %dma_wait3A_348] : memref<16384x32xf32, #tpu.memory_space<hbm>> -> memref<16x32xf32, #tpu.memory_space<hbm>>
    %dma_wait3A_350 = arith.constant 0 : i32
    %dma_wait3A_351 = arith.constant 0 : i32
    %dma_wait3A_352 = tpu.memref_slice %arg7[%dma_wait3A_350, %dma_wait3A_351] : memref<512x32xf32, #tpu.memory_space<vmem>> -> memref<16x32xf32, #tpu.memory_space<vmem>>
    %dma_wait3A_353 = arith.constant 0 : i32
    %dma_wait3A_354 = tpu.memref_slice %arg5[%mul3A_2, %dma_wait3A_353] : memref<16384x32xf32, #tpu.memory_space<hbm>> -> memref<16x32xf32, #tpu.memory_space<hbm>>
    tpu.wait_dma2 semaphore(%arg14 : memref<!tpu.dma_semaphore, #tpu.memory_space<semaphore_mem>>) src(%dma_wait3A_354 : memref<16x32xf32, #tpu.memory_space<hbm>>) dst(%dma_wait3A_352 : memref<16x32xf32, #tpu.memory_space<vmem>>)
    %dma_wait3A_355 = arith.constant 0 : i32
    %dma_wait3A_356 = arith.constant 0 : i32
    %dma_wait3A_357 = tpu.memref_slice %arg7[%dma_wait3A_355, %dma_wait3A_356] : memref<512x32xf32, #tpu.memory_space<vmem>> -> memref<16x32xf32, #tpu.memory_space<vmem>>
    %dma_wait3A_358 = arith.constant 0 : i32
    %dma_wait3A_359 = tpu.memref_slice %arg5[%mul3A_2, %dma_wait3A_358] : memref<16384x32xf32, #tpu.memory_space<hbm>> -> memref<16x32xf32, #tpu.memory_space<hbm>>
    %dma_wait3A_360 = arith.constant 0 : i32
    %dma_wait3A_361 = arith.constant 0 : i32
    %dma_wait3A_362 = tpu.memref_slice %arg7[%dma_wait3A_360, %dma_wait3A_361] : memref<512x32xf32, #tpu.memory_space<vmem>> -> memref<16x32xf32, #tpu.memory_space<vmem>>
    %dma_wait3A_363 = arith.constant 0 : i32
    %dma_wait3A_364 = tpu.memref_slice %arg5[%mul3A_2, %dma_wait3A_363] : memref<16384x32xf32, #tpu.memory_space<hbm>> -> memref<16x32xf32, #tpu.memory_space<hbm>>
    tpu.wait_dma2 semaphore(%arg15 : memref<!tpu.dma_semaphore, #tpu.memory_space<semaphore_mem>>) src(%dma_wait3A_364 : memref<16x32xf32, #tpu.memory_space<hbm>>) dst(%dma_wait3A_362 : memref<16x32xf32, #tpu.memory_space<vmem>>)
    %dma_wait3A_365 = arith.constant 0 : i32
    %dma_wait3A_366 = arith.constant 0 : i32
    %dma_wait3A_367 = tpu.memref_slice %arg7[%dma_wait3A_365, %dma_wait3A_366] : memref<512x32xf32, #tpu.memory_space<vmem>> -> memref<16x32xf32, #tpu.memory_space<vmem>>
    %dma_wait3A_368 = arith.constant 0 : i32
    %dma_wait3A_369 = tpu.memref_slice %arg5[%mul3A_2, %dma_wait3A_368] : memref<16384x32xf32, #tpu.memory_space<hbm>> -> memref<16x32xf32, #tpu.memory_space<hbm>>
    %dma_wait3A_370 = arith.constant 0 : i32
    %dma_wait3A_371 = arith.constant 0 : i32
    %dma_wait3A_372 = tpu.memref_slice %arg7[%dma_wait3A_370, %dma_wait3A_371] : memref<512x32xf32, #tpu.memory_space<vmem>> -> memref<16x32xf32, #tpu.memory_space<vmem>>
    %dma_wait3A_373 = arith.constant 0 : i32
    %dma_wait3A_374 = tpu.memref_slice %arg5[%mul3A_2, %dma_wait3A_373] : memref<16384x32xf32, #tpu.memory_space<hbm>> -> memref<16x32xf32, #tpu.memory_space<hbm>>
    tpu.wait_dma2 semaphore(%arg16 : memref<!tpu.dma_semaphore, #tpu.memory_space<semaphore_mem>>) src(%dma_wait3A_374 : memref<16x32xf32, #tpu.memory_space<hbm>>) dst(%dma_wait3A_372 : memref<16x32xf32, #tpu.memory_space<vmem>>)
    %scan3A_375 = arith.constant 0 : i32
    %scan3A_376 = arith.constant 384 : i32
    %scan3A_377 = arith.constant 128 : i32
    %scan3A_378 = arith.addi %scan3A_376, %scan3A_377 : i32
    %scan3A_379 = arith.constant 4 : i32
    %scan3A_380 = scf.for %scan3A_382 = %scan3A_376 to %scan3A_378 step %scan3A_379 iter_args(%scan3A_383 = %scan3A_375) -> (i32)  : i32 {
      %get3A_384 = arith.index_cast %scan3A_382 : i32 to index
      %get3A_385 = arith.constant 0 : index
      %get3A_386 = tpu.vector_load %arg7[%get3A_384, %get3A_385] {strides = array<i32>} : memref<512x32xf32, #tpu.memory_space<vmem>>, vector<1x16xf32>,
      %get3A_387 = vector.shape_cast %get3A_386 : vector<1x16xf32> to vector<16xf32>
      %add3A_388 = arith.addf %get3A_387, %get3A_4 : vector<16xf32>
      %swap3A = arith.index_cast %scan3A_382 : i32 to index
      %swap3A_389 = arith.constant 0 : index
      %swap3A_390 = tpu.vector_load %arg7[%swap3A, %swap3A_389] {strides = array<i32>} : memref<512x32xf32, #tpu.memory_space<vmem>>, vector<1x16xf32>,
      %swap3A_391 = vector.shape_cast %swap3A_390 : vector<1x16xf32> to vector<16xf32>
      %swap3A_392 = vector.shape_cast %add3A_388 : vector<16xf32> to vector<1x16xf32>
      tpu.vector_store %arg7[%swap3A, %swap3A_389], %swap3A_392 {strides = array<i32>} : memref<512x32xf32, #tpu.memory_space<vmem>>, vector<1x16xf32>,
      %get3A_393 = arith.index_cast %scan3A_382 : i32 to index
      %get3A_394 = arith.constant 16 : index
      %get3A_395 = tpu.vector_load %arg7[%get3A_393, %get3A_394] {strides = array<i32>} : memref<512x32xf32, #tpu.memory_space<vmem>>, vector<1x16xf32>,
      %get3A_396 = vector.shape_cast %get3A_395 : vector<1x16xf32> to vector<16xf32>
      %add3A_397 = arith.addf %get3A_396, %get3A_7 : vector<16xf32>
      %swap3A_398 = arith.index_cast %scan3A_382 : i32 to index
      %swap3A_399 = arith.constant 16 : index
      %swap3A_400 = tpu.vector_load %arg7[%swap3A_398, %swap3A_399] {strides = array<i32>} : memref<512x32xf32, #tpu.memory_space<vmem>>, vector<1x16xf32>,
      %swap3A_401 = vector.shape_cast %swap3A_400 : vector<1x16xf32> to vector<16xf32>
      %swap3A_402 = vector.shape_cast %add3A_397 : vector<16xf32> to vector<1x16xf32>
      tpu.vector_store %arg7[%swap3A_398, %swap3A_399], %swap3A_402 {strides = array<i32>} : memref<512x32xf32, #tpu.memory_space<vmem>>, vector<1x16xf32>,
      %scan3A_403 = arith.constant 0 : i32
      %scan3A_404 = arith.constant 1 : i32
      %scan3A_405 = arith.addi %scan3A_382, %scan3A_404 : i32
      %get3A_406 = arith.index_cast %scan3A_405 : i32 to index
      %get3A_407 = arith.constant 0 : index
      %get3A_408 = tpu.vector_load %arg7[%get3A_406, %get3A_407] {strides = array<i32>} : memref<512x32xf32, #tpu.memory_space<vmem>>, vector<1x16xf32>,
      %get3A_409 = vector.shape_cast %get3A_408 : vector<1x16xf32> to vector<16xf32>
      %add3A_410 = arith.addf %get3A_409, %get3A_4 : vector<16xf32>
      %swap3A_411 = arith.index_cast %scan3A_405 : i32 to index
      %swap3A_412 = arith.constant 0 : index
      %swap3A_413 = tpu.vector_load %arg7[%swap3A_411, %swap3A_412] {strides = array<i32>} : memref<512x32xf32, #tpu.memory_space<vmem>>, vector<1x16xf32>,
      %swap3A_414 = vector.shape_cast %swap3A_413 : vector<1x16xf32> to vector<16xf32>
      %swap3A_415 = vector.shape_cast %add3A_410 : vector<16xf32> to vector<1x16xf32>
      tpu.vector_store %arg7[%swap3A_411, %swap3A_412], %swap3A_415 {strides = array<i32>} : memref<512x32xf32, #tpu.memory_space<vmem>>, vector<1x16xf32>,
      %get3A_416 = arith.index_cast %scan3A_405 : i32 to index
      %get3A_417 = arith.constant 16 : index
      %get3A_418 = tpu.vector_load %arg7[%get3A_416, %get3A_417] {strides = array<i32>} : memref<512x32xf32, #tpu.memory_space<vmem>>, vector<1x16xf32>,
      %get3A_419 = vector.shape_cast %get3A_418 : vector<1x16xf32> to vector<16xf32>
      %add3A_420 = arith.addf %get3A_419, %get3A_7 : vector<16xf32>
      %swap3A_421 = arith.index_cast %scan3A_405 : i32 to index
      %swap3A_422 = arith.constant 16 : index
      %swap3A_423 = tpu.vector_load %arg7[%swap3A_421, %swap3A_422] {strides = array<i32>} : memref<512x32xf32, #tpu.memory_space<vmem>>, vector<1x16xf32>,
      %swap3A_424 = vector.shape_cast %swap3A_423 : vector<1x16xf32> to vector<16xf32>
      %swap3A_425 = vector.shape_cast %add3A_420 : vector<16xf32> to vector<1x16xf32>
      tpu.vector_store %arg7[%swap3A_421, %swap3A_422], %swap3A_425 {strides = array<i32>} : memref<512x32xf32, #tpu.memory_space<vmem>>, vector<1x16xf32>,
      %scan3A_426 = arith.constant 0 : i32
      %scan3A_427 = arith.constant 2 : i32
      %scan3A_428 = arith.addi %scan3A_382, %scan3A_427 : i32
      %get3A_429 = arith.index_cast %scan3A_428 : i32 to index
      %get3A_430 = arith.constant 0 : index
      %get3A_431 = tpu.vector_load %arg7[%get3A_429, %get3A_430] {strides = array<i32>} : memref<512x32xf32, #tpu.memory_space<vmem>>, vector<1x16xf32>,
      %get3A_432 = vector.shape_cast %get3A_431 : vector<1x16xf32> to vector<16xf32>
      %add3A_433 = arith.addf %get3A_432, %get3A_4 : vector<16xf32>
      %swap3A_434 = arith.index_cast %scan3A_428 : i32 to index
      %swap3A_435 = arith.constant 0 : index
      %swap3A_436 = tpu.vector_load %arg7[%swap3A_434, %swap3A_435] {strides = array<i32>} : memref<512x32xf32, #tpu.memory_space<vmem>>, vector<1x16xf32>,
      %swap3A_437 = vector.shape_cast %swap3A_436 : vector<1x16xf32> to vector<16xf32>
      %swap3A_438 = vector.shape_cast %add3A_433 : vector<16xf32> to vector<1x16xf32>
      tpu.vector_store %arg7[%swap3A_434, %swap3A_435], %swap3A_438 {strides = array<i32>} : memref<512x32xf32, #tpu.memory_space<vmem>>, vector<1x16xf32>,
      %get3A_439 = arith.index_cast %scan3A_428 : i32 to index
      %get3A_440 = arith.constant 16 : index
      %get3A_441 = tpu.vector_load %arg7[%get3A_439, %get3A_440] {strides = array<i32>} : memref<512x32xf32, #tpu.memory_space<vmem>>, vector<1x16xf32>,
      %get3A_442 = vector.shape_cast %get3A_441 : vector<1x16xf32> to vector<16xf32>
      %add3A_443 = arith.addf %get3A_442, %get3A_7 : vector<16xf32>
      %swap3A_444 = arith.index_cast %scan3A_428 : i32 to index
      %swap3A_445 = arith.constant 16 : index
      %swap3A_446 = tpu.vector_load %arg7[%swap3A_444, %swap3A_445] {strides = array<i32>} : memref<512x32xf32, #tpu.memory_space<vmem>>, vector<1x16xf32>,
      %swap3A_447 = vector.shape_cast %swap3A_446 : vector<1x16xf32> to vector<16xf32>
      %swap3A_448 = vector.shape_cast %add3A_443 : vector<16xf32> to vector<1x16xf32>
      tpu.vector_store %arg7[%swap3A_444, %swap3A_445], %swap3A_448 {strides = array<i32>} : memref<512x32xf32, #tpu.memory_space<vmem>>, vector<1x16xf32>,
      %scan3A_449 = arith.constant 0 : i32
      %scan3A_450 = arith.constant 3 : i32
      %scan3A_451 = arith.addi %scan3A_382, %scan3A_450 : i32
      %get3A_452 = arith.index_cast %scan3A_451 : i32 to index
      %get3A_453 = arith.constant 0 : index
      %get3A_454 = tpu.vector_load %arg7[%get3A_452, %get3A_453] {strides = array<i32>} : memref<512x32xf32, #tpu.memory_space<vmem>>, vector<1x16xf32>,
      %get3A_455 = vector.shape_cast %get3A_454 : vector<1x16xf32> to vector<16xf32>
      %add3A_456 = arith.addf %get3A_455, %get3A_4 : vector<16xf32>
      %swap3A_457 = arith.index_cast %scan3A_451 : i32 to index
      %swap3A_458 = arith.constant 0 : index
      %swap3A_459 = tpu.vector_load %arg7[%swap3A_457, %swap3A_458] {strides = array<i32>} : memref<512x32xf32, #tpu.memory_space<vmem>>, vector<1x16xf32>,
      %swap3A_460 = vector.shape_cast %swap3A_459 : vector<1x16xf32> to vector<16xf32>
      %swap3A_461 = vector.shape_cast %add3A_456 : vector<16xf32> to vector<1x16xf32>
      tpu.vector_store %arg7[%swap3A_457, %swap3A_458], %swap3A_461 {strides = array<i32>} : memref<512x32xf32, #tpu.memory_space<vmem>>, vector<1x16xf32>,
      %get3A_462 = arith.index_cast %scan3A_451 : i32 to index
      %get3A_463 = arith.constant 16 : index
      %get3A_464 = tpu.vector_load %arg7[%get3A_462, %get3A_463] {strides = array<i32>} : memref<512x32xf32, #tpu.memory_space<vmem>>, vector<1x16xf32>,
      %get3A_465 = vector.shape_cast %get3A_464 : vector<1x16xf32> to vector<16xf32>
      %add3A_466 = arith.addf %get3A_465, %get3A_7 : vector<16xf32>
      %swap3A_467 = arith.index_cast %scan3A_451 : i32 to index
      %swap3A_468 = arith.constant 16 : index
      %swap3A_469 = tpu.vector_load %arg7[%swap3A_467, %swap3A_468] {strides = array<i32>} : memref<512x32xf32, #tpu.memory_space<vmem>>, vector<1x16xf32>,
      %swap3A_470 = vector.shape_cast %swap3A_469 : vector<1x16xf32> to vector<16xf32>
      %swap3A_471 = vector.shape_cast %add3A_466 : vector<16xf32> to vector<1x16xf32>
      tpu.vector_store %arg7[%swap3A_467, %swap3A_468], %swap3A_471 {strides = array<i32>} : memref<512x32xf32, #tpu.memory_space<vmem>>, vector<1x16xf32>,
      %scan3A_472 = arith.constant 0 : i32
      scf.yield %scan3A_472 : i32
    }
    %scan3A_381 = arith.constant 128 : i32
    "tpu.region"() ({
      %run_scoped3A = tpu.sem_alloc : memref<!tpu.dma_semaphore, #tpu.memory_space<semaphore_mem>>
      %dma_start3A = arith.constant 0 : i32
      %dma_start3A_382 = tpu.memref_slice %arg5[%mul3A_2, %dma_start3A] : memref<16384x32xf32, #tpu.memory_space<hbm>> -> memref<512x32xf32, #tpu.memory_space<hbm>>
      %dma_start3A_383 = arith.constant 0 : i32
      %dma_start3A_384 = tpu.memref_slice %arg5[%mul3A_2, %dma_start3A_383] : memref<16384x32xf32, #tpu.memory_space<hbm>> -> memref<512x32xf32, #tpu.memory_space<hbm>>
      tpu.enqueue_dma source(%arg7 : memref<512x32xf32, #tpu.memory_space<vmem>>) target(%dma_start3A_384 : memref<512x32xf32, #tpu.memory_space<hbm>>) target_semaphore(%run_scoped3A : memref<!tpu.dma_semaphore, #tpu.memory_space<semaphore_mem>>)
      %dma_wait3A_385 = arith.constant 0 : i32
      %dma_wait3A_386 = tpu.memref_slice %arg5[%mul3A_2, %dma_wait3A_385] : memref<16384x32xf32, #tpu.memory_space<hbm>> -> memref<512x32xf32, #tpu.memory_space<hbm>>
      %dma_wait3A_387 = arith.constant 0 : i32
      %dma_wait3A_388 = tpu.memref_slice %arg5[%mul3A_2, %dma_wait3A_387] : memref<16384x32xf32, #tpu.memory_space<hbm>> -> memref<512x32xf32, #tpu.memory_space<hbm>>
      tpu.wait_dma2 semaphore(%run_scoped3A : memref<!tpu.dma_semaphore, #tpu.memory_space<semaphore_mem>>) src(%arg7 : memref<512x32xf32, #tpu.memory_space<vmem>>) dst(%dma_wait3A_388 : memref<512x32xf32, #tpu.memory_space<hbm>>)
      tpu.yield
    }) : () -> ()
    return
  }
}

</mosaic_0001>

<sc_bundles>
// kernel: kernel.3.cloned.1.call-start
scs
__scs_entry_jumppad:
0x0: {  	(pc) =	sbr.rel $0x88, $3  }
0x1: {  	(tag) =	ssettag $0x0;
	lr =	simm.s32 $0x1  }
0x2: {  	[smem:$0x3F9E] =	sst lr;
	_ =	strace $0xD0000000  }
0x3: {  	_ = 	snop  }
0x4: {  	_ = 	snop  }
0x5: {  	_ = 	snop  }
0x6: {  	_ = 	snop  }
0x7: {  	_ = 	snop  }
__scs_overlays_trampoline_lowered:
0x8: {  	[smem:$0x3FAD] =	sst s0  }
0x9: {  	[smem:$0x3FAE] =	sst s1  }
0xa: {  	[smem:$0x3FAF] =	sst s2  }
0xb: {  	[smem:$0x3FB0] =	sst s3  }
0xc: {  	[smem:$0x3FB1] =	sst s4  }
0xd: {  	[smem:$0x3FB2] =	sst s5  }
0xe: {  	[smem:$0x3FB3] =	sst s6  }
0xf: {  	[smem:$0x3FB4] =	sst s7  }
0x10: {  	[smem:$0x3FB5] =	sst s8  }
0x11: {  	[smem:$0x3FB6] =	sst s9;
	s0 =	simm.s32 @!p0 $0x0  }
0x12: {  	s1 =	sld [smem:$0x3F9C];
	s0 =	simm.s32 @p0 $0x1  }
0x13: {  	[smem:$0x3FB7] =	sst s0;
	s0 =	simm.s32 @!p1 $0x0  }
0x14: {  	s2 =	sld [smem:$0x3F9B];
	s0 =	simm.s32 @p1 $0x1  }
0x15: {  	[smem:$0x3FB8] =	sst s0;
	s0 =	simm.s32 @!p2 $0x0  }
0x16: {  	s3 =	sld [smem:$0x3FDB];
	s0 =	simm.s32 @p2 $0x1  }
0x17: {  	s4 =	simm.s32 $0x1BF5;
	[smem:$0x3FBA] =	sst s0  }
0x18: {  	s0 =	sld [smem:$0x3F9D];
	_ =	swait.ge [sflag:s4], $0x0  }
0x19: {  	s7 =	sld [smem:$0x3F9E]  }
0x1a: {  	s8 =	sadd.s32 $0xFFFFE003, lr  }
0x1b: {  	s9 =	sadd.s32 $0xFFFFFEF7, lr;
	s5 =	simm.s32 $0xFFFFFFFF;
	p2 =	slt.u32 s8, $0xFFFFF086  }
0x1c: {  	p1 =	slt.u32 s9, $0xF7A;
	s5 =	simm.s32 @!p2 $0x0  }
0x1d: {  	s5 =	simm.s32 @p1 $0x1;
	p0 =	seq.s32 s7, s2  }
0x1e: {  	s7 =	smul.u32 @!p0 $0xF7A, s2;
	p2 =	seq.s32 @!p0 s5, $0x0  }
0x1f: {  	s9 =	smul.u32 $0xF7A, s1;
	s8 =	simm.s32 @!p0 $0x1BF5;
	p2 =	por !p2, p0  }
0x20: {  	[sflag:s8] =	ssyncset.s32 @!p0 $0xFFFFF086;
	s6 =	sadd.s32 @!p0 s3, s7;
	s7 =	simm.s32 @!p0 $0x108  }
0x21: {  	s3 =	sadd.s32 s3, s9;
	s6 =	sadd.s32 @!p0 $0x88, s6;
	s7 =	simm.s32 @p2 $0x1082  }
0x22: {  	[simem:s7], [sflag:s8] =	dma.local @!p0 [hbm:s6], $0xF7A  }
0x23: {  	s9 =	sor.u32 $0xD0000000, s2;
	s6 =	simm.s32 $0x108;
	_ =	swait.ge @!p0 [sflag:s8], $0x0  }
0x24: {  	s3 =	sadd.s32 $0x88, s3;
	s6 =	simm.s32 @!p1 $0x1082;
	[sflag:s4] =	ssyncset.s32 $0xFFFFF086  }
0x25: {  	[simem:s6], [sflag:s4] =	dma.local [hbm:s3], $0xF7A  }
0x26: {  	[smem:$0x3F9E] =	sst s1;
	(tag) =	ssettag s2;
	_ =	strace s9  }
0x27: {  	s1 =	sld [smem:$0x3FAE]  }
0x28: {  	s2 =	sld [smem:$0x3FAF]  }
0x29: {  	s4 =	sld [smem:$0x3FB1]  }
0x2a: {  	p0 =	seq.s32 s5, $0x0;
	s5 =	sld [smem:$0x3FB2]  }
0x2b: {  	s6 =	sld [smem:$0x3FB3]  }
0x2c: {  	s7 =	sld [smem:$0x3FB4]  }
0x2d: {  	s3 =	simm.s32 $0x108;
	s8 =	sld [smem:$0x3FB5]  }
0x2e: {  	s3 =	simm.s32 @!p0 $0x1082;
	s9 =	sld [smem:$0x3FB6]  }
0x2f: {  	lr =	sadd.s32 s0, s3;
	s0 =	sld [smem:$0x3FAD]  }
0x30: {  	s3 =	sld [smem:$0x3FB0]  }
0x31: {  	[smem:$0x3FB9] =	sst s10  }
0x32: {  	s10 =	sld [smem:$0x3FB7];
	_ =	sdelay $0x3  }
0x33: {  	p0 =	seq.s32 s10, $0x1;
	s10 =	sld [smem:$0x3FB9];
	_ =	sdelay $0x3  }
0x34: {  	[smem:$0x3FB9] =	sst s10  }
0x35: {  	s10 =	sld [smem:$0x3FB8];
	_ =	sdelay $0x3  }
0x36: {  	p1 =	seq.s32 s10, $0x1;
	s10 =	sld [smem:$0x3FB9];
	_ =	sdelay $0x3  }
0x37: {  	[smem:$0x3FB9] =	sst s10  }
0x38: {  	s10 =	sld [smem:$0x3FBA]  }
0x39: {  	_ = 	snop;
	(pc) =	sbr.ind lr, $3  }
0x3a: {  	_ = 	snop  }
0x3b: {  	_ = 	snop  }
0x3c: {  	p2 =	seq.s32 s10, $0x1;
	s10 =	sld [smem:$0x3FB9]  }
0x3d: {  	_ =	shalt  }
0x3e: {  	_ =	shalt  }
0x3f: {  	_ =	shalt  }
0x40: {  	_ =	shalt  }
0x41: {  	_ =	shalt  }
0x42: {  	_ =	shalt  }
0x43: {  	_ =	shalt  }
0x44: {  	_ =	shalt  }
0x45: {  	_ =	shalt  }
0x46: {  	_ =	shalt  }
0x47: {  	_ =	shalt  }
0x48: {  	_ =	shalt  }
0x49: {  	_ =	shalt  }
0x4a: {  	_ =	shalt  }
0x4b: {  	_ =	shalt  }
0x4c: {  	_ =	shalt  }
0x4d: {  	_ =	shalt  }
0x4e: {  	_ =	shalt  }
0x4f: {  	_ =	shalt  }
0x50: {  	_ =	shalt  }
0x51: {  	_ =	shalt  }
0x52: {  	_ =	shalt  }
0x53: {  	_ =	shalt  }
0x54: {  	_ =	shalt  }
0x55: {  	_ =	shalt  }
0x56: {  	_ =	shalt  }
0x57: {  	_ =	shalt  }
0x58: {  	_ =	shalt  }
0x59: {  	_ =	shalt  }
0x5a: {  	_ =	shalt  }
0x5b: {  	_ =	shalt  }
0x5c: {  	_ =	shalt  }
0x5d: {  	_ =	shalt  }
0x5e: {  	_ =	shalt  }
0x5f: {  	_ =	shalt  }
0x60: {  	_ =	shalt  }
0x61: {  	_ =	shalt  }
0x62: {  	_ =	shalt  }
0x63: {  	_ =	shalt  }
0x64: {  	_ =	shalt  }
0x65: {  	_ =	shalt  }
0x66: {  	_ =	shalt  }
0x67: {  	_ =	shalt  }
0x68: {  	_ =	shalt  }
0x69: {  	_ =	shalt  }
0x6a: {  	_ =	shalt  }
0x6b: {  	_ =	shalt  }
0x6c: {  	_ =	shalt  }
0x6d: {  	_ =	shalt  }
0x6e: {  	_ =	shalt  }
0x6f: {  	_ =	shalt  }
0x70: {  	_ =	shalt  }
0x71: {  	_ =	shalt  }
0x72: {  	_ =	shalt  }
0x73: {  	_ =	shalt  }
0x74: {  	_ =	shalt  }
0x75: {  	_ =	shalt  }
0x76: {  	_ =	shalt  }
0x77: {  	_ =	shalt  }
0x78: {  	_ =	shalt  }
0x79: {  	_ =	shalt  }
0x7a: {  	_ =	shalt  }
0x7b: {  	_ =	shalt  }
0x7c: {  	_ =	shalt  }
0x7d: {  	_ =	shalt  }
0x7e: {  	_ =	shalt  }
0x7f: {  	_ =	shalt  }
0x80: {  	_ =	shalt  }
0x81: {  	_ =	shalt  }
0x82: {  	_ =	shalt  }
0x83: {  	_ =	shalt  }
0x84: {  	_ =	shalt  }
0x85: {  	_ =	shalt  }
0x86: {  	_ =	shalt  }
0x87: {  	_ =	shalt  }
.Lfunc_end0:
.L_simem_size_0:
called_computation_lowered:
.L_overlay_start_0:
0x88: {  	s2 =	sld [smem:$0x3FD9]  }
0x89: {  	s3 =	sld [smem:$0x3FFE];
	_ =	sdelay $0x1  }
0x8a: {  	s1 =	srdreg.scid  }
0x8b: {  	s0 =	sand.u32 $0x1, s1  }
0x8c: {  	s17 =	sshll.u32 s0, $0xA;
	s2 =	sadd.s32 s3, s2  }
0x8d: {  	s2 =	sadd.s32 s2, s17  }
0x8e: {  	[smem:$0x3FC5] =	sst s2  }
0x8f: {  	_ = 	snop  }
0x90: {  	s2 =	sld [smem:$0x3FC9]  }
0x91: {  	s18 =	sld [smem:$0x3FC7];
	(tm) =	ssettm $0x1  }
0x92: {  	s4 =	sld [smem:$0x3FFB];
	_ =	sdelay $0x3  }
0x93: {  	_ =	strace s4  }
0x94: {  	s4 =	sld [smem:$0x3FFC];
	_ =	sdelay $0x3  }
0x95: {  	_ =	strace s4  }
0x96: {  	s4 =	sld [smem:$0x3FFD];
	_ =	sdelay $0x3  }
0x97: {  	_ =	strace s4  }
0x98: {  	_ =	strace $0x8FFFFFFF  }
0x99: {  	s19 =	sld [smem:$0x3FDB];
	_ =	sdelay $0x1  }
0x9a: {  	s5 =	simm.s32 $_scs_section_size  }
0x9b: {  	s6 =	simm.s32 $_size__tile_overlayer_lowered;
	s7 =	simm.s32 $_tile_overlayer_lowered  }
0x9c: {  	s22 =	simm.s32 $0x1BFF;
	s21 =	sshll.u32 s7, $0x1;
	s4 =	sadd.s32 s5, s19  }
0x9d: {  	s8 =	simm.s32 $0x0;
	s20 =	sshll.u32 s6, $0x1;
	s6 =	sadd.s32 s21, s4  }
0x9e: {  	[timem:s8], [sflag:s22] =	dma.local [hbm:s6], s20  }
0x9f: {  	_ =	swait.ge [sflag:s22], s20  }
0xa0: {  	s5 =	ssub.s32 $0x0, s20;
	[sflag:s22] =	ssyncset.done $0x0  }
0xa1: {  	[sflag:s22] =	ssyncadd.s32 s5;
	_ =	sdelay $0x1  }
0xa2: {  	s23 =	simm.s32 $0x1B8B  }
0xa3: {  	_ =	swait.ge [sflag:s23], $0x1  }
0xa4: {  	[sflag:s23] =	ssyncset.done $0x0  }
0xa5: {  	s25 =	simm.s32 $0x1B8E;
	s24 =	sld [smem:$0x3FFE];
	[sflag:s23] =	ssyncadd.s32 $0xFFFFFFFF  }
0xa6: {  	s26 =	simm.s32 $execute0_lowered;
	[smem:$0x3FD2] =	sst s25  }
0xa7: {  	s6 =	sshll.u32 s26, $0x1;
	_ =	strace $0x80000046;
	[dreg:$0x1] =	wrdreg $0xFFFFFFFF  }
0xa8: {  	s28 =	simm.s32 $_size_execute0_lowered;
	s4 =	sadd.s32 s4, s6;
	[dreg:$0x0] =	wrdreg $0x0  }
0xa9: {  	s6 =	sshll.u32 s28, $0x1;
	[dreg:$0x2] =	wrdreg s4  }
0xaa: {  	[dreg:$0x3] =	wrdreg s6  }
0xab: {  	[dreg:$0x4] =	wrdreg $0xC0  }
0xac: {  	_ =	task [dreg:s8], $0x5FFFF  }
0xad: {  	[dreg:$0x1] =	wrdreg $0xFFFFFFFF  }
0xae: {  	[dreg:$0x0] =	wrdreg $0x60  }
0xaf: {  	[dreg:$0x2] =	wrdreg s24  }
0xb0: {  	[dreg:$0x3] =	wrdreg s2  }
0xb1: {  	[dreg:$0x4] =	wrdreg s18  }
0xb2: {  	[dreg:$0x5] =	wrdreg $0x9  }
0xb3: {  	_ =	task.clear_ibuf [dreg:s8], $0x6FFFF;
	_ =	strace $0x90000046  }
0xb4: {  	s29 =	simm.s32 $0x9;
	_ =	strace $0x80000048  }
0xb5: {  	_ =	swait.ge [sflag:s29], $0x1  }
0xb6: {  	[sflag:s29] =	ssyncadd.s32 $0xFFFFFFFF  }
0xb7: {  	_ =	strace $0x90000048  }
0xb8: {  	_ =	sfence  }
0xb9: {  	s30 =	sld [smem:$0x0];
	_ =	sdelay $0x2  }
0xba: {  	s31 =	sshll.u32 s1, $0xD;
	s1 =	sshrl.u32 s1, $0x2  }
0xbb: {  	s3 =	sand.u32 $0x4000, s31;
	s1 =	sadd.s32 s1, s30  }
0xbc: {  	s0 =	sor.u32 s3, s0;
	s1 =	sshll.u32 s1, $0x11  }
0xbd: {  	s0 =	sor.u32 s1, s0  }
0xbe: {  	s0 =	sadd.s32 $0x8F2B, s0  }
0xbf: {  	[sflag:s0] =	ssyncadd.remote.s32 $0x1  }
0xc0: {  	_ =	sfence.sel $0xFFFF  }
0xc1: {  	[dreg:$0x0] =	wrdreg $0xFFFFFFFF;
	(pc) =	sbr.abs _section_cstart, $3  }
0xc2: {  	[dreg:$0x1] =	wrdreg $0xFFFFFFFF  }
0xc3: {  	_ =	task.clear_ibuf [dreg:s8], $0x2FFFF;
	_ =	strace $0x9FFFFFFF  }
0xc4: {  	(tm) =	ssettm $0x7FFFFFFF  }
0xc5: {  	_ =	shalt  }
tec
execute0_lowered:
.L_overlay_start_1:
0x0: {  	(tag) =	ssettag $0x1  }
0x1: {  	s0 =	rddreg [dreg:$0x0]  }
0x2: {  	s1 =	rddreg [dreg:$0x1];
	s4 =	srdreg.scid  }
0x3: {  	s3 =	simm.s32 $0x0;
	s2 =	stileid.u32;
	s11 =	simm.s32 $0x2  }
0x4: {  	s12 =	simm.s32 $0x3;
	s13 =	simm.s32 $0x4;
	s14 =	simm.s32 $0x5  }
0x5: {  	s15 =	simm.s32 $0x6;
	s16 =	simm.s32 $0x7;
	s4 =	sand.u32 $0x1, s4  }
0x6: {  	[smem:$0x7FF] =	sst s3;
	s5 =	sshll.u32 s2, $0xA;
	s6 =	sshll.u32 s4, $0x9  }
0x7: {  	_ =	strace $0x80000047;
	s29 =	ssub.s32 $0x2, s4;
	s5 =	sor.u32 s6, s5  }
0x8: {  	s8 =	sshrl.u32 s29, $0x1;
	s7 =	sshll.u32 s5, $0x4;
	s5 =	sshrl.u32 s5, $0x3  }
0x9: {  	s4 =	sadd.s32 $0x400, s0;
	s30 =	ssub.s32 s29, s8;
	s1 =	sadd.s32 s1, s5  }
0xa: {  	s0 =	sadd.s32 s7, s0;
	s31 =	smax.u32 s30, $0x1;
	[dreg:$0x4] =	wrdreg s1  }
0xb: {  	s17 =	simm.s32 $0x8;
	s0 =	sadd.s32 $0xF42800, s0;
	[dreg:$0x6] =	wrdreg s31  }
0xc: {  	s19 =	simm.s32 $0x0;
	s2 =	simm.s32 $0x9;
	[dreg:$0x5] =	wrdreg s0  }
.LBB2_1:
0xd: {  	s0 =	rddreg [dreg:$0x2];
	s1 =	simm.s32 $0x10200  }
0xe: {  	[tilespmem:s1], [sflag:$0x9] =	stream.linear.gather [hbm4b:s0+s3], $0x80, $0x38;
	[tilespmem:$0x10280] =	vst v63  }
0xf: {  	_ =	swait.ge [sflag:s2], $0x80  }
0x10: {  	[sflag:s2] =	ssyncset.done $0x0  }
0x11: {  	s31 =	rddreg [dreg:$0x4];
	[sflag:s2] =	ssyncadd.s32 $0xFFFFFF80  }
0x12: {  	[tilespmem:s3], [sflag:$0x9] =	stream.linear.gather [hbm4b:s31+s3], $0x200, $0x38;
	[tilespmem:$0x10280] =	vst v63  }
0x13: {  	_ =	swait.ge [sflag:s2], $0x200  }
0x14: {  	[sflag:s2] =	ssyncset.done $0x0  }
0x15: {  	[sflag:s2] =	ssyncadd.s32 $0xFFFFFE00  }
0x16: {  	v0 =	vld [tilespmem:s3+$0x0];
	_ =	sdelay $0x4  }
0x17: {  	v2 =	vshll.u32 v0, $0x4  }
0x18: {  	(v2sf) =	vpush v2, $0x0  }
0x19: {  	(v2sf) =	vpush v2, $0x1  }
0x1a: {  	(v2sf) =	vpush v2, $0x2;
	_ =	sdelay $0x1  }
0x1b: {  	v1 =	vld [tilespmem:$0x10200];
	(v2sf) =	vpush v2, $0x4  }
0x1c: {  	v0 =	vld [tilespmem:$0x10210]  }
0x1d: {  	(v2sf) =	vpush v2, $0x3  }
0x1e: {  	(v2sf) =	vpush v2, $0x5  }
0x1f: {  	s22 =	simm.s32 $0x2000;
	s21 =	simm.s32 $0x0;
	s23 =	simm.s32 $0x0;
	(v2sf) =	vpush v2, $0x6  }
.LBB2_2:
0x20: {  	p0 =	sne.s32 s22, $0xE000  }
0x21: {  	s2 =	sadd.s32 $0x280, s21;
	s28 =	sadd.s32 $0x780, s21;
	s24 =	smov.u32 s22  }
0x22: {  	s22 =	sadd.s32 $0x2000, s22;
	s31 =	sadd.s32 $0x580, s21;
	s25 =	sadd.s32 $0x800, s21;
	(v2sf) =	vpush v2, $0x7  }
0x23: {  	s1 =	sadd.s32 $0x480, s21;
	s29 =	sadd.s32 $0x600, s21;
	s26 =	sadd.s32 $0x880, s21  }
0x24: {  	s8 =	sadd.s32 $0x200, s21;
	s18 =	sadd.s32 $0x400, s21;
	(v2sf) =	vpush v2, $0x8  }
0x25: {  	s20 =	simm.s32 $0x0;
	s5 =	sadd.s32 $0x500, s21;
	s23 =	sadd.s32 $0x10, s23  }
0x26: {  	s6 =	sadd.s32 $0x300, s21;
	s30 =	sadd.s32 $0x700, s21;
	s0 =	spop (v2sf);
	(v2sf) =	vpush v2, $0x9  }
0x27: {  	s7 =	sand.u32 $0x1FFFFFF0, s0;
	s0 =	sadd.s32 $0x680, s21;
	s9 =	spop (v2sf)  }
0x28: {  	s7 =	sadd.s32 s4, s7;
	s9 =	sand.u32 $0x1FFFFFF0, s9;
	s10 =	spop (v2sf);
	(v2sf) =	vpush v2, $0xA  }
0x29: {  	[tilespmem:s8], [sflag:$0x1] =	stream.linear.gather [hbm4b:s7+s20], $0x80, $0x38;
	[tilespmem:$0x10280] =	vst v63  }
0x2a: {  	s7 =	sadd.s32 s4, s9;
	s8 =	sadd.s32 $0x380, s21;
	s9 =	spop (v2sf);
	(v2sf) =	vpush v2, $0xB  }
0x2b: {  	[tilespmem:s2], [sflag:$0x2] =	stream.linear.gather [hbm4b:s7+s20], $0x80, $0x38;
	[tilespmem:$0x10280] =	vst v63  }
0x2c: {  	s2 =	sand.u32 $0x1FFFFFF0, s10;
	s7 =	sand.u32 $0x1FFFFFF0, s9;
	s9 =	spop (v2sf);
	(v2sf) =	vpush v2, $0xC  }
0x2d: {  	s2 =	sadd.s32 s4, s2;
	s9 =	sand.u32 $0x1FFFFFF0, s9;
	s10 =	spop (v2sf)  }
0x2e: {  	[tilespmem:s6], [sflag:$0x3] =	stream.linear.gather [hbm4b:s2+s20], $0x80, $0x38;
	(v2sf) =	vpush v2, $0xD;
	[tilespmem:$0x10280] =	vst v63  }
0x2f: {  	s2 =	sadd.s32 s4, s9;
	s6 =	sand.u32 $0x1FFFFFF0, s10;
	s9 =	spop (v2sf)  }
0x30: {  	[tilespmem:s8], [sflag:$0x4] =	stream.linear.gather [hbm4b:s2+s20], $0x80, $0x38;
	(v2sf) =	vpush v2, $0xE;
	[tilespmem:$0x10280] =	vst v63  }
0x31: {  	s2 =	sadd.s32 s4, s7;
	s7 =	sand.u32 $0x1FFFFFF0, s9;
	s8 =	spop (v2sf)  }
0x32: {  	[tilespmem:s18], [sflag:$0x5] =	stream.linear.gather [hbm4b:s2+s20], $0x80, $0x38;
	(v2sf) =	vpush v2, $0xF;
	[tilespmem:$0x10280] =	vst v63  }
0x33: {  	s2 =	sadd.s32 s4, s6;
	s6 =	sand.u32 $0x1FFFFFF0, s8;
	s8 =	spop (v2sf)  }
0x34: {  	[tilespmem:s1], [sflag:$0x6] =	stream.linear.gather [hbm4b:s2+s20], $0x80, $0x38;
	[tilespmem:$0x10280] =	vst v63  }
0x35: {  	s1 =	sadd.s32 s4, s7;
	s2 =	sand.u32 $0x1FFFFFF0, s8;
	s7 =	spop (v2sf)  }
0x36: {  	[tilespmem:s5], [sflag:$0x7] =	stream.linear.gather [hbm4b:s1+s20], $0x80, $0x38;
	[tilespmem:$0x10280] =	vst v63  }
0x37: {  	s1 =	sadd.s32 s4, s6;
	s5 =	sand.u32 $0x1FFFFFF0, s7;
	s6 =	spop (v2sf)  }
0x38: {  	[tilespmem:s31], [sflag:$0x8] =	stream.linear.gather [hbm4b:s1+s20], $0x80, $0x38;
	[tilespmem:$0x10280] =	vst v63  }
0x39: {  	s1 =	sadd.s32 s4, s2;
	s2 =	sand.u32 $0x1FFFFFF0, s6;
	s6 =	spop (v2sf)  }
0x3a: {  	[tilespmem:s29], [sflag:$0x1] =	stream.linear.gather [hbm4b:s1+s20], $0x80, $0x38;
	[tilespmem:$0x10280] =	vst v63  }
0x3b: {  	s1 =	sadd.s32 s4, s5;
	s5 =	sand.u32 $0x1FFFFFF0, s6;
	s6 =	spop (v2sf)  }
0x3c: {  	[tilespmem:s0], [sflag:$0x2] =	stream.linear.gather [hbm4b:s1+s20], $0x80, $0x38;
	[tilespmem:$0x10280] =	vst v63  }
0x3d: {  	s0 =	sadd.s32 s4, s2;
	s1 =	sand.u32 $0x1FFFFFF0, s6;
	s2 =	spop (v2sf)  }
0x3e: {  	[tilespmem:s30], [sflag:$0x3] =	stream.linear.gather [hbm4b:s0+s20], $0x80, $0x38;
	[tilespmem:$0x10280] =	vst v63  }
0x3f: {  	s0 =	sadd.s32 s4, s5;
	s2 =	sand.u32 $0x1FFFFFF0, s2;
	s5 =	spop (v2sf)  }
0x40: {  	[tilespmem:s28], [sflag:$0x4] =	stream.linear.gather [hbm4b:s0+s20], $0x80, $0x38;
	[tilespmem:$0x10280] =	vst v63  }
0x41: {  	s0 =	sadd.s32 s4, s1;
	s1 =	sand.u32 $0x1FFFFFF0, s5;
	s5 =	spop (v2sf)  }
0x42: {  	[tilespmem:s25], [sflag:$0x5] =	stream.linear.gather [hbm4b:s0+s20], $0x80, $0x38;
	[tilespmem:$0x10280] =	vst v63  }
0x43: {  	s0 =	sadd.s32 s4, s2;
	s2 =	sand.u32 $0x1FFFFFF0, s5  }
0x44: {  	[tilespmem:s26], [sflag:$0x6] =	stream.linear.gather [hbm4b:s0+s20], $0x80, $0x38;
	[tilespmem:$0x10280] =	vst v63  }
0x45: {  	s1 =	sadd.s32 s4, s1;
	s0 =	sadd.s32 $0x900, s21  }
0x46: {  	[tilespmem:s0], [sflag:$0x7] =	stream.linear.gather [hbm4b:s1+s20], $0x80, $0x38;
	[tilespmem:$0x10280] =	vst v63  }
0x47: {  	s0 =	sadd.s32 $0x980, s21;
	s1 =	sadd.s32 s4, s2  }
0x48: {  	[tilespmem:s0], [sflag:$0x8] =	stream.linear.gather [hbm4b:s1+s20], $0x80, $0x38;
	[tilespmem:$0x10280] =	vst v63  }
0x49: {  	v2 =	vld [tilespmem:s23+$0x0];
	_ =	sdelay $0x4  }
0x4a: {  	v2 =	vshll.u32 v2, $0x4  }
0x4b: {  	(v2sf) =	vpush v2, $0x0  }
0x4c: {  	(v2sf) =	vpush v2, $0x1  }
0x4d: {  	(v2sf) =	vpush v2, $0x2;
	_ =	sdelay $0x1  }
0x4e: {  	(v2sf) =	vpush v2, $0x4  }
.Ltmp0:
0x4f: {  	(pc) =	sbr.rel @p0 .LBB2_2-.Ltmp0, $3  }
0x50: {  	(v2sf) =	vpush v2, $0x3  }
0x51: {  	(v2sf) =	vpush v2, $0x5;
	_ =	sdelay $0x1  }
0x52: {  	s21 =	sshra.s32 s24, $0x2;
	(v2sf) =	vpush v2, $0x6  }
0x53: {  	_ =	sdelay $0x1  }
0x54: {  	s0 =	sadd.s32 $0x280, s21;
	s24 =	sadd.s32 $0x780, s21  }
0x55: {  	s1 =	sadd.s32 $0x580, s21;
	s22 =	sadd.s32 $0x800, s21;
	(v2sf) =	vpush v2, $0x7;
	s2 =	sadd.s32 $0x480, s21  }
0x56: {  	s5 =	sadd.s32 $0x600, s21;
	s23 =	sadd.s32 $0x880, s21;
	s6 =	sadd.s32 $0x200, s21  }
0x57: {  	s7 =	sadd.s32 $0x400, s21;
	s8 =	sadd.s32 $0x500, s21;
	(v2sf) =	vpush v2, $0x8;
	s9 =	spop (v2sf)  }
0x58: {  	s10 =	sadd.s32 $0x300, s21;
	s9 =	sand.u32 $0x1FFFFFF0, s9;
	s18 =	spop (v2sf)  }
0x59: {  	(v2sf) =	vpush v2, $0x9;
	s9 =	sadd.s32 s4, s9;
	s18 =	sand.u32 $0x1FFFFFF0, s18;
	s25 =	spop (v2sf)  }
0x5a: {  	[tilespmem:s6], [sflag:$0x1] =	stream.linear.gather [hbm4b:s9+s20], $0x80, $0x38;
	[tilespmem:$0x10280] =	vst v63  }
0x5b: {  	(v2sf) =	vpush v2, $0xA;
	s26 =	sadd.s32 s4, s18;
	s29 =	sand.u32 $0x1FFFFFF0, s25;
	s28 =	spop (v2sf)  }
0x5c: {  	[tilespmem:s0], [sflag:$0x2] =	stream.linear.gather [hbm4b:s26+s20], $0x80, $0x38;
	[tilespmem:$0x10280] =	vst v63  }
0x5d: {  	s6 =	sadd.s32 $0x700, s21;
	(v2sf) =	vpush v2, $0xB;
	s9 =	sadd.s32 s4, s29;
	s30 =	spop (v2sf)  }
0x5e: {  	s0 =	sadd.s32 $0x680, s21;
	s26 =	sadd.s32 $0x380, s21;
	s25 =	sand.u32 $0x1FFFFFF0, s30  }
0x5f: {  	(v2sf) =	vpush v2, $0xC;
	[tilespmem:s10], [sflag:$0x3] =	stream.linear.gather [hbm4b:s9+s20], $0x80, $0x38;
	[tilespmem:$0x10280] =	vst v63  }
0x60: {  	s31 =	sand.u32 $0x1FFFFFF0, s28;
	s28 =	spop (v2sf);
	s29 =	sadd.s32 s4, s25  }
0x61: {  	(v2sf) =	vpush v2, $0xD;
	[tilespmem:s26], [sflag:$0x4] =	stream.linear.gather [hbm4b:s29+s20], $0x80, $0x38;
	[tilespmem:$0x10280] =	vst v63  }
0x62: {  	s9 =	sadd.s32 s4, s31;
	s10 =	sand.u32 $0x1FFFFFF0, s28;
	s30 =	spop (v2sf)  }
0x63: {  	(v2sf) =	vpush v2, $0xE;
	[tilespmem:s7], [sflag:$0x5] =	stream.linear.gather [hbm4b:s9+s20], $0x80, $0x38;
	[tilespmem:$0x10280] =	vst v63  }
0x64: {  	s10 =	sadd.s32 s4, s10;
	s31 =	sand.u32 $0x1FFFFFF0, s30;
	s18 =	spop (v2sf)  }
0x65: {  	(v2sf) =	vpush v2, $0xF;
	[tilespmem:s2], [sflag:$0x6] =	stream.linear.gather [hbm4b:s10+s20], $0x80, $0x38;
	[tilespmem:$0x10280] =	vst v63  }
0x66: {  	s25 =	sand.u32 $0x1FFFFFF0, s18;
	s26 =	spop (v2sf);
	s7 =	sadd.s32 s4, s31  }
0x67: {  	[tilespmem:s8], [sflag:$0x7] =	stream.linear.gather [hbm4b:s7+s20], $0x80, $0x38;
	[tilespmem:$0x10280] =	vst v63  }
0x68: {  	s28 =	sand.u32 $0x1FFFFFF0, s26;
	s2 =	sadd.s32 s4, s25;
	s29 =	spop (v2sf)  }
0x69: {  	[tilespmem:s1], [sflag:$0x8] =	stream.linear.gather [hbm4b:s2+s20], $0x80, $0x38;
	[tilespmem:$0x10280] =	vst v63  }
0x6a: {  	s7 =	sadd.s32 s4, s28;
	s30 =	sand.u32 $0x1FFFFFF0, s29;
	s31 =	spop (v2sf)  }
0x6b: {  	[tilespmem:s5], [sflag:$0x1] =	stream.linear.gather [hbm4b:s7+s20], $0x80, $0x38;
	[tilespmem:$0x10280] =	vst v63  }
0x6c: {  	s2 =	sand.u32 $0x1FFFFFF0, s31;
	s1 =	sadd.s32 s4, s30;
	s8 =	spop (v2sf)  }
0x6d: {  	[tilespmem:s0], [sflag:$0x2] =	stream.linear.gather [hbm4b:s1+s20], $0x80, $0x38;
	[tilespmem:$0x10280] =	vst v63  }
0x6e: {  	s2 =	sadd.s32 s4, s2;
	s9 =	sand.u32 $0x1FFFFFF0, s8;
	s10 =	spop (v2sf)  }
0x6f: {  	[tilespmem:s6], [sflag:$0x3] =	stream.linear.gather [hbm4b:s2+s20], $0x80, $0x38;
	[tilespmem:$0x10280] =	vst v63  }
0x70: {  	s0 =	sadd.s32 s4, s9;
	s1 =	sand.u32 $0x1FFFFFF0, s10;
	s18 =	spop (v2sf)  }
0x71: {  	[tilespmem:s24], [sflag:$0x4] =	stream.linear.gather [hbm4b:s0+s20], $0x80, $0x38;
	[tilespmem:$0x10280] =	vst v63  }
0x72: {  	s1 =	sadd.s32 s4, s1;
	s25 =	spop (v2sf);
	s24 =	sand.u32 $0x1FFFFFF0, s18  }
0x73: {  	[tilespmem:s22], [sflag:$0x5] =	stream.linear.gather [hbm4b:s1+s20], $0x80, $0x38;
	[tilespmem:$0x10280] =	vst v63  }
0x74: {  	s26 =	sand.u32 $0x1FFFFFF0, s25;
	s28 =	spop (v2sf);
	s0 =	sadd.s32 s4, s24  }
0x75: {  	[tilespmem:s23], [sflag:$0x6] =	stream.linear.gather [hbm4b:s0+s20], $0x80, $0x38;
	[tilespmem:$0x10280] =	vst v63  }
0x76: {  	s30 =	sadd.s32 $0x900, s21;
	s29 =	sand.u32 $0x1FFFFFF0, s28;
	s1 =	sadd.s32 s4, s26  }
0x77: {  	[tilespmem:s30], [sflag:$0x7] =	stream.linear.gather [hbm4b:s1+s20], $0x80, $0x38;
	[tilespmem:$0x10280] =	vst v63  }
0x78: {  	s31 =	sadd.s32 $0x980, s21;
	s21 =	simm.s32 $0x80;
	s0 =	sadd.s32 s4, s29  }
0x79: {  	[tilespmem:s31], [sflag:$0x8] =	stream.linear.gather [hbm4b:s0+s20], $0x80, $0x38;
	[tilespmem:$0x10280] =	vst v63  }
0x7a: {  	v2 =	vld [tilespmem:s21+$0x0];
	_ =	sdelay $0x4  }
0x7b: {  	v2 =	vshll.u32 v2, $0x4  }
0x7c: {  	(v2sf) =	vpush v2, $0x0  }
0x7d: {  	(v2sf) =	vpush v2, $0x1  }
0x7e: {  	(v2sf) =	vpush v2, $0x2;
	_ =	sdelay $0x1  }
0x7f: {  	(v2sf) =	vpush v2, $0x4;
	_ =	sdelay $0x1  }
0x80: {  	(v2sf) =	vpush v2, $0x3  }
0x81: {  	(v2sf) =	vpush v2, $0x5  }
0x82: {  	s22 =	simm.s32 $0x2000;
	s20 =	simm.s32 $0x0;
	(v2sf) =	vpush v2, $0x6  }
.LBB2_4:
0x83: {  	p0 =	sne.s32 s22, $0xE000  }
0x84: {  	s2 =	sadd.s32 $0x4280, s20;
	s26 =	sadd.s32 $0x4780, s20;
	s23 =	smov.u32 s22  }
0x85: {  	s22 =	sadd.s32 $0x2000, s22;
	s30 =	sadd.s32 $0x4580, s20;
	s24 =	sadd.s32 $0x4800, s20;
	(v2sf) =	vpush v2, $0x7  }
0x86: {  	s1 =	sadd.s32 $0x4480, s20;
	s29 =	sadd.s32 $0x4600, s20;
	s25 =	sadd.s32 $0x4880, s20  }
0x87: {  	s5 =	sadd.s32 $0x4200, s20;
	s6 =	sadd.s32 $0x4400, s20;
	(v2sf) =	vpush v2, $0x8  }
0x88: {  	s7 =	sadd.s32 $0x4500, s20;
	s21 =	sadd.s32 $0x10, s21  }
0x89: {  	s8 =	sadd.s32 $0x4300, s20;
	s28 =	sadd.s32 $0x4700, s20;
	s0 =	spop (v2sf);
	(v2sf) =	vpush v2, $0x9  }
0x8a: {  	s9 =	sand.u32 $0x1FFFFFF0, s0;
	s0 =	sadd.s32 $0x4680, s20;
	s10 =	spop (v2sf)  }
0x8b: {  	s9 =	sadd.s32 s4, s9;
	s10 =	sand.u32 $0x1FFFFFF0, s10;
	s18 =	spop (v2sf);
	(v2sf) =	vpush v2, $0xA  }
0x8c: {  	[tilespmem:s5], [sflag:$0x1] =	stream.linear.gather [hbm4b:s9+s3], $0x80, $0x38;
	[tilespmem:$0x10280] =	vst v63  }
0x8d: {  	s5 =	sadd.s32 s4, s10;
	s9 =	sadd.s32 $0x4380, s20;
	s10 =	spop (v2sf);
	(v2sf) =	vpush v2, $0xB  }
0x8e: {  	[tilespmem:s2], [sflag:$0x2] =	stream.linear.gather [hbm4b:s5+s3], $0x80, $0x38;
	[tilespmem:$0x10280] =	vst v63  }
0x8f: {  	s2 =	sand.u32 $0x1FFFFFF0, s18;
	s5 =	sand.u32 $0x1FFFFFF0, s10;
	s10 =	spop (v2sf);
	(v2sf) =	vpush v2, $0xC  }
0x90: {  	s2 =	sadd.s32 s4, s2;
	s10 =	sand.u32 $0x1FFFFFF0, s10;
	s18 =	spop (v2sf)  }
0x91: {  	[tilespmem:s8], [sflag:$0x3] =	stream.linear.gather [hbm4b:s2+s3], $0x80, $0x38;
	(v2sf) =	vpush v2, $0xD;
	[tilespmem:$0x10280] =	vst v63  }
0x92: {  	s2 =	sadd.s32 s4, s10;
	s8 =	sand.u32 $0x1FFFFFF0, s18;
	s10 =	spop (v2sf)  }
0x93: {  	[tilespmem:s9], [sflag:$0x4] =	stream.linear.gather [hbm4b:s2+s3], $0x80, $0x38;
	(v2sf) =	vpush v2, $0xE;
	[tilespmem:$0x10280] =	vst v63  }
0x94: {  	s2 =	sadd.s32 s4, s5;
	s5 =	sand.u32 $0x1FFFFFF0, s10;
	s9 =	spop (v2sf)  }
0x95: {  	[tilespmem:s6], [sflag:$0x5] =	stream.linear.gather [hbm4b:s2+s3], $0x80, $0x38;
	(v2sf) =	vpush v2, $0xF;
	[tilespmem:$0x10280] =	vst v63  }
0x96: {  	s2 =	sadd.s32 s4, s8;
	s6 =	sand.u32 $0x1FFFFFF0, s9;
	s8 =	spop (v2sf)  }
0x97: {  	[tilespmem:s1], [sflag:$0x6] =	stream.linear.gather [hbm4b:s2+s3], $0x80, $0x38;
	[tilespmem:$0x10280] =	vst v63  }
0x98: {  	s1 =	sadd.s32 s4, s5;
	s2 =	sand.u32 $0x1FFFFFF0, s8;
	s5 =	spop (v2sf)  }
0x99: {  	[tilespmem:s7], [sflag:$0x7] =	stream.linear.gather [hbm4b:s1+s3], $0x80, $0x38;
	[tilespmem:$0x10280] =	vst v63  }
0x9a: {  	s1 =	sadd.s32 s4, s6;
	s5 =	sand.u32 $0x1FFFFFF0, s5;
	s6 =	spop (v2sf)  }
0x9b: {  	[tilespmem:s30], [sflag:$0x8] =	stream.linear.gather [hbm4b:s1+s3], $0x80, $0x38;
	[tilespmem:$0x10280] =	vst v63  }
0x9c: {  	s1 =	sadd.s32 s4, s2;
	s2 =	sand.u32 $0x1FFFFFF0, s6;
	s6 =	spop (v2sf)  }
0x9d: {  	[tilespmem:s29], [sflag:$0x1] =	stream.linear.gather [hbm4b:s1+s3], $0x80, $0x38;
	[tilespmem:$0x10280] =	vst v63  }
0x9e: {  	s1 =	sadd.s32 s4, s5;
	s5 =	sand.u32 $0x1FFFFFF0, s6;
	s6 =	spop (v2sf)  }
0x9f: {  	[tilespmem:s0], [sflag:$0x2] =	stream.linear.gather [hbm4b:s1+s3], $0x80, $0x38;
	[tilespmem:$0x10280] =	vst v63  }
0xa0: {  	s0 =	sadd.s32 s4, s2;
	s1 =	sand.u32 $0x1FFFFFF0, s6;
	s2 =	spop (v2sf)  }
0xa1: {  	[tilespmem:s28], [sflag:$0x3] =	stream.linear.gather [hbm4b:s0+s3], $0x80, $0x38;
	[tilespmem:$0x10280] =	vst v63  }
0xa2: {  	s0 =	sadd.s32 s4, s5;
	s2 =	sand.u32 $0x1FFFFFF0, s2;
	s5 =	spop (v2sf)  }
0xa3: {  	[tilespmem:s26], [sflag:$0x4] =	stream.linear.gather [hbm4b:s0+s3], $0x80, $0x38;
	[tilespmem:$0x10280] =	vst v63  }
0xa4: {  	s0 =	sadd.s32 s4, s1;
	s1 =	sand.u32 $0x1FFFFFF0, s5;
	s5 =	spop (v2sf)  }
0xa5: {  	[tilespmem:s24], [sflag:$0x5] =	stream.linear.gather [hbm4b:s0+s3], $0x80, $0x38;
	[tilespmem:$0x10280] =	vst v63  }
0xa6: {  	s0 =	sadd.s32 s4, s2;
	s2 =	sand.u32 $0x1FFFFFF0, s5  }
0xa7: {  	[tilespmem:s25], [sflag:$0x6] =	stream.linear.gather [hbm4b:s0+s3], $0x80, $0x38;
	[tilespmem:$0x10280] =	vst v63  }
0xa8: {  	s1 =	sadd.s32 s4, s1;
	s0 =	sadd.s32 $0x4900, s20  }
0xa9: {  	[tilespmem:s0], [sflag:$0x7] =	stream.linear.gather [hbm4b:s1+s3], $0x80, $0x38;
	[tilespmem:$0x10280] =	vst v63  }
0xaa: {  	s0 =	sadd.s32 $0x4980, s20;
	s1 =	sadd.s32 s4, s2  }
0xab: {  	[tilespmem:s0], [sflag:$0x8] =	stream.linear.gather [hbm4b:s1+s3], $0x80, $0x38;
	[tilespmem:$0x10280] =	vst v63  }
0xac: {  	v2 =	vld [tilespmem:s21+$0x0];
	_ =	sdelay $0x4  }
0xad: {  	v2 =	vshll.u32 v2, $0x4  }
0xae: {  	(v2sf) =	vpush v2, $0x0  }
0xaf: {  	(v2sf) =	vpush v2, $0x1  }
0xb0: {  	(v2sf) =	vpush v2, $0x2;
	_ =	sdelay $0x1  }
0xb1: {  	(v2sf) =	vpush v2, $0x4  }
.Ltmp1:
0xb2: {  	(pc) =	sbr.rel @p0 .LBB2_4-.Ltmp1, $3  }
0xb3: {  	(v2sf) =	vpush v2, $0x3  }
0xb4: {  	(v2sf) =	vpush v2, $0x5;
	_ =	sdelay $0x1  }
0xb5: {  	s20 =	sshra.s32 s23, $0x2;
	(v2sf) =	vpush v2, $0x6  }
0xb6: {  	_ =	sdelay $0x5  }
0xb7: {  	s0 =	spop (v2sf)  }
0xb8: {  	s1 =	spop (v2sf)  }
0xb9: {  	s9 =	spop (v2sf)  }
0xba: {  	s21 =	spop (v2sf);
	(v2sf) =	vpush v2, $0x7  }
0xbb: {  	s0 =	sand.u32 $0x1FFFFFF0, s0  }
0xbc: {  	s2 =	sadd.s32 $0x4200, s20;
	s0 =	sadd.s32 s4, s0  }
0xbd: {  	[tilespmem:s2], [sflag:$0x1] =	stream.linear.gather [hbm4b:s0+s3], $0x80, $0x38;
	[tilespmem:$0x10280] =	vst v63  }
0xbe: {  	s1 =	sand.u32 $0x1FFFFFF0, s1;
	s22 =	spop (v2sf);
	(v2sf) =	vpush v2, $0x8  }
0xbf: {  	s8 =	sadd.s32 $0x4280, s20;
	s1 =	sadd.s32 s4, s1  }
0xc0: {  	[tilespmem:s8], [sflag:$0x2] =	stream.linear.gather [hbm4b:s1+s3], $0x80, $0x38;
	[tilespmem:$0x10280] =	vst v63  }
0xc1: {  	s10 =	sand.u32 $0x1FFFFFF0, s9;
	s26 =	spop (v2sf);
	(v2sf) =	vpush v2, $0x9  }
0xc2: {  	s18 =	sadd.s32 $0x4300, s20;
	s0 =	sadd.s32 s4, s10  }
0xc3: {  	[tilespmem:s18], [sflag:$0x3] =	stream.linear.gather [hbm4b:s0+s3], $0x80, $0x38;
	[tilespmem:$0x10280] =	vst v63  }
0xc4: {  	s0 =	sand.u32 $0x1FFFFFF0, s22;
	s29 =	spop (v2sf);
	(v2sf) =	vpush v2, $0xA  }
0xc5: {  	s23 =	sadd.s32 $0x4380, s20;
	s24 =	sand.u32 $0x1FFFFFF0, s21;
	s0 =	sadd.s32 s4, s0  }
0xc6: {  	[tilespmem:s23], [sflag:$0x4] =	stream.linear.gather [hbm4b:s0+s3], $0x80, $0x38;
	[tilespmem:$0x10280] =	vst v63  }
0xc7: {  	s25 =	sadd.s32 $0x4400, s20;
	s0 =	sadd.s32 s4, s24  }
0xc8: {  	[tilespmem:s25], [sflag:$0x5] =	stream.linear.gather [hbm4b:s0+s3], $0x80, $0x38;
	[tilespmem:$0x10280] =	vst v63  }
0xc9: {  	s0 =	sand.u32 $0x1FFFFFF0, s26;
	s1 =	spop (v2sf);
	(v2sf) =	vpush v2, $0xB  }
0xca: {  	s28 =	sadd.s32 $0x4480, s20;
	s0 =	sadd.s32 s4, s0  }
0xcb: {  	[tilespmem:s28], [sflag:$0x6] =	stream.linear.gather [hbm4b:s0+s3], $0x80, $0x38;
	[tilespmem:$0x10280] =	vst v63  }
0xcc: {  	s0 =	sand.u32 $0x1FFFFFF0, s29  }
0xcd: {  	s30 =	sadd.s32 $0x4500, s20;
	s0 =	sadd.s32 s4, s0;
	s5 =	spop (v2sf);
	(v2sf) =	vpush v2, $0xC  }
0xce: {  	[tilespmem:s30], [sflag:$0x7] =	stream.linear.gather [hbm4b:s0+s3], $0x80, $0x38;
	[tilespmem:$0x10280] =	vst v63  }
0xcf: {  	s0 =	sand.u32 $0x1FFFFFF0, s1  }
0xd0: {  	s2 =	sadd.s32 $0x4580, s20;
	s0 =	sadd.s32 s4, s0;
	s7 =	spop (v2sf);
	(v2sf) =	vpush v2, $0xD  }
0xd1: {  	[tilespmem:s2], [sflag:$0x8] =	stream.linear.gather [hbm4b:s0+s3], $0x80, $0x38;
	[tilespmem:$0x10280] =	vst v63  }
0xd2: {  	s0 =	sand.u32 $0x1FFFFFF0, s5  }
0xd3: {  	s6 =	sadd.s32 $0x4600, s20;
	s0 =	sadd.s32 s4, s0;
	s9 =	spop (v2sf);
	(v2sf) =	vpush v2, $0xE  }
0xd4: {  	[tilespmem:s6], [sflag:$0x1] =	stream.linear.gather [hbm4b:s0+s3], $0x80, $0x38;
	[tilespmem:$0x10280] =	vst v63  }
0xd5: {  	s0 =	sand.u32 $0x1FFFFFF0, s7  }
0xd6: {  	s8 =	sadd.s32 $0x4680, s20;
	s0 =	sadd.s32 s4, s0  }
0xd7: {  	[tilespmem:s8], [sflag:$0x2] =	stream.linear.gather [hbm4b:s0+s3], $0x80, $0x38;
	[tilespmem:$0x10280] =	vst v63  }
0xd8: {  	s0 =	sand.u32 $0x1FFFFFF0, s9;
	s18 =	spop (v2sf);
	(v2sf) =	vpush v2, $0xF  }
0xd9: {  	s10 =	sadd.s32 $0x4700, s20;
	s0 =	sadd.s32 s4, s0  }
0xda: {  	[tilespmem:s10], [sflag:$0x3] =	stream.linear.gather [hbm4b:s0+s3], $0x80, $0x38;
	[tilespmem:$0x10280] =	vst v63  }
0xdb: {  	s0 =	sand.u32 $0x1FFFFFF0, s18  }
0xdc: {  	s21 =	sadd.s32 $0x4780, s20;
	s0 =	sadd.s32 s4, s0;
	s22 =	spop (v2sf)  }
0xdd: {  	[tilespmem:s21], [sflag:$0x4] =	stream.linear.gather [hbm4b:s0+s3], $0x80, $0x38;
	[tilespmem:$0x10280] =	vst v63  }
0xde: {  	s0 =	sand.u32 $0x1FFFFFF0, s22  }
0xdf: {  	s23 =	sadd.s32 $0x4800, s20;
	s24 =	spop (v2sf);
	s0 =	sadd.s32 s4, s0  }
0xe0: {  	[tilespmem:s23], [sflag:$0x5] =	stream.linear.gather [hbm4b:s0+s3], $0x80, $0x38;
	[tilespmem:$0x10280] =	vst v63  }
0xe1: {  	s0 =	sand.u32 $0x1FFFFFF0, s24  }
0xe2: {  	s25 =	sadd.s32 $0x4880, s20;
	s26 =	spop (v2sf);
	s0 =	sadd.s32 s4, s0  }
0xe3: {  	[tilespmem:s25], [sflag:$0x6] =	stream.linear.gather [hbm4b:s0+s3], $0x80, $0x38;
	[tilespmem:$0x10280] =	vst v63  }
0xe4: {  	s0 =	sand.u32 $0x1FFFFFF0, s26  }
0xe5: {  	s28 =	sadd.s32 $0x4900, s20;
	s0 =	sadd.s32 s4, s0  }
0xe6: {  	[tilespmem:s28], [sflag:$0x7] =	stream.linear.gather [hbm4b:s0+s3], $0x80, $0x38;
	[tilespmem:$0x10280] =	vst v63  }
0xe7: {  	s29 =	spop (v2sf)  }
0xe8: {  	s0 =	sand.u32 $0x1FFFFFF0, s29  }
0xe9: {  	s31 =	simm.s32 $0x1;
	s30 =	sadd.s32 $0x4980, s20;
	s0 =	sadd.s32 s4, s0  }
0xea: {  	[tilespmem:s30], [sflag:$0x8] =	stream.linear.gather [hbm4b:s0+s3], $0x80, $0x38;
	[tilespmem:$0x10280] =	vst v63  }
0xeb: {  	_ =	swait.ge [sflag:s31], $0x800  }
0xec: {  	[sflag:s31] =	ssyncset.done $0x0  }
0xed: {  	[sflag:s31] =	ssyncadd.s32 $0xFFFFF800  }
0xee: {  	_ =	swait.ge [sflag:s11], $0x800  }
0xef: {  	[sflag:s11] =	ssyncset.done $0x0  }
0xf0: {  	[sflag:s11] =	ssyncadd.s32 $0xFFFFF800  }
0xf1: {  	_ =	swait.ge [sflag:s12], $0x800  }
0xf2: {  	[sflag:s12] =	ssyncset.done $0x0  }
0xf3: {  	[sflag:s12] =	ssyncadd.s32 $0xFFFFF800  }
0xf4: {  	_ =	swait.ge [sflag:s13], $0x800  }
0xf5: {  	[sflag:s13] =	ssyncset.done $0x0  }
0xf6: {  	[sflag:s13] =	ssyncadd.s32 $0xFFFFF800  }
0xf7: {  	_ =	swait.ge [sflag:s14], $0x800  }
0xf8: {  	[sflag:s14] =	ssyncset.done $0x0  }
0xf9: {  	[sflag:s14] =	ssyncadd.s32 $0xFFFFF800  }
0xfa: {  	_ =	swait.ge [sflag:s15], $0x800  }
0xfb: {  	[sflag:s15] =	ssyncset.done $0x0  }
0xfc: {  	[sflag:s15] =	ssyncadd.s32 $0xFFFFF800  }
0xfd: {  	_ =	swait.ge [sflag:s16], $0x800  }
0xfe: {  	[sflag:s16] =	ssyncset.done $0x0  }
0xff: {  	[sflag:s16] =	ssyncadd.s32 $0xFFFFF800  }
0x100: {  	_ =	swait.ge [sflag:s17], $0x800  }
0x101: {  	[sflag:s17] =	ssyncset.done $0x0  }
0x102: {  	s0 =	simm.s32 $0x300;
	[sflag:s17] =	ssyncadd.s32 $0xFFFFF800  }
0x103: {  	v3 =	vld [tilespmem:s0+$0xFFFFFF80]  }
0x104: {  	v6 =	vld [tilespmem:s0+$0xFFFFFF00]  }
0x105: {  	v8 =	vld [tilespmem:s0+$0x90]  }
0x106: {  	v4 =	vld [tilespmem:s0+$0x80]  }
0x107: {  	v2 =	vld [tilespmem:s0+$0x10]  }
0x108: {  	v5 =	vld [tilespmem:s0+$0x0];
	v9 =	vadd.f32 v3, v1  }
0x109: {  	v3 =	vld [tilespmem:s0+$0xFFFFFF90];
	v7 =	vadd.f32 v6, v1  }
0x10a: {  	s20 =	simm.s32 $0x500;
	s1 =	simm.s32 $0x0;
	v6 =	vld [tilespmem:s0+$0xFFFFFF10];
	v8 =	vadd.f32 v8, v0;
	[tilespmem:s0+$0xFFFFFF80] =	vst v9  }
.LBB2_6:
0x10b: {  	v9 =	vld [tilespmem:s20+$0xFFFFFF80];
	s1 =	sadd.s32 $0x4, s1;
	[tilespmem:s0+$0xFFFFFF00] =	vst v7;
	v4 =	vadd.f32 v4, v1;
	s21 =	simm.s32 $0x100  }
0x10c: {  	v7 =	vld [tilespmem:s20+$0xFFFFFF00];
	p0 =	slt.u32 s1, $0x7C;
	v2 =	vadd.f32 v2, v0;
	[tilespmem:s0+$0x90] =	vst v8  }
0x10d: {  	v8 =	vld [tilespmem:s20+$0x90];
	v5 =	vadd.f32 v5, v1;
	[tilespmem:s0+$0x80] =	vst v4  }
.Ltmp2:
0x10e: {  	v4 =	vld [tilespmem:s20+$0x80];
	v3 =	vadd.f32 v3, v0;
	[tilespmem:s0+$0x10] =	vst v2;
	(pc) =	sbr.rel @p0 .LBB2_6-.Ltmp2, $4  }
0x10f: {  	v2 =	vld [tilespmem:s20+$0x10];
	v6 =	vadd.f32 v6, v0;
	[tilespmem:s0+$0x0] =	vst v5  }
0x110: {  	v9 =	vadd.f32 v9, v1;
	v5 =	vld [tilespmem:s20+$0x0];
	[tilespmem:s0+$0xFFFFFF90] =	vst v3  }
0x111: {  	v7 =	vadd.f32 v7, v1;
	v3 =	vld [tilespmem:s20+$0xFFFFFF90];
	[tilespmem:s0+$0xFFFFFF10] =	vst v6;
	s0 =	smov.u32 s20  }
0x112: {  	s20 =	sadd.s32 $0x200, s20;
	v6 =	vld [tilespmem:s0+$0xFFFFFF10];
	[tilespmem:s0+$0xFFFFFF80] =	vst v9;
	v8 =	vadd.f32 v8, v0  }
0x113: {  	[tilespmem:s0+$0xFFFFFF00] =	vst v7;
	v4 =	vadd.f32 v4, v1  }
0x114: {  	v2 =	vadd.f32 v2, v0;
	[tilespmem:s0+$0x90] =	vst v8  }
0x115: {  	v5 =	vadd.f32 v5, v1;
	[tilespmem:s0+$0x80] =	vst v4  }
0x116: {  	v3 =	vadd.f32 v3, v0;
	[tilespmem:s0+$0x10] =	vst v2  }
0x117: {  	v2 =	vadd.f32 v6, v0;
	[tilespmem:s0+$0x0] =	vst v5  }
0x118: {  	[tilespmem:s0+$0xFFFFFF90] =	vst v3  }
0x119: {  	[tilespmem:s0+$0xFFFFFF10] =	vst v2  }
0x11a: {  	v2 =	vld [tilespmem:s21+$0x0];
	_ =	sdelay $0x4  }
0x11b: {  	v2 =	vshll.u32 v2, $0x4  }
0x11c: {  	(v2sf) =	vpush v2, $0x0  }
0x11d: {  	(v2sf) =	vpush v2, $0x1  }
0x11e: {  	(v2sf) =	vpush v2, $0x2;
	_ =	sdelay $0x1  }
0x11f: {  	(v2sf) =	vpush v2, $0x4;
	_ =	sdelay $0x1  }
0x120: {  	(v2sf) =	vpush v2, $0x3  }
0x121: {  	(v2sf) =	vpush v2, $0x5  }
0x122: {  	s22 =	simm.s32 $0x2000;
	s20 =	simm.s32 $0x0;
	(v2sf) =	vpush v2, $0x6  }
.LBB2_8:
0x123: {  	p0 =	sne.s32 s22, $0xE000  }
0x124: {  	s2 =	sadd.s32 $0x8280, s20;
	s26 =	sadd.s32 $0x8780, s20;
	s23 =	smov.u32 s22  }
0x125: {  	s22 =	sadd.s32 $0x2000, s22;
	s30 =	sadd.s32 $0x8580, s20;
	s24 =	sadd.s32 $0x8800, s20;
	(v2sf) =	vpush v2, $0x7  }
0x126: {  	s1 =	sadd.s32 $0x8480, s20;
	s29 =	sadd.s32 $0x8600, s20;
	s25 =	sadd.s32 $0x8880, s20  }
0x127: {  	s5 =	sadd.s32 $0x8200, s20;
	s6 =	sadd.s32 $0x8400, s20;
	(v2sf) =	vpush v2, $0x8  }
0x128: {  	s7 =	sadd.s32 $0x8500, s20;
	s21 =	sadd.s32 $0x10, s21  }
0x129: {  	s8 =	sadd.s32 $0x8300, s20;
	s28 =	sadd.s32 $0x8700, s20;
	s0 =	spop (v2sf);
	(v2sf) =	vpush v2, $0x9  }
0x12a: {  	s9 =	sand.u32 $0x1FFFFFF0, s0;
	s0 =	sadd.s32 $0x8680, s20;
	s10 =	spop (v2sf)  }
0x12b: {  	s9 =	sadd.s32 s4, s9;
	s10 =	sand.u32 $0x1FFFFFF0, s10;
	s18 =	spop (v2sf);
	(v2sf) =	vpush v2, $0xA  }
0x12c: {  	[tilespmem:s5], [sflag:$0x1] =	stream.linear.gather [hbm4b:s9+s3], $0x80, $0x38;
	[tilespmem:$0x10280] =	vst v63  }
0x12d: {  	s5 =	sadd.s32 s4, s10;
	s9 =	sadd.s32 $0x8380, s20;
	s10 =	spop (v2sf);
	(v2sf) =	vpush v2, $0xB  }
0x12e: {  	[tilespmem:s2], [sflag:$0x2] =	stream.linear.gather [hbm4b:s5+s3], $0x80, $0x38;
	[tilespmem:$0x10280] =	vst v63  }
0x12f: {  	s2 =	sand.u32 $0x1FFFFFF0, s18;
	s5 =	sand.u32 $0x1FFFFFF0, s10;
	s10 =	spop (v2sf);
	(v2sf) =	vpush v2, $0xC  }
0x130: {  	s2 =	sadd.s32 s4, s2;
	s10 =	sand.u32 $0x1FFFFFF0, s10;
	s18 =	spop (v2sf)  }
0x131: {  	[tilespmem:s8], [sflag:$0x3] =	stream.linear.gather [hbm4b:s2+s3], $0x80, $0x38;
	(v2sf) =	vpush v2, $0xD;
	[tilespmem:$0x10280] =	vst v63  }
0x132: {  	s2 =	sadd.s32 s4, s10;
	s8 =	sand.u32 $0x1FFFFFF0, s18;
	s10 =	spop (v2sf)  }
0x133: {  	[tilespmem:s9], [sflag:$0x4] =	stream.linear.gather [hbm4b:s2+s3], $0x80, $0x38;
	(v2sf) =	vpush v2, $0xE;
	[tilespmem:$0x10280] =	vst v63  }
0x134: {  	s2 =	sadd.s32 s4, s5;
	s5 =	sand.u32 $0x1FFFFFF0, s10;
	s9 =	spop (v2sf)  }
0x135: {  	[tilespmem:s6], [sflag:$0x5] =	stream.linear.gather [hbm4b:s2+s3], $0x80, $0x38;
	(v2sf) =	vpush v2, $0xF;
	[tilespmem:$0x10280] =	vst v63  }
0x136: {  	s2 =	sadd.s32 s4, s8;
	s6 =	sand.u32 $0x1FFFFFF0, s9;
	s8 =	spop (v2sf)  }
0x137: {  	[tilespmem:s1], [sflag:$0x6] =	stream.linear.gather [hbm4b:s2+s3], $0x80, $0x38;
	[tilespmem:$0x10280] =	vst v63  }
0x138: {  	s1 =	sadd.s32 s4, s5;
	s2 =	sand.u32 $0x1FFFFFF0, s8;
	s5 =	spop (v2sf)  }
0x139: {  	[tilespmem:s7], [sflag:$0x7] =	stream.linear.gather [hbm4b:s1+s3], $0x80, $0x38;
	[tilespmem:$0x10280] =	vst v63  }
0x13a: {  	s1 =	sadd.s32 s4, s6;
	s5 =	sand.u32 $0x1FFFFFF0, s5;
	s6 =	spop (v2sf)  }
0x13b: {  	[tilespmem:s30], [sflag:$0x8] =	stream.linear.gather [hbm4b:s1+s3], $0x80, $0x38;
	[tilespmem:$0x10280] =	vst v63  }
0x13c: {  	s1 =	sadd.s32 s4, s2;
	s2 =	sand.u32 $0x1FFFFFF0, s6;
	s6 =	spop (v2sf)  }
0x13d: {  	[tilespmem:s29], [sflag:$0x1] =	stream.linear.gather [hbm4b:s1+s3], $0x80, $0x38;
	[tilespmem:$0x10280] =	vst v63  }
0x13e: {  	s1 =	sadd.s32 s4, s5;
	s5 =	sand.u32 $0x1FFFFFF0, s6;
	s6 =	spop (v2sf)  }
0x13f: {  	[tilespmem:s0], [sflag:$0x2] =	stream.linear.gather [hbm4b:s1+s3], $0x80, $0x38;
	[tilespmem:$0x10280] =	vst v63  }
0x140: {  	s0 =	sadd.s32 s4, s2;
	s1 =	sand.u32 $0x1FFFFFF0, s6;
	s2 =	spop (v2sf)  }
0x141: {  	[tilespmem:s28], [sflag:$0x3] =	stream.linear.gather [hbm4b:s0+s3], $0x80, $0x38;
	[tilespmem:$0x10280] =	vst v63  }
0x142: {  	s0 =	sadd.s32 s4, s5;
	s2 =	sand.u32 $0x1FFFFFF0, s2;
	s5 =	spop (v2sf)  }
0x143: {  	[tilespmem:s26], [sflag:$0x4] =	stream.linear.gather [hbm4b:s0+s3], $0x80, $0x38;
	[tilespmem:$0x10280] =	vst v63  }
0x144: {  	s0 =	sadd.s32 s4, s1;
	s1 =	sand.u32 $0x1FFFFFF0, s5;
	s5 =	spop (v2sf)  }
0x145: {  	[tilespmem:s24], [sflag:$0x5] =	stream.linear.gather [hbm4b:s0+s3], $0x80, $0x38;
	[tilespmem:$0x10280] =	vst v63  }
0x146: {  	s0 =	sadd.s32 s4, s2;
	s2 =	sand.u32 $0x1FFFFFF0, s5  }
0x147: {  	[tilespmem:s25], [sflag:$0x6] =	stream.linear.gather [hbm4b:s0+s3], $0x80, $0x38;
	[tilespmem:$0x10280] =	vst v63  }
0x148: {  	s1 =	sadd.s32 s4, s1;
	s0 =	sadd.s32 $0x8900, s20  }
0x149: {  	[tilespmem:s0], [sflag:$0x7] =	stream.linear.gather [hbm4b:s1+s3], $0x80, $0x38;
	[tilespmem:$0x10280] =	vst v63  }
0x14a: {  	s0 =	sadd.s32 $0x8980, s20;
	s1 =	sadd.s32 s4, s2  }
0x14b: {  	[tilespmem:s0], [sflag:$0x8] =	stream.linear.gather [hbm4b:s1+s3], $0x80, $0x38;
	[tilespmem:$0x10280] =	vst v63  }
0x14c: {  	v2 =	vld [tilespmem:s21+$0x0];
	_ =	sdelay $0x4  }
0x14d: {  	v2 =	vshll.u32 v2, $0x4  }
0x14e: {  	(v2sf) =	vpush v2, $0x0  }
0x14f: {  	(v2sf) =	vpush v2, $0x1  }
0x150: {  	(v2sf) =	vpush v2, $0x2;
	_ =	sdelay $0x1  }
0x151: {  	(v2sf) =	vpush v2, $0x4  }
.Ltmp3:
0x152: {  	(pc) =	sbr.rel @p0 .LBB2_8-.Ltmp3, $3  }
0x153: {  	(v2sf) =	vpush v2, $0x3  }
0x154: {  	(v2sf) =	vpush v2, $0x5;
	_ =	sdelay $0x1  }
0x155: {  	s20 =	sshra.s32 s23, $0x2;
	(v2sf) =	vpush v2, $0x6  }
0x156: {  	_ =	sdelay $0x5  }
0x157: {  	s0 =	spop (v2sf)  }
0x158: {  	s1 =	spop (v2sf)  }
0x159: {  	s9 =	spop (v2sf)  }
0x15a: {  	s21 =	spop (v2sf);
	(v2sf) =	vpush v2, $0x7  }
0x15b: {  	s0 =	sand.u32 $0x1FFFFFF0, s0  }
0x15c: {  	s2 =	sadd.s32 $0x8200, s20;
	s0 =	sadd.s32 s4, s0  }
0x15d: {  	[tilespmem:s2], [sflag:$0x1] =	stream.linear.gather [hbm4b:s0+s3], $0x80, $0x38;
	[tilespmem:$0x10280] =	vst v63  }
0x15e: {  	s1 =	sand.u32 $0x1FFFFFF0, s1;
	s22 =	spop (v2sf);
	(v2sf) =	vpush v2, $0x8  }
0x15f: {  	s8 =	sadd.s32 $0x8280, s20;
	s1 =	sadd.s32 s4, s1  }
0x160: {  	[tilespmem:s8], [sflag:$0x2] =	stream.linear.gather [hbm4b:s1+s3], $0x80, $0x38;
	[tilespmem:$0x10280] =	vst v63  }
0x161: {  	s10 =	sand.u32 $0x1FFFFFF0, s9;
	s26 =	spop (v2sf);
	(v2sf) =	vpush v2, $0x9  }
0x162: {  	s18 =	sadd.s32 $0x8300, s20;
	s0 =	sadd.s32 s4, s10  }
0x163: {  	[tilespmem:s18], [sflag:$0x3] =	stream.linear.gather [hbm4b:s0+s3], $0x80, $0x38;
	[tilespmem:$0x10280] =	vst v63  }
0x164: {  	s0 =	sand.u32 $0x1FFFFFF0, s22;
	s29 =	spop (v2sf);
	(v2sf) =	vpush v2, $0xA  }
0x165: {  	s23 =	sadd.s32 $0x8380, s20;
	s24 =	sand.u32 $0x1FFFFFF0, s21;
	s0 =	sadd.s32 s4, s0  }
0x166: {  	[tilespmem:s23], [sflag:$0x4] =	stream.linear.gather [hbm4b:s0+s3], $0x80, $0x38;
	[tilespmem:$0x10280] =	vst v63  }
0x167: {  	s25 =	sadd.s32 $0x8400, s20;
	s0 =	sadd.s32 s4, s24  }
0x168: {  	[tilespmem:s25], [sflag:$0x5] =	stream.linear.gather [hbm4b:s0+s3], $0x80, $0x38;
	[tilespmem:$0x10280] =	vst v63  }
0x169: {  	s0 =	sand.u32 $0x1FFFFFF0, s26;
	s1 =	spop (v2sf);
	(v2sf) =	vpush v2, $0xB  }
0x16a: {  	s28 =	sadd.s32 $0x8480, s20;
	s0 =	sadd.s32 s4, s0  }
0x16b: {  	[tilespmem:s28], [sflag:$0x6] =	stream.linear.gather [hbm4b:s0+s3], $0x80, $0x38;
	[tilespmem:$0x10280] =	vst v63  }
0x16c: {  	s0 =	sand.u32 $0x1FFFFFF0, s29  }
0x16d: {  	s30 =	sadd.s32 $0x8500, s20;
	s0 =	sadd.s32 s4, s0;
	s5 =	spop (v2sf);
	(v2sf) =	vpush v2, $0xC  }
0x16e: {  	[tilespmem:s30], [sflag:$0x7] =	stream.linear.gather [hbm4b:s0+s3], $0x80, $0x38;
	[tilespmem:$0x10280] =	vst v63  }
0x16f: {  	s0 =	sand.u32 $0x1FFFFFF0, s1  }
0x170: {  	s2 =	sadd.s32 $0x8580, s20;
	s0 =	sadd.s32 s4, s0;
	s7 =	spop (v2sf);
	(v2sf) =	vpush v2, $0xD  }
0x171: {  	[tilespmem:s2], [sflag:$0x8] =	stream.linear.gather [hbm4b:s0+s3], $0x80, $0x38;
	[tilespmem:$0x10280] =	vst v63  }
0x172: {  	s0 =	sand.u32 $0x1FFFFFF0, s5  }
0x173: {  	s6 =	sadd.s32 $0x8600, s20;
	s0 =	sadd.s32 s4, s0;
	s9 =	spop (v2sf);
	(v2sf) =	vpush v2, $0xE  }
0x174: {  	[tilespmem:s6], [sflag:$0x1] =	stream.linear.gather [hbm4b:s0+s3], $0x80, $0x38;
	[tilespmem:$0x10280] =	vst v63  }
0x175: {  	s0 =	sand.u32 $0x1FFFFFF0, s7  }
0x176: {  	s8 =	sadd.s32 $0x8680, s20;
	s0 =	sadd.s32 s4, s0  }
0x177: {  	[tilespmem:s8], [sflag:$0x2] =	stream.linear.gather [hbm4b:s0+s3], $0x80, $0x38;
	[tilespmem:$0x10280] =	vst v63  }
0x178: {  	s0 =	sand.u32 $0x1FFFFFF0, s9;
	s18 =	spop (v2sf);
	(v2sf) =	vpush v2, $0xF  }
0x179: {  	s10 =	sadd.s32 $0x8700, s20;
	s0 =	sadd.s32 s4, s0  }
0x17a: {  	[tilespmem:s10], [sflag:$0x3] =	stream.linear.gather [hbm4b:s0+s3], $0x80, $0x38;
	[tilespmem:$0x10280] =	vst v63  }
0x17b: {  	s0 =	sand.u32 $0x1FFFFFF0, s18  }
0x17c: {  	s21 =	sadd.s32 $0x8780, s20;
	s0 =	sadd.s32 s4, s0;
	s22 =	spop (v2sf)  }
0x17d: {  	[tilespmem:s21], [sflag:$0x4] =	stream.linear.gather [hbm4b:s0+s3], $0x80, $0x38;
	[tilespmem:$0x10280] =	vst v63  }
0x17e: {  	s0 =	sand.u32 $0x1FFFFFF0, s22  }
0x17f: {  	s23 =	sadd.s32 $0x8800, s20;
	s24 =	spop (v2sf);
	s0 =	sadd.s32 s4, s0  }
0x180: {  	[tilespmem:s23], [sflag:$0x5] =	stream.linear.gather [hbm4b:s0+s3], $0x80, $0x38;
	[tilespmem:$0x10280] =	vst v63  }
0x181: {  	s0 =	sand.u32 $0x1FFFFFF0, s24  }
0x182: {  	s25 =	sadd.s32 $0x8880, s20;
	s26 =	spop (v2sf);
	s0 =	sadd.s32 s4, s0  }
0x183: {  	[tilespmem:s25], [sflag:$0x6] =	stream.linear.gather [hbm4b:s0+s3], $0x80, $0x38;
	[tilespmem:$0x10280] =	vst v63  }
0x184: {  	s0 =	sand.u32 $0x1FFFFFF0, s26  }
0x185: {  	s28 =	sadd.s32 $0x8900, s20;
	s0 =	sadd.s32 s4, s0  }
0x186: {  	[tilespmem:s28], [sflag:$0x7] =	stream.linear.gather [hbm4b:s0+s3], $0x80, $0x38;
	[tilespmem:$0x10280] =	vst v63  }
0x187: {  	s29 =	spop (v2sf)  }
0x188: {  	s0 =	sand.u32 $0x1FFFFFF0, s29  }
0x189: {  	s30 =	sadd.s32 $0x8980, s20;
	s0 =	sadd.s32 s4, s0  }
0x18a: {  	[tilespmem:s30], [sflag:$0x8] =	stream.linear.gather [hbm4b:s0+s3], $0x80, $0x38;
	[tilespmem:$0x10280] =	vst v63  }
0x18b: {  	_ =	swait.ge [sflag:s31], $0x800  }
0x18c: {  	[sflag:s31] =	ssyncset.done $0x0  }
0x18d: {  	[sflag:s31] =	ssyncadd.s32 $0xFFFFF800  }
0x18e: {  	_ =	swait.ge [sflag:s11], $0x800  }
0x18f: {  	[sflag:s11] =	ssyncset.done $0x0  }
0x190: {  	[sflag:s11] =	ssyncadd.s32 $0xFFFFF800  }
0x191: {  	_ =	swait.ge [sflag:s12], $0x800  }
0x192: {  	[sflag:s12] =	ssyncset.done $0x0  }
0x193: {  	[sflag:s12] =	ssyncadd.s32 $0xFFFFF800  }
0x194: {  	_ =	swait.ge [sflag:s13], $0x800  }
0x195: {  	[sflag:s13] =	ssyncset.done $0x0  }
0x196: {  	[sflag:s13] =	ssyncadd.s32 $0xFFFFF800  }
0x197: {  	_ =	swait.ge [sflag:s14], $0x800  }
0x198: {  	[sflag:s14] =	ssyncset.done $0x0  }
0x199: {  	[sflag:s14] =	ssyncadd.s32 $0xFFFFF800  }
0x19a: {  	_ =	swait.ge [sflag:s15], $0x800  }
0x19b: {  	[sflag:s15] =	ssyncset.done $0x0  }
0x19c: {  	[sflag:s15] =	ssyncadd.s32 $0xFFFFF800  }
0x19d: {  	_ =	swait.ge [sflag:s16], $0x800  }
0x19e: {  	[sflag:s16] =	ssyncset.done $0x0  }
0x19f: {  	[sflag:s16] =	ssyncadd.s32 $0xFFFFF800  }
0x1a0: {  	_ =	swait.ge [sflag:s17], $0x800  }
0x1a1: {  	[sflag:s17] =	ssyncset.done $0x0  }
0x1a2: {  	s0 =	simm.s32 $0x4200;
	[sflag:s17] =	ssyncadd.s32 $0xFFFFF800  }
0x1a3: {  	v3 =	vld [tilespmem:s0+$0x80]  }
0x1a4: {  	v6 =	vld [tilespmem:s0+$0x0]  }
0x1a5: {  	v8 =	vld [tilespmem:s0+$0x190]  }
0x1a6: {  	v4 =	vld [tilespmem:s0+$0x180]  }
0x1a7: {  	v2 =	vld [tilespmem:s0+$0x110]  }
0x1a8: {  	v5 =	vld [tilespmem:s0+$0x100];
	v9 =	vadd.f32 v3, v1  }
0x1a9: {  	v3 =	vld [tilespmem:s0+$0x90];
	v7 =	vadd.f32 v6, v1  }
0x1aa: {  	s20 =	simm.s32 $0x4400;
	s1 =	simm.s32 $0x80;
	v6 =	vld [tilespmem:s0+$0x10];
	v8 =	vadd.f32 v8, v0;
	[tilespmem:s0+$0x80] =	vst v9  }
.LBB2_10:
0x1ab: {  	v9 =	vld [tilespmem:s20+$0x80];
	s1 =	sadd.s32 $0x4, s1;
	[tilespmem:s0+$0x0] =	vst v7;
	v4 =	vadd.f32 v4, v1;
	s21 =	simm.s32 $0x180  }
0x1ac: {  	v7 =	vld [tilespmem:s20+$0x0];
	p0 =	slt.u32 s1, $0xFC;
	v2 =	vadd.f32 v2, v0;
	[tilespmem:s0+$0x190] =	vst v8  }
0x1ad: {  	v8 =	vld [tilespmem:s20+$0x190];
	v5 =	vadd.f32 v5, v1;
	[tilespmem:s0+$0x180] =	vst v4  }
.Ltmp4:
0x1ae: {  	v4 =	vld [tilespmem:s20+$0x180];
	v3 =	vadd.f32 v3, v0;
	[tilespmem:s0+$0x110] =	vst v2;
	(pc) =	sbr.rel @p0 .LBB2_10-.Ltmp4, $4  }
0x1af: {  	v2 =	vld [tilespmem:s20+$0x110];
	v6 =	vadd.f32 v6, v0;
	[tilespmem:s0+$0x100] =	vst v5  }
0x1b0: {  	v9 =	vadd.f32 v9, v1;
	v5 =	vld [tilespmem:s20+$0x100];
	[tilespmem:s0+$0x90] =	vst v3  }
0x1b1: {  	v7 =	vadd.f32 v7, v1;
	v3 =	vld [tilespmem:s20+$0x90];
	[tilespmem:s0+$0x10] =	vst v6;
	s0 =	smov.u32 s20  }
0x1b2: {  	s20 =	sadd.s32 $0x200, s20;
	v6 =	vld [tilespmem:s0+$0x10];
	[tilespmem:s0+$0x80] =	vst v9;
	v8 =	vadd.f32 v8, v0  }
0x1b3: {  	[tilespmem:s0+$0x0] =	vst v7;
	v4 =	vadd.f32 v4, v1  }
0x1b4: {  	v2 =	vadd.f32 v2, v0;
	[tilespmem:s0+$0x190] =	vst v8  }
0x1b5: {  	v5 =	vadd.f32 v5, v1;
	[tilespmem:s0+$0x180] =	vst v4  }
0x1b6: {  	v3 =	vadd.f32 v3, v0;
	[tilespmem:s0+$0x110] =	vst v2  }
0x1b7: {  	v2 =	vadd.f32 v6, v0;
	[tilespmem:s0+$0x100] =	vst v5  }
0x1b8: {  	[tilespmem:s0+$0x90] =	vst v3  }
0x1b9: {  	[tilespmem:s0+$0x10] =	vst v2  }
0x1ba: {  	v2 =	vld [tilespmem:s21+$0x0];
	_ =	sdelay $0x4  }
0x1bb: {  	v2 =	vshll.u32 v2, $0x4  }
0x1bc: {  	(v2sf) =	vpush v2, $0x0  }
0x1bd: {  	(v2sf) =	vpush v2, $0x1  }
0x1be: {  	(v2sf) =	vpush v2, $0x2;
	_ =	sdelay $0x1  }
0x1bf: {  	(v2sf) =	vpush v2, $0x4;
	_ =	sdelay $0x1  }
0x1c0: {  	(v2sf) =	vpush v2, $0x3  }
0x1c1: {  	(v2sf) =	vpush v2, $0x5  }
0x1c2: {  	s22 =	simm.s32 $0x2000;
	s20 =	simm.s32 $0x0;
	(v2sf) =	vpush v2, $0x6  }
.LBB2_12:
0x1c3: {  	p0 =	sne.s32 s22, $0xE000  }
0x1c4: {  	s2 =	sadd.s32 $0xC280, s20;
	s26 =	sadd.s32 $0xC780, s20;
	s23 =	smov.u32 s22  }
0x1c5: {  	s22 =	sadd.s32 $0x2000, s22;
	s30 =	sadd.s32 $0xC580, s20;
	s24 =	sadd.s32 $0xC800, s20;
	(v2sf) =	vpush v2, $0x7  }
0x1c6: {  	s1 =	sadd.s32 $0xC480, s20;
	s29 =	sadd.s32 $0xC600, s20;
	s25 =	sadd.s32 $0xC880, s20  }
0x1c7: {  	s5 =	sadd.s32 $0xC200, s20;
	s6 =	sadd.s32 $0xC400, s20;
	(v2sf) =	vpush v2, $0x8  }
0x1c8: {  	s7 =	sadd.s32 $0xC500, s20;
	s21 =	sadd.s32 $0x10, s21  }
0x1c9: {  	s8 =	sadd.s32 $0xC300, s20;
	s28 =	sadd.s32 $0xC700, s20;
	s0 =	spop (v2sf);
	(v2sf) =	vpush v2, $0x9  }
0x1ca: {  	s9 =	sand.u32 $0x1FFFFFF0, s0;
	s0 =	sadd.s32 $0xC680, s20;
	s10 =	spop (v2sf)  }
0x1cb: {  	s9 =	sadd.s32 s4, s9;
	s10 =	sand.u32 $0x1FFFFFF0, s10;
	s18 =	spop (v2sf);
	(v2sf) =	vpush v2, $0xA  }
0x1cc: {  	[tilespmem:s5], [sflag:$0x1] =	stream.linear.gather [hbm4b:s9+s3], $0x80, $0x38;
	[tilespmem:$0x10280] =	vst v63  }
0x1cd: {  	s5 =	sadd.s32 s4, s10;
	s9 =	sadd.s32 $0xC380, s20;
	s10 =	spop (v2sf);
	(v2sf) =	vpush v2, $0xB  }
0x1ce: {  	[tilespmem:s2], [sflag:$0x2] =	stream.linear.gather [hbm4b:s5+s3], $0x80, $0x38;
	[tilespmem:$0x10280] =	vst v63  }
0x1cf: {  	s2 =	sand.u32 $0x1FFFFFF0, s18;
	s5 =	sand.u32 $0x1FFFFFF0, s10;
	s10 =	spop (v2sf);
	(v2sf) =	vpush v2, $0xC  }
0x1d0: {  	s2 =	sadd.s32 s4, s2;
	s10 =	sand.u32 $0x1FFFFFF0, s10;
	s18 =	spop (v2sf)  }
0x1d1: {  	[tilespmem:s8], [sflag:$0x3] =	stream.linear.gather [hbm4b:s2+s3], $0x80, $0x38;
	(v2sf) =	vpush v2, $0xD;
	[tilespmem:$0x10280] =	vst v63  }
0x1d2: {  	s2 =	sadd.s32 s4, s10;
	s8 =	sand.u32 $0x1FFFFFF0, s18;
	s10 =	spop (v2sf)  }
0x1d3: {  	[tilespmem:s9], [sflag:$0x4] =	stream.linear.gather [hbm4b:s2+s3], $0x80, $0x38;
	(v2sf) =	vpush v2, $0xE;
	[tilespmem:$0x10280] =	vst v63  }
0x1d4: {  	s2 =	sadd.s32 s4, s5;
	s5 =	sand.u32 $0x1FFFFFF0, s10;
	s9 =	spop (v2sf)  }
0x1d5: {  	[tilespmem:s6], [sflag:$0x5] =	stream.linear.gather [hbm4b:s2+s3], $0x80, $0x38;
	(v2sf) =	vpush v2, $0xF;
	[tilespmem:$0x10280] =	vst v63  }
0x1d6: {  	s2 =	sadd.s32 s4, s8;
	s6 =	sand.u32 $0x1FFFFFF0, s9;
	s8 =	spop (v2sf)  }
0x1d7: {  	[tilespmem:s1], [sflag:$0x6] =	stream.linear.gather [hbm4b:s2+s3], $0x80, $0x38;
	[tilespmem:$0x10280] =	vst v63  }
0x1d8: {  	s1 =	sadd.s32 s4, s5;
	s2 =	sand.u32 $0x1FFFFFF0, s8;
	s5 =	spop (v2sf)  }
0x1d9: {  	[tilespmem:s7], [sflag:$0x7] =	stream.linear.gather [hbm4b:s1+s3], $0x80, $0x38;
	[tilespmem:$0x10280] =	vst v63  }
0x1da: {  	s1 =	sadd.s32 s4, s6;
	s5 =	sand.u32 $0x1FFFFFF0, s5;
	s6 =	spop (v2sf)  }
0x1db: {  	[tilespmem:s30], [sflag:$0x8] =	stream.linear.gather [hbm4b:s1+s3], $0x80, $0x38;
	[tilespmem:$0x10280] =	vst v63  }
0x1dc: {  	s1 =	sadd.s32 s4, s2;
	s2 =	sand.u32 $0x1FFFFFF0, s6;
	s6 =	spop (v2sf)  }
0x1dd: {  	[tilespmem:s29], [sflag:$0x1] =	stream.linear.gather [hbm4b:s1+s3], $0x80, $0x38;
	[tilespmem:$0x10280] =	vst v63  }
0x1de: {  	s1 =	sadd.s32 s4, s5;
	s5 =	sand.u32 $0x1FFFFFF0, s6;
	s6 =	spop (v2sf)  }
0x1df: {  	[tilespmem:s0], [sflag:$0x2] =	stream.linear.gather [hbm4b:s1+s3], $0x80, $0x38;
	[tilespmem:$0x10280] =	vst v63  }
0x1e0: {  	s0 =	sadd.s32 s4, s2;
	s1 =	sand.u32 $0x1FFFFFF0, s6;
	s2 =	spop (v2sf)  }
0x1e1: {  	[tilespmem:s28], [sflag:$0x3] =	stream.linear.gather [hbm4b:s0+s3], $0x80, $0x38;
	[tilespmem:$0x10280] =	vst v63  }
0x1e2: {  	s0 =	sadd.s32 s4, s5;
	s2 =	sand.u32 $0x1FFFFFF0, s2;
	s5 =	spop (v2sf)  }
0x1e3: {  	[tilespmem:s26], [sflag:$0x4] =	stream.linear.gather [hbm4b:s0+s3], $0x80, $0x38;
	[tilespmem:$0x10280] =	vst v63  }
0x1e4: {  	s0 =	sadd.s32 s4, s1;
	s1 =	sand.u32 $0x1FFFFFF0, s5;
	s5 =	spop (v2sf)  }
0x1e5: {  	[tilespmem:s24], [sflag:$0x5] =	stream.linear.gather [hbm4b:s0+s3], $0x80, $0x38;
	[tilespmem:$0x10280] =	vst v63  }
0x1e6: {  	s0 =	sadd.s32 s4, s2;
	s2 =	sand.u32 $0x1FFFFFF0, s5  }
0x1e7: {  	[tilespmem:s25], [sflag:$0x6] =	stream.linear.gather [hbm4b:s0+s3], $0x80, $0x38;
	[tilespmem:$0x10280] =	vst v63  }
0x1e8: {  	s1 =	sadd.s32 s4, s1;
	s0 =	sadd.s32 $0xC900, s20  }
0x1e9: {  	[tilespmem:s0], [sflag:$0x7] =	stream.linear.gather [hbm4b:s1+s3], $0x80, $0x38;
	[tilespmem:$0x10280] =	vst v63  }
0x1ea: {  	s0 =	sadd.s32 $0xC980, s20;
	s1 =	sadd.s32 s4, s2  }
0x1eb: {  	[tilespmem:s0], [sflag:$0x8] =	stream.linear.gather [hbm4b:s1+s3], $0x80, $0x38;
	[tilespmem:$0x10280] =	vst v63  }
0x1ec: {  	v2 =	vld [tilespmem:s21+$0x0];
	_ =	sdelay $0x4  }
0x1ed: {  	v2 =	vshll.u32 v2, $0x4  }
0x1ee: {  	(v2sf) =	vpush v2, $0x0  }
0x1ef: {  	(v2sf) =	vpush v2, $0x1  }
0x1f0: {  	(v2sf) =	vpush v2, $0x2;
	_ =	sdelay $0x1  }
0x1f1: {  	(v2sf) =	vpush v2, $0x4  }
.Ltmp5:
0x1f2: {  	(pc) =	sbr.rel @p0 .LBB2_12-.Ltmp5, $3  }
0x1f3: {  	(v2sf) =	vpush v2, $0x3  }
0x1f4: {  	(v2sf) =	vpush v2, $0x5;
	_ =	sdelay $0x1  }
0x1f5: {  	s20 =	sshra.s32 s23, $0x2;
	(v2sf) =	vpush v2, $0x6  }
0x1f6: {  	_ =	sdelay $0x5  }
0x1f7: {  	s0 =	spop (v2sf)  }
0x1f8: {  	s1 =	spop (v2sf)  }
0x1f9: {  	s9 =	spop (v2sf)  }
0x1fa: {  	s21 =	spop (v2sf);
	(v2sf) =	vpush v2, $0x7  }
0x1fb: {  	s0 =	sand.u32 $0x1FFFFFF0, s0  }
0x1fc: {  	s2 =	sadd.s32 $0xC200, s20;
	s0 =	sadd.s32 s4, s0  }
0x1fd: {  	[tilespmem:s2], [sflag:$0x1] =	stream.linear.gather [hbm4b:s0+s3], $0x80, $0x38;
	[tilespmem:$0x10280] =	vst v63  }
0x1fe: {  	s1 =	sand.u32 $0x1FFFFFF0, s1;
	s22 =	spop (v2sf);
	(v2sf) =	vpush v2, $0x8  }
0x1ff: {  	s8 =	sadd.s32 $0xC280, s20;
	s1 =	sadd.s32 s4, s1  }
0x200: {  	[tilespmem:s8], [sflag:$0x2] =	stream.linear.gather [hbm4b:s1+s3], $0x80, $0x38;
	[tilespmem:$0x10280] =	vst v63  }
0x201: {  	s10 =	sand.u32 $0x1FFFFFF0, s9;
	s26 =	spop (v2sf);
	(v2sf) =	vpush v2, $0x9  }
0x202: {  	s18 =	sadd.s32 $0xC300, s20;
	s0 =	sadd.s32 s4, s10  }
0x203: {  	[tilespmem:s18], [sflag:$0x3] =	stream.linear.gather [hbm4b:s0+s3], $0x80, $0x38;
	[tilespmem:$0x10280] =	vst v63  }
0x204: {  	s0 =	sand.u32 $0x1FFFFFF0, s22;
	s29 =	spop (v2sf);
	(v2sf) =	vpush v2, $0xA  }
0x205: {  	s23 =	sadd.s32 $0xC380, s20;
	s24 =	sand.u32 $0x1FFFFFF0, s21;
	s0 =	sadd.s32 s4, s0  }
0x206: {  	[tilespmem:s23], [sflag:$0x4] =	stream.linear.gather [hbm4b:s0+s3], $0x80, $0x38;
	[tilespmem:$0x10280] =	vst v63  }
0x207: {  	s25 =	sadd.s32 $0xC400, s20;
	s0 =	sadd.s32 s4, s24  }
0x208: {  	[tilespmem:s25], [sflag:$0x5] =	stream.linear.gather [hbm4b:s0+s3], $0x80, $0x38;
	[tilespmem:$0x10280] =	vst v63  }
0x209: {  	s0 =	sand.u32 $0x1FFFFFF0, s26;
	s1 =	spop (v2sf);
	(v2sf) =	vpush v2, $0xB  }
0x20a: {  	s28 =	sadd.s32 $0xC480, s20;
	s0 =	sadd.s32 s4, s0  }
0x20b: {  	[tilespmem:s28], [sflag:$0x6] =	stream.linear.gather [hbm4b:s0+s3], $0x80, $0x38;
	[tilespmem:$0x10280] =	vst v63  }
0x20c: {  	s0 =	sand.u32 $0x1FFFFFF0, s29  }
0x20d: {  	s30 =	sadd.s32 $0xC500, s20;
	s0 =	sadd.s32 s4, s0;
	s5 =	spop (v2sf);
	(v2sf) =	vpush v2, $0xC  }
0x20e: {  	[tilespmem:s30], [sflag:$0x7] =	stream.linear.gather [hbm4b:s0+s3], $0x80, $0x38;
	[tilespmem:$0x10280] =	vst v63  }
0x20f: {  	s0 =	sand.u32 $0x1FFFFFF0, s1  }
0x210: {  	s2 =	sadd.s32 $0xC580, s20;
	s0 =	sadd.s32 s4, s0;
	s7 =	spop (v2sf);
	(v2sf) =	vpush v2, $0xD  }
0x211: {  	[tilespmem:s2], [sflag:$0x8] =	stream.linear.gather [hbm4b:s0+s3], $0x80, $0x38;
	[tilespmem:$0x10280] =	vst v63  }
0x212: {  	s0 =	sand.u32 $0x1FFFFFF0, s5  }
0x213: {  	s6 =	sadd.s32 $0xC600, s20;
	s0 =	sadd.s32 s4, s0;
	s9 =	spop (v2sf);
	(v2sf) =	vpush v2, $0xE  }
0x214: {  	[tilespmem:s6], [sflag:$0x1] =	stream.linear.gather [hbm4b:s0+s3], $0x80, $0x38;
	[tilespmem:$0x10280] =	vst v63  }
0x215: {  	s0 =	sand.u32 $0x1FFFFFF0, s7  }
0x216: {  	s8 =	sadd.s32 $0xC680, s20;
	s0 =	sadd.s32 s4, s0  }
0x217: {  	[tilespmem:s8], [sflag:$0x2] =	stream.linear.gather [hbm4b:s0+s3], $0x80, $0x38;
	[tilespmem:$0x10280] =	vst v63  }
0x218: {  	s0 =	sand.u32 $0x1FFFFFF0, s9;
	s18 =	spop (v2sf);
	(v2sf) =	vpush v2, $0xF  }
0x219: {  	s10 =	sadd.s32 $0xC700, s20;
	s0 =	sadd.s32 s4, s0  }
0x21a: {  	[tilespmem:s10], [sflag:$0x3] =	stream.linear.gather [hbm4b:s0+s3], $0x80, $0x38;
	[tilespmem:$0x10280] =	vst v63  }
0x21b: {  	s0 =	sand.u32 $0x1FFFFFF0, s18  }
0x21c: {  	s21 =	sadd.s32 $0xC780, s20;
	s0 =	sadd.s32 s4, s0;
	s22 =	spop (v2sf)  }
0x21d: {  	[tilespmem:s21], [sflag:$0x4] =	stream.linear.gather [hbm4b:s0+s3], $0x80, $0x38;
	[tilespmem:$0x10280] =	vst v63  }
0x21e: {  	s0 =	sand.u32 $0x1FFFFFF0, s22  }
0x21f: {  	s23 =	sadd.s32 $0xC800, s20;
	s24 =	spop (v2sf);
	s0 =	sadd.s32 s4, s0  }
0x220: {  	[tilespmem:s23], [sflag:$0x5] =	stream.linear.gather [hbm4b:s0+s3], $0x80, $0x38;
	[tilespmem:$0x10280] =	vst v63  }
0x221: {  	s0 =	sand.u32 $0x1FFFFFF0, s24  }
0x222: {  	s25 =	sadd.s32 $0xC880, s20;
	s26 =	spop (v2sf);
	s0 =	sadd.s32 s4, s0  }
0x223: {  	[tilespmem:s25], [sflag:$0x6] =	stream.linear.gather [hbm4b:s0+s3], $0x80, $0x38;
	[tilespmem:$0x10280] =	vst v63  }
0x224: {  	s0 =	sand.u32 $0x1FFFFFF0, s26  }
0x225: {  	s28 =	sadd.s32 $0xC900, s20;
	s0 =	sadd.s32 s4, s0  }
0x226: {  	[tilespmem:s28], [sflag:$0x7] =	stream.linear.gather [hbm4b:s0+s3], $0x80, $0x38;
	[tilespmem:$0x10280] =	vst v63  }
0x227: {  	s29 =	spop (v2sf)  }
0x228: {  	s0 =	sand.u32 $0x1FFFFFF0, s29  }
0x229: {  	s30 =	sadd.s32 $0xC980, s20;
	s0 =	sadd.s32 s4, s0  }
0x22a: {  	[tilespmem:s30], [sflag:$0x8] =	stream.linear.gather [hbm4b:s0+s3], $0x80, $0x38;
	[tilespmem:$0x10280] =	vst v63  }
0x22b: {  	_ =	swait.ge [sflag:s31], $0x800  }
0x22c: {  	[sflag:s31] =	ssyncset.done $0x0  }
0x22d: {  	[sflag:s31] =	ssyncadd.s32 $0xFFFFF800  }
0x22e: {  	_ =	swait.ge [sflag:s11], $0x800  }
0x22f: {  	[sflag:s11] =	ssyncset.done $0x0  }
0x230: {  	[sflag:s11] =	ssyncadd.s32 $0xFFFFF800  }
0x231: {  	_ =	swait.ge [sflag:s12], $0x800  }
0x232: {  	[sflag:s12] =	ssyncset.done $0x0  }
0x233: {  	[sflag:s12] =	ssyncadd.s32 $0xFFFFF800  }
0x234: {  	_ =	swait.ge [sflag:s13], $0x800  }
0x235: {  	[sflag:s13] =	ssyncset.done $0x0  }
0x236: {  	[sflag:s13] =	ssyncadd.s32 $0xFFFFF800  }
0x237: {  	_ =	swait.ge [sflag:s14], $0x800  }
0x238: {  	[sflag:s14] =	ssyncset.done $0x0  }
0x239: {  	[sflag:s14] =	ssyncadd.s32 $0xFFFFF800  }
0x23a: {  	_ =	swait.ge [sflag:s15], $0x800  }
0x23b: {  	[sflag:s15] =	ssyncset.done $0x0  }
0x23c: {  	[sflag:s15] =	ssyncadd.s32 $0xFFFFF800  }
0x23d: {  	_ =	swait.ge [sflag:s16], $0x800  }
0x23e: {  	[sflag:s16] =	ssyncset.done $0x0  }
0x23f: {  	[sflag:s16] =	ssyncadd.s32 $0xFFFFF800  }
0x240: {  	_ =	swait.ge [sflag:s17], $0x800  }
0x241: {  	[sflag:s17] =	ssyncset.done $0x0  }
0x242: {  	s0 =	simm.s32 $0x8200;
	[sflag:s17] =	ssyncadd.s32 $0xFFFFF800  }
0x243: {  	v4 =	vld [tilespmem:s0+$0x80]  }
0x244: {  	v6 =	vld [tilespmem:s0+$0x0]  }
0x245: {  	v8 =	vld [tilespmem:s0+$0x190]  }
0x246: {  	v2 =	vld [tilespmem:s0+$0x180]  }
0x247: {  	v3 =	vld [tilespmem:s0+$0x110]  }
0x248: {  	v5 =	vld [tilespmem:s0+$0x100];
	v9 =	vadd.f32 v4, v1  }
0x249: {  	v4 =	vld [tilespmem:s0+$0x90];
	v7 =	vadd.f32 v6, v1  }
0x24a: {  	s20 =	simm.s32 $0x8400;
	s1 =	simm.s32 $0x100;
	v6 =	vld [tilespmem:s0+$0x10];
	v8 =	vadd.f32 v8, v0;
	[tilespmem:s0+$0x80] =	vst v9  }
.LBB2_14:
0x24b: {  	v9 =	vld [tilespmem:s20+$0x80];
	s1 =	sadd.s32 $0x4, s1;
	[tilespmem:s0+$0x0] =	vst v7;
	v2 =	vadd.f32 v2, v1  }
0x24c: {  	v7 =	vld [tilespmem:s20+$0x0];
	p0 =	slt.u32 s1, $0x17C;
	v3 =	vadd.f32 v3, v0;
	[tilespmem:s0+$0x190] =	vst v8  }
0x24d: {  	v8 =	vld [tilespmem:s20+$0x190];
	v5 =	vadd.f32 v5, v1;
	[tilespmem:s0+$0x180] =	vst v2  }
.Ltmp6:
0x24e: {  	v2 =	vld [tilespmem:s20+$0x180];
	v4 =	vadd.f32 v4, v0;
	[tilespmem:s0+$0x110] =	vst v3;
	(pc) =	sbr.rel @p0 .LBB2_14-.Ltmp6, $4  }
0x24f: {  	v3 =	vld [tilespmem:s20+$0x110];
	v6 =	vadd.f32 v6, v0;
	[tilespmem:s0+$0x100] =	vst v5  }
0x250: {  	v9 =	vadd.f32 v9, v1;
	v5 =	vld [tilespmem:s20+$0x100];
	[tilespmem:s0+$0x90] =	vst v4  }
0x251: {  	v7 =	vadd.f32 v7, v1;
	v4 =	vld [tilespmem:s20+$0x90];
	[tilespmem:s0+$0x10] =	vst v6;
	s0 =	smov.u32 s20  }
0x252: {  	s20 =	sadd.s32 $0x200, s20;
	v6 =	vld [tilespmem:s0+$0x10];
	[tilespmem:s0+$0x80] =	vst v9;
	v8 =	vadd.f32 v8, v0  }
0x253: {  	[tilespmem:s0+$0x0] =	vst v7;
	v2 =	vadd.f32 v2, v1  }
0x254: {  	v3 =	vadd.f32 v3, v0;
	[tilespmem:s0+$0x190] =	vst v8  }
0x255: {  	v5 =	vadd.f32 v5, v1;
	[tilespmem:s0+$0x180] =	vst v2  }
0x256: {  	v2 =	vadd.f32 v4, v0;
	[tilespmem:s0+$0x110] =	vst v3  }
0x257: {  	v3 =	vadd.f32 v6, v0;
	[tilespmem:s0+$0x100] =	vst v5  }
0x258: {  	[tilespmem:s0+$0x90] =	vst v2  }
0x259: {  	[tilespmem:s0+$0x10] =	vst v3  }
0x25a: {  	_ =	swait.ge [sflag:s31], $0x800  }
0x25b: {  	[sflag:s31] =	ssyncset.done $0x0  }
0x25c: {  	[sflag:s31] =	ssyncadd.s32 $0xFFFFF800  }
0x25d: {  	_ =	swait.ge [sflag:s11], $0x800  }
0x25e: {  	[sflag:s11] =	ssyncset.done $0x0  }
0x25f: {  	[sflag:s11] =	ssyncadd.s32 $0xFFFFF800  }
0x260: {  	_ =	swait.ge [sflag:s12], $0x800  }
0x261: {  	[sflag:s12] =	ssyncset.done $0x0  }
0x262: {  	[sflag:s12] =	ssyncadd.s32 $0xFFFFF800  }
0x263: {  	_ =	swait.ge [sflag:s13], $0x800  }
0x264: {  	[sflag:s13] =	ssyncset.done $0x0  }
0x265: {  	[sflag:s13] =	ssyncadd.s32 $0xFFFFF800  }
0x266: {  	_ =	swait.ge [sflag:s14], $0x800  }
0x267: {  	[sflag:s14] =	ssyncset.done $0x0  }
0x268: {  	[sflag:s14] =	ssyncadd.s32 $0xFFFFF800  }
0x269: {  	_ =	swait.ge [sflag:s15], $0x800  }
0x26a: {  	[sflag:s15] =	ssyncset.done $0x0  }
0x26b: {  	[sflag:s15] =	ssyncadd.s32 $0xFFFFF800  }
0x26c: {  	_ =	swait.ge [sflag:s16], $0x800  }
0x26d: {  	[sflag:s16] =	ssyncset.done $0x0  }
0x26e: {  	[sflag:s16] =	ssyncadd.s32 $0xFFFFF800  }
0x26f: {  	_ =	swait.ge [sflag:s17], $0x800  }
0x270: {  	[sflag:s17] =	ssyncset.done $0x0  }
0x271: {  	s0 =	simm.s32 $0xC200;
	[sflag:s17] =	ssyncadd.s32 $0xFFFFF800  }
0x272: {  	v4 =	vld [tilespmem:s0+$0x80]  }
0x273: {  	v6 =	vld [tilespmem:s0+$0x0]  }
0x274: {  	v8 =	vld [tilespmem:s0+$0x190]  }
0x275: {  	v2 =	vld [tilespmem:s0+$0x180]  }
0x276: {  	v3 =	vld [tilespmem:s0+$0x110]  }
0x277: {  	v5 =	vld [tilespmem:s0+$0x100];
	v9 =	vadd.f32 v4, v1  }
0x278: {  	v4 =	vld [tilespmem:s0+$0x90];
	v7 =	vadd.f32 v6, v1  }
0x279: {  	s1 =	simm.s32 $0x180;
	s20 =	simm.s32 $0xC400;
	s2 =	simm.s32 $0x9;
	v6 =	vld [tilespmem:s0+$0x10];
	v8 =	vadd.f32 v8, v0;
	[tilespmem:s0+$0x80] =	vst v9  }
.LBB2_16:
0x27a: {  	v9 =	vld [tilespmem:s20+$0x80];
	s1 =	sadd.s32 $0x4, s1;
	[tilespmem:s0+$0x0] =	vst v7;
	v2 =	vadd.f32 v2, v1  }
0x27b: {  	v7 =	vld [tilespmem:s20+$0x0];
	p0 =	slt.u32 s1, $0x1FC;
	v3 =	vadd.f32 v3, v0;
	[tilespmem:s0+$0x190] =	vst v8  }
0x27c: {  	v8 =	vld [tilespmem:s20+$0x190];
	v5 =	vadd.f32 v5, v1;
	[tilespmem:s0+$0x180] =	vst v2  }
.Ltmp7:
0x27d: {  	v2 =	vld [tilespmem:s20+$0x180];
	v4 =	vadd.f32 v4, v0;
	[tilespmem:s0+$0x110] =	vst v3;
	(pc) =	sbr.rel @p0 .LBB2_16-.Ltmp7, $4  }
0x27e: {  	v3 =	vld [tilespmem:s20+$0x110];
	v6 =	vadd.f32 v6, v0;
	[tilespmem:s0+$0x100] =	vst v5  }
0x27f: {  	v9 =	vadd.f32 v9, v1;
	v5 =	vld [tilespmem:s20+$0x100];
	[tilespmem:s0+$0x90] =	vst v4  }
0x280: {  	v7 =	vadd.f32 v7, v1;
	v4 =	vld [tilespmem:s20+$0x90];
	[tilespmem:s0+$0x10] =	vst v6;
	s0 =	smov.u32 s20  }
0x281: {  	s20 =	sadd.s32 $0x200, s20;
	v6 =	vld [tilespmem:s0+$0x10];
	[tilespmem:s0+$0x80] =	vst v9;
	v8 =	vadd.f32 v8, v0  }
0x282: {  	[tilespmem:s0+$0x0] =	vst v7;
	v2 =	vadd.f32 v2, v1  }
0x283: {  	v3 =	vadd.f32 v3, v0;
	[tilespmem:s0+$0x190] =	vst v8  }
0x284: {  	v61 =	vadd.f32 v5, v1;
	[tilespmem:s0+$0x180] =	vst v2  }
0x285: {  	v62 =	vadd.f32 v4, v0;
	[tilespmem:s0+$0x110] =	vst v3  }
0x286: {  	v63 =	vadd.f32 v6, v0;
	[tilespmem:s0+$0x100] =	vst v61  }
0x287: {  	[tilespmem:s0+$0x90] =	vst v62  }
0x288: {  	s30 =	rddreg [dreg:$0x5];
	s1 =	simm.s32 $0x200;
	[tilespmem:s0+$0x10] =	vst v63  }
0x289: {  	[hbm4b:s30+s3] =	stream.linear.scatter [tilespmem:s1], [sflag:$0x9], $0x10000, $0x38;
	[tilespmem:$0x10280] =	vst v63  }
0x28a: {  	_ =	swait.ge [sflag:s2], $0x10000  }
0x28b: {  	s19 =	sadd.s32 $0x1, s19;
	s31 =	rddreg [dreg:$0x6]  }
0x28c: {  	p0 =	sne.s32 s19, s31  }
.Ltmp8:
0x28d: {  	_ = 	snop;
	(pc) =	sbr.rel @p0 .LBB2_1-.Ltmp8, $3  }
0x28e: {  	_ =	sdelay $0x1  }
0x28f: {  	[sflag:s2] =	ssyncset.done $0x0  }
0x290: {  	[sflag:s2] =	ssyncadd.s32 $0xFFFF0000  }
0x291: {  	_ =	sfence.sel $0x180000  }
0x292: {  	[bflag:$0x0] =	sbarrier.arrive $0xFFFF  }
0x293: {  	_ =	strace $0x90000047  }
0x294: {  	s0 =	stileid.u32;
	[bflag:$0x2] =	sbarrier.arrive $0xFFFF  }
0x295: {  	p0 =	sne.s32 s0, $0x0;
	s0 =	rddreg [dreg:$0x3]  }
0x296: {  	s0 =	sadd.s32 @!p0 $0x100000, s0  }
0x297: {  	[sflag:s0] =	ssyncadd.tile.s32 @!p0 $0x1;
	_ =	shalt  }
.Lfunc_end2:
_tile_overlayer_lowered:
.L_overlay_start_2:
0x298: {  	(tag) =	ssettag $0x2  }
0x299: {  	s0 =	rddreg [dreg:$0x0];
	s2 =	stileid.u32  }
0x29a: {  	s1 =	rddreg [dreg:$0x1];
	p0 =	sne.s32 s2, $0x0  }
0x29b: {  	s3 =	rddreg [dreg:$0x2];
	[bflag:$0x3] =	sbarrier.arrive $0xFFFF;
	s2 =	simm.s32 @!p0 $0x1C09  }
0x29c: {  	[timem:s3], [sflag:s2] =	dma.local @!p0 [hbm:s0], s1  }
0x29d: {  	s0 =	simm.s32 @!p0 $0x9  }
0x29e: {  	_ =	swait.ge @!p0 [sflag:s0], s1  }
0x29f: {  	s1 =	ssub.s32 @!p0 $0x0, s1;
	[sflag:s0] =	ssyncset.done @!p0 $0x0  }
0x2a0: {  	[sflag:s0] =	ssyncadd.s32 @!p0 s1  }
0x2a1: {  	[bflag:$0x3] =	sbarrier.arrive $0xFFFF  }
0x2a2: {  	_ =	shalt  }

</sc_bundles>
